<compile_context>
chip_gen: v7x
topology: tpu7x:2x2x1
jax: 0.10.2.dev20260603
libtpu: 0.0.44.dev20260713+nightly
codegen_flags: <defaults>
</compile_context>

<pallas_src>
import functools

import jax
import jax.numpy as jnp
from jax import lax
from jax.experimental import pallas as pl
from jax.experimental.pallas import tpu as pltpu
from jax.experimental.pallas import tpu_sc as plsc

_N = 10000
_E = 320000
_D = 128
_NP = 10240
_NW = 32
_CHUNK = 128
_CPT = 79
_CPT_H = 80
_WCH = 16
_NWIN = 5

_mesh = plsc.VectorSubcoreMesh(core_axis_name="c", subcore_axis_name="s")


@functools.partial(
    pl.kernel,
    mesh=_mesh,
    out_type=jax.ShapeDtypeStruct((2, _NP, _D), jnp.float32),
    scratch_types=[
        pltpu.VMEM((_CPT_H, _CHUNK), jnp.int32),
        pltpu.VMEM((_CHUNK, _D), jnp.float32),
        pltpu.VMEM((64, _D), jnp.float32),
        pltpu.VMEM_SHARED((_NP, _D), jnp.float32),
        pltpu.SemaphoreType.DMA,
    ],
)
def _deg_kernel(dst_hbm, ones_hbm, out_hbm, idx_v, one_v, zer_v, acc_s,
                ssem):
    cid = lax.axis_index("c")
    sid = lax.axis_index("s")
    wid = sid * 2 + cid
    pltpu.sync_copy(dst_hbm.at[wid], idx_v)
    pltpu.sync_copy(ones_hbm, one_v)

    def _zero_buf(i, carry):
        zer_v[i // 8, pl.ds((i % 8) * 16, 16)] = jnp.zeros((16,), jnp.float32)
        return carry

    lax.fori_loop(0, 64 * 8, _zero_buf, 0)

    rows_per_sub = _NP // 16
    base = sid * rows_per_sub

    def _zero_acc(k, carry):
        pltpu.sync_copy(zer_v, acc_s.at[pl.ds(base + k * 64, 64)])
        return carry

    lax.fori_loop(0, rows_per_sub // 64, _zero_acc, 0)
    plsc.subcore_barrier()

    def _edges(g, carry):
        for k in range(8):
            @pl.when(8 * g + k < _CPT)
            def _():
                pltpu.async_copy(one_v, acc_s.at[idx_v.at[8 * g + k]],
                                 ssem, add=True)
        for k in range(8):
            @pl.when(8 * g + k < _CPT)
            def _():
                pltpu.make_async_copy(one_v, acc_s.at[pl.ds(0, _CHUNK)],
                                      ssem).wait()
        return carry

    lax.fori_loop(0, (_CPT + 7) // 8, _edges, 0)
    plsc.subcore_barrier()
    pltpu.sync_copy(acc_s.at[pl.ds(base, rows_per_sub)],
                    out_hbm.at[cid, pl.ds(base, rows_per_sub)])


@functools.partial(
    pl.kernel,
    mesh=_mesh,
    out_type=jax.ShapeDtypeStruct((2, _NP, _D), jnp.float32),
    scratch_types=[
        pltpu.VMEM((2, _WCH, _CHUNK), jnp.int32),
        pltpu.VMEM((2, _WCH, _CHUNK), jnp.int32),
        pltpu.VMEM((2, _CHUNK, _D), jnp.float32),
        pltpu.VMEM((32, _D), jnp.float32),
        pltpu.VMEM_SHARED((_NP, _D), jnp.float32),
        pltpu.SemaphoreType.DMA,
        pltpu.SemaphoreType.DMA,
        pltpu.SemaphoreType.DMA,
    ],
)
def _edge_sum_kernel(z_hbm, src_hbm, dst_hbm, out_hbm,
                     srcw, dstw, rows_v, zer_v, acc_s, gsem0, gsem1, isem):
    cid = lax.axis_index("c")
    sid = lax.axis_index("s")
    wid = sid * 2 + cid

    def _zero_buf(i, carry):
        zer_v[i // 8, pl.ds((i % 8) * 16, 16)] = jnp.zeros((16,), jnp.float32)
        return carry

    lax.fori_loop(0, 32 * 8, _zero_buf, 0)

    rows_per_sub = _NP // 16
    base = sid * rows_per_sub

    def _zero_acc(k, carry):
        pltpu.sync_copy(zer_v, acc_s.at[pl.ds(base + k * 32, 32)])
        return carry

    lax.fori_loop(0, rows_per_sub // 32, _zero_acc, 0)

    pltpu.sync_copy(src_hbm.at[wid, pl.ds(0, _WCH)], srcw.at[0])
    pltpu.sync_copy(dst_hbm.at[wid, pl.ds(0, _WCH)], dstw.at[0])
    plsc.subcore_barrier()

    pltpu.async_copy(z_hbm.at[srcw.at[0, 0]], rows_v.at[0], gsem0)

    def _win_src(w):
        return src_hbm.at[wid, pl.ds(w * _WCH, _WCH)]

    def _win_dst(w):
        return dst_hbm.at[wid, pl.ds(w * _WCH, _WCH)]

    def _pipe(g, carry):
        j0 = 2 * g
        w = j0 // _WCH
        h = lax.rem(w, 2)
        s0 = j0 - w * _WCH
        gpos = lax.rem(g, _WCH // 2)

        @pl.when((gpos == 0) & (w < _NWIN - 1))
        def _():
            pltpu.async_copy(_win_src(w + 1), srcw.at[1 - h], isem)
            pltpu.async_copy(_win_dst(w + 1), dstw.at[1 - h], isem)

        pltpu.async_copy(z_hbm.at[srcw.at[h, s0 + 1]], rows_v.at[1],
                         gsem1)
        pltpu.make_async_copy(z_hbm.at[srcw.at[h, s0]], rows_v.at[0],
                              gsem0).wait()
        pltpu.sync_copy(rows_v.at[0], acc_s.at[dstw.at[h, s0]], add=True)

        @pl.when(gpos == (_WCH // 2) - 1)
        def _():
            pltpu.make_async_copy(_win_src(w + 1), srcw.at[1 - h],
                                  isem).wait()
            pltpu.make_async_copy(_win_dst(w + 1), dstw.at[1 - h],
                                  isem).wait()

        j2 = j0 + 2
        w2 = j2 // _WCH
        pltpu.async_copy(
            z_hbm.at[srcw.at[lax.rem(w2, 2), j2 - w2 * _WCH]],
            rows_v.at[0], gsem0)
        pltpu.make_async_copy(z_hbm.at[srcw.at[h, s0 + 1]], rows_v.at[1],
                              gsem1).wait()
        pltpu.sync_copy(rows_v.at[1], acc_s.at[dstw.at[h, s0 + 1]],
                        add=True)
        return carry

    lax.fori_loop(0, _CPT // 2, _pipe, 0)
    lastw = (_CPT - 1) // _WCH
    pltpu.make_async_copy(
        z_hbm.at[srcw.at[lastw % 2, (_CPT - 1) - lastw * _WCH]],
        rows_v.at[0], gsem0).wait()
    pltpu.sync_copy(rows_v.at[0],
                    acc_s.at[dstw.at[lastw % 2, (_CPT - 1) - lastw * _WCH]],
                    add=True)
    plsc.subcore_barrier()
    pltpu.sync_copy(acc_s.at[pl.ds(base, rows_per_sub)],
                    out_hbm.at[cid, pl.ds(base, rows_per_sub)])


_BM = 256
_GRID = _NP // _BM


def _k0_body(x_ref, we_ref, be_ref, w1_ref, xw_ref):
    h = jnp.dot(x_ref[...], we_ref[...],
                preferred_element_type=jnp.float32) + be_ref[...]
    xw_ref[...] = jnp.dot(h, w1_ref[...],
                          preferred_element_type=jnp.float32)


def _k1_body(xw_ref, degp_ref, z_ref, y_ref):
    deg = (degp_ref[0, :, 0:1] + degp_ref[1, :, 0:1]) + 1.0
    yv = lax.rsqrt(deg)
    z_ref[...] = yv * xw_ref[...]
    y_ref[...] = yv


def _k2_body(accp_ref, z1_ref, y_ref, b1_ref, w2_ref, z2_ref):
    yv = y_ref[...]
    acc = accp_ref[0] + accp_ref[1] + z1_ref[...]
    h = jnp.maximum(yv * acc + b1_ref[...], 0.0)
    z2_ref[...] = yv * jnp.dot(h, w2_ref[...],
                               preferred_element_type=jnp.float32)


def _k3_body(accp_ref, z2_ref, y_ref, b2_ref, wd_ref, bd_ref, o_ref):
    yv = y_ref[...]
    acc = accp_ref[0] + accp_ref[1] + z2_ref[...]
    h = jnp.maximum(yv * acc + b2_ref[...], 0.0)
    logits = jnp.dot(h, wd_ref[...],
                     preferred_element_type=jnp.float32) + bd_ref[...]
    m = jnp.max(logits, axis=1, keepdims=True)
    lse = jnp.log(jnp.sum(jnp.exp(logits - m), axis=1, keepdims=True)) + m
    o_ref[...] = logits - lse


def _row_spec(width):
    return pl.BlockSpec((_BM, width), lambda i: (i, 0))


_full_w = pl.BlockSpec((_D, _D), lambda i: (0, 0))
_full_b = pl.BlockSpec((1, _D), lambda i: (0, 0))

_k0 = pl.pallas_call(
    _k0_body,
    grid=(_GRID,),
    in_specs=[_row_spec(_D), _full_w, _full_b, _full_w],
    out_specs=_row_spec(_D),
    out_shape=jax.ShapeDtypeStruct((_NP, _D), jnp.float32),
)

_k1 = pl.pallas_call(
    _k1_body,
    grid=(_GRID,),
    in_specs=[
        _row_spec(_D),
        pl.BlockSpec((2, _BM, _D), lambda i: (0, i, 0)),
    ],
    out_specs=(_row_spec(_D), _row_spec(1)),
    out_shape=(
        jax.ShapeDtypeStruct((_NP, _D), jnp.float32),
        jax.ShapeDtypeStruct((_NP, 1), jnp.float32),
    ),
)

_k2 = pl.pallas_call(
    _k2_body,
    grid=(_GRID,),
    in_specs=[
        pl.BlockSpec((2, _BM, _D), lambda i: (0, i, 0)),
        _row_spec(_D), _row_spec(1), _full_b, _full_w,
    ],
    out_specs=_row_spec(_D),
    out_shape=jax.ShapeDtypeStruct((_NP, _D), jnp.float32),
)

_k3 = pl.pallas_call(
    _k3_body,
    grid=(_GRID,),
    in_specs=[
        pl.BlockSpec((2, _BM, _D), lambda i: (0, i, 0)),
        _row_spec(_D), _row_spec(1), _full_b, _full_w, _full_b,
    ],
    out_specs=_row_spec(_D),
    out_shape=jax.ShapeDtypeStruct((_NP, _D), jnp.float32),
)


def kernel(X, edge_index, W_enc, b_enc, W_gcn1, b_gcn1, W_gcn2, b_gcn2,
           W_dec, b_dec):
    Xp = jnp.pad(X, ((0, _NP - _N), (0, 0)))
    fill = jnp.full((_NW * _CPT * _CHUNK - _E,), _NP - 1, jnp.int32)
    pad_chunk = jnp.full((_NW, 1, _CHUNK), _NP - 1, jnp.int32)

    def _chunked(idx):
        body = jnp.concatenate([idx, fill]).reshape(_NW, _CPT, _CHUNK)
        return jnp.concatenate([body, pad_chunk], axis=1)

    srcs = _chunked(edge_index[0])
    dsts = _chunked(edge_index[1])

    ones_rows = jnp.ones((_CHUNK, _D), jnp.float32)
    deg_parts = _deg_kernel(dsts, ones_rows)
    xw1 = _k0(Xp, W_enc.T, b_enc.reshape(1, _D), W_gcn1.T)
    z1, y = _k1(xw1, deg_parts)
    acc1 = _edge_sum_kernel(z1, srcs, dsts)
    z2 = _k2(acc1, z1, y, b_gcn1.reshape(1, _D), W_gcn2.T)
    acc2 = _edge_sum_kernel(z2, srcs, dsts)
    out = _k3(acc2, z2, y, b_gcn2.reshape(1, _D), W_dec.T, b_dec.reshape(1, _D))
    return out[:_N]

# --- scband reference (transcript-rebuilt; emitter-appended) ---
"""Pipeline reference for scband-gcn-61091614819158 (READ-ONLY COPY).

The authoritative reference and input builder live on the scoring server;
editing this copy changes nothing except your own understanding.
"""

import jax, jax.numpy as jnp
import numpy as np

N = 10000
E = 320000
D = 128


def setup_inputs(seed: int = 0) -> dict:
    key = jax.random.key(seed)
    ks = jax.random.split(key, 12)
    X = jax.random.normal(ks[0], (N, D), dtype=jnp.float32)
    edge_index = jax.random.randint(ks[1], (2, E), 0, N, dtype=jnp.int32)
    s = 1.0 / np.sqrt(D)
    W_enc = jax.random.normal(ks[2], (D, D), dtype=jnp.float32) * s
    b_enc = jnp.zeros((D,), dtype=jnp.float32)
    W_gcn1 = jax.random.normal(ks[3], (D, D), dtype=jnp.float32) * s
    b_gcn1 = jnp.zeros((D,), dtype=jnp.float32)
    W_gcn2 = jax.random.normal(ks[4], (D, D), dtype=jnp.float32) * s
    b_gcn2 = jnp.zeros((D,), dtype=jnp.float32)
    W_dec = jax.random.normal(ks[5], (D, D), dtype=jnp.float32) * s
    b_dec = jnp.zeros((D,), dtype=jnp.float32)
    return {"X": X, "edge_index": edge_index, "W_enc": W_enc, "b_enc": b_enc,
            "W_gcn1": W_gcn1, "b_gcn1": b_gcn1, "W_gcn2": W_gcn2, "b_gcn2": b_gcn2,
            "W_dec": W_dec, "b_dec": b_dec}


def _gcn_conv(x, edge_index, W, b, n_nodes):
    # PyG GCNConv: linear (no bias), add self-loops, symmetric normalization, scatter-add, + bias
    src = edge_index[0]
    dst = edge_index[1]
    loop = jnp.arange(n_nodes, dtype=src.dtype)
    src = jnp.concatenate([src, loop])
    dst = jnp.concatenate([dst, loop])
    deg = jnp.zeros((n_nodes,), dtype=x.dtype).at[dst].add(1.0)
    deg_inv_sqrt = jnp.where(deg > 0, deg ** -0.5, 0.0)
    norm = deg_inv_sqrt[src] * deg_inv_sqrt[dst]
    xw = x @ W.T
    msg = xw[src] * norm[:, None]
    out = jnp.zeros_like(xw).at[dst].add(msg)
    return out + b


def reference(X, edge_index, W_enc, b_enc, W_gcn1, b_gcn1, W_gcn2, b_gcn2, W_dec, b_dec):
    h = X @ W_enc.T + b_enc  # encoder (single Linear)
    h = _gcn_conv(h, edge_index, W_gcn1, b_gcn1, N)
    h = jax.nn.relu(h)
    h = _gcn_conv(h, edge_index, W_gcn2, b_gcn2, N)
    h = jax.nn.relu(h)
    h = h @ W_dec.T + b_dec  # decoder (single Linear)
    return jax.nn.log_softmax(h, axis=1)

if __name__ == "__main__":
    import jax
    _d = setup_inputs()
    print(jax.jit(kernel)(*tuple(_d.values())))

</pallas_src>

<mosaic_0001>
#map = affine_map<(d0, d1) -> (0, 0, 0)>
#map1 = affine_map<(d0, d1) -> (0, 0)>
module attributes {stable_mosaic.version = 14 : i64} {
  func.func @_deg_kernel(%arg0: i32, %arg1: i32, %arg2: memref<32x80x128xi32, #tpu.memory_space<hbm>>, %arg3: memref<128x128xf32, #tpu.memory_space<hbm>>, %arg4: memref<2x10240x128xf32, #tpu.memory_space<hbm>>, %arg5: memref<80x128xi32, #tpu.memory_space<vmem>>, %arg6: memref<128x128xf32, #tpu.memory_space<vmem>>, %arg7: memref<64x128xf32, #tpu.memory_space<vmem>>, %arg8: memref<10240x128xf32, #tpu.memory_space<vmem_shared>>, %arg9: memref<!tpu.dma_semaphore, #tpu.memory_space<semaphore_mem>>) attributes {dimension_semantics = [#tpu.dimension_semantics<core_parallel>, #tpu.dimension_semantics<subcore_parallel>], iteration_bounds = array<i64: 2, 16>, scalar_prefetch = 0 : i64, scratch_operands = 5 : i64, tpu.core_type = #tpu.core_type<sc_vector_subcore>, window_params = [{transform_indices = #map}, {transform_indices = #map1}, {transform_indices = #map}]} {
    %mul3A = arith.constant 2 : i32
    %mul3A_0 = arith.muli %arg1, %mul3A : i32
    %add3A = arith.addi %mul3A_0, %arg0 : i32
    "tpu.region"() ({
      %run_scoped3A = tpu.sem_alloc : memref<!tpu.dma_semaphore, #tpu.memory_space<semaphore_mem>>
      %dma_start3A = arith.constant 0 : i32
      %dma_start3A_21 = arith.constant 0 : i32
      %dma_start3A_22 = tpu.memref_slice %arg2[%add3A, %dma_start3A, %dma_start3A_21] : memref<32x80x128xi32, #tpu.memory_space<hbm>> -> memref<1x80x128xi32, #tpu.memory_space<hbm>>
      %dma_start3A_23 = tpu.memref_squeeze %dma_start3A_22 : memref<1x80x128xi32, #tpu.memory_space<hbm>> -> memref<80x128xi32, #tpu.memory_space<hbm>>
      %dma_start3A_24 = arith.constant 0 : i32
      %dma_start3A_25 = arith.constant 0 : i32
      %dma_start3A_26 = tpu.memref_slice %arg2[%add3A, %dma_start3A_24, %dma_start3A_25] : memref<32x80x128xi32, #tpu.memory_space<hbm>> -> memref<1x80x128xi32, #tpu.memory_space<hbm>>
      %dma_start3A_27 = tpu.memref_squeeze %dma_start3A_26 : memref<1x80x128xi32, #tpu.memory_space<hbm>> -> memref<80x128xi32, #tpu.memory_space<hbm>>
      tpu.enqueue_dma source(%dma_start3A_27 : memref<80x128xi32, #tpu.memory_space<hbm>>) target(%arg5 : memref<80x128xi32, #tpu.memory_space<vmem>>) target_semaphore(%run_scoped3A : memref<!tpu.dma_semaphore, #tpu.memory_space<semaphore_mem>>)
      %dma_wait3A = arith.constant 0 : i32
      %dma_wait3A_28 = arith.constant 0 : i32
      %dma_wait3A_29 = tpu.memref_slice %arg2[%add3A, %dma_wait3A, %dma_wait3A_28] : memref<32x80x128xi32, #tpu.memory_space<hbm>> -> memref<1x80x128xi32, #tpu.memory_space<hbm>>
      %dma_wait3A_30 = tpu.memref_squeeze %dma_wait3A_29 : memref<1x80x128xi32, #tpu.memory_space<hbm>> -> memref<80x128xi32, #tpu.memory_space<hbm>>
      %dma_wait3A_31 = arith.constant 0 : i32
      %dma_wait3A_32 = arith.constant 0 : i32
      %dma_wait3A_33 = tpu.memref_slice %arg2[%add3A, %dma_wait3A_31, %dma_wait3A_32] : memref<32x80x128xi32, #tpu.memory_space<hbm>> -> memref<1x80x128xi32, #tpu.memory_space<hbm>>
      %dma_wait3A_34 = tpu.memref_squeeze %dma_wait3A_33 : memref<1x80x128xi32, #tpu.memory_space<hbm>> -> memref<80x128xi32, #tpu.memory_space<hbm>>
      tpu.wait_dma2 semaphore(%run_scoped3A : memref<!tpu.dma_semaphore, #tpu.memory_space<semaphore_mem>>) src(%dma_wait3A_34 : memref<80x128xi32, #tpu.memory_space<hbm>>) dst(%arg5 : memref<80x128xi32, #tpu.memory_space<vmem>>)
      tpu.yield
    }) : () -> ()
    "tpu.region"() ({
      %run_scoped3A = tpu.sem_alloc : memref<!tpu.dma_semaphore, #tpu.memory_space<semaphore_mem>>
      tpu.enqueue_dma source(%arg3 : memref<128x128xf32, #tpu.memory_space<hbm>>) target(%arg6 : memref<128x128xf32, #tpu.memory_space<vmem>>) target_semaphore(%run_scoped3A : memref<!tpu.dma_semaphore, #tpu.memory_space<semaphore_mem>>)
      tpu.wait_dma2 semaphore(%run_scoped3A : memref<!tpu.dma_semaphore, #tpu.memory_space<semaphore_mem>>) src(%arg3 : memref<128x128xf32, #tpu.memory_space<hbm>>) dst(%arg6 : memref<128x128xf32, #tpu.memory_space<vmem>>)
      tpu.yield
    }) : () -> ()
    %scan3A = arith.constant 0 : i32
    %scan3A_1 = arith.constant 0 : i32
    %scan3A_2 = arith.constant 512 : i32
    %scan3A_3 = arith.addi %scan3A_1, %scan3A_2 : i32
    %scan3A_4 = arith.constant 1 : i32
    scf.for %scan3A_21 = %scan3A_1 to %scan3A_3 step %scan3A_4  : i32 {
      %broadcast_in_dim3A = arith.constant 0.000000e+00 : f32
      %broadcast_in_dim3A_22 = vector.broadcast %broadcast_in_dim3A : f32 to vector<16xf32>
      %jit3A = arith.constant 8 : i32
      %div3A = arith.divsi %scan3A_21, %jit3A : i32
      %sign3A = arith.constant 0 : i32
      %sign3A_23 = arith.cmpi sgt, %scan3A_21, %sign3A : i32
      %sign3A_24 = arith.extui %sign3A_23 : i1 to i32
      %sign3A_25 = arith.constant 0 : i32
      %sign3A_26 = arith.cmpi slt, %scan3A_21, %sign3A_25 : i32
      %sign3A_27 = arith.extui %sign3A_26 : i1 to i32
      %sign3A_28 = arith.subi %sign3A_24, %sign3A_27 : i32
      %sign3A_29 = arith.constant 0 : i32
      %sign3A_30 = arith.cmpi sgt, %jit3A, %sign3A_29 : i32
      %sign3A_31 = arith.extui %sign3A_30 : i1 to i32
      %sign3A_32 = arith.constant 0 : i32
      %sign3A_33 = arith.cmpi slt, %jit3A, %sign3A_32 : i32
      %sign3A_34 = arith.extui %sign3A_33 : i1 to i32
      %sign3A_35 = arith.subi %sign3A_31, %sign3A_34 : i32
      %ne3A = arith.cmpi ne, %sign3A_28, %sign3A_35 : i32
      %rem3A = arith.remsi %scan3A_21, %jit3A : i32
      %ne3A_36 = arith.constant 0 : i32
      %ne3A_37 = arith.cmpi ne, %rem3A, %ne3A_36 : i32
      %and3A = arith.andi %ne3A, %ne3A_37 : i1
      %sub3A = arith.constant 1 : i32
      %sub3A_38 = arith.subi %div3A, %sub3A : i32
      %select_n3A = arith.select %and3A, %sub3A_38, %div3A : i32
      %jit3A_39 = arith.constant 8 : i32
      %eq3A = arith.constant 0 : i32
      %eq3A_40 = arith.cmpi eq, %jit3A_39, %eq3A : i32
      %jit3A_41 = arith.constant 1 : i32
      %select_n3A_42 = arith.select %eq3A_40, %jit3A_41, %jit3A_39 : i32
      %rem3A_43 = arith.remsi %scan3A_21, %select_n3A_42 : i32
      %ne3A_44 = arith.constant 0 : i32
      %ne3A_45 = arith.cmpi ne, %rem3A_43, %ne3A_44 : i32
      %lt3A = arith.constant 0 : i32
      %lt3A_46 = arith.cmpi slt, %rem3A_43, %lt3A : i32
      %lt3A_47 = arith.constant 0 : i32
      %lt3A_48 = arith.cmpi slt, %select_n3A_42, %lt3A_47 : i32
      %ne3A_49 = arith.xori %lt3A_46, %lt3A_48 : i1
      %and3A_50 = arith.andi %ne3A_49, %ne3A_45 : i1
      %add3A_51 = arith.addi %rem3A_43, %select_n3A_42 : i32
      %select_n3A_52 = arith.select %and3A_50, %add3A_51, %rem3A_43 : i32
      %mul3A_53 = arith.constant 16 : i32
      %mul3A_54 = arith.muli %select_n3A_52, %mul3A_53 : i32
      %swap3A = arith.index_cast %select_n3A : i32 to index
      %swap3A_55 = arith.index_cast %mul3A_54 : i32 to index
      %swap3A_56 = tpu.vector_load %arg7[%swap3A, %swap3A_55] {strides = array<i32>} : memref<64x128xf32, #tpu.memory_space<vmem>>, vector<1x16xf32>,
      %swap3A_57 = vector.shape_cast %swap3A_56 : vector<1x16xf32> to vector<16xf32>
      %swap3A_58 = vector.shape_cast %broadcast_in_dim3A_22 : vector<16xf32> to vector<1x16xf32>
      tpu.vector_store %arg7[%swap3A, %swap3A_55], %swap3A_58 {strides = array<i32>} : memref<64x128xf32, #tpu.memory_space<vmem>>, vector<1x16xf32>,
    }
    %scan3A_5 = arith.constant 512 : i32
    %mul3A_6 = arith.constant 640 : i32
    %mul3A_7 = arith.muli %arg1, %mul3A_6 : i32
    %scan3A_8 = arith.constant 0 : i32
    %scan3A_9 = arith.constant 0 : i32
    %scan3A_10 = arith.constant 10 : i32
    %scan3A_11 = arith.addi %scan3A_9, %scan3A_10 : i32
    %scan3A_12 = arith.constant 1 : i32
    scf.for %scan3A_21 = %scan3A_9 to %scan3A_11 step %scan3A_12  : i32 {
      %mul3A_22 = arith.constant 64 : i32
      %mul3A_23 = arith.muli %scan3A_21, %mul3A_22 : i32
      %add3A_24 = arith.addi %mul3A_7, %mul3A_23 : i32
      "tpu.region"() ({
        %run_scoped3A = tpu.sem_alloc : memref<!tpu.dma_semaphore, #tpu.memory_space<semaphore_mem>>
        %dma_start3A = arith.constant 0 : i32
        %dma_start3A_25 = tpu.memref_slice %arg8[%add3A_24, %dma_start3A] : memref<10240x128xf32, #tpu.memory_space<vmem_shared>> -> memref<64x128xf32, #tpu.memory_space<vmem_shared>>
        %dma_start3A_26 = arith.constant 0 : i32
        %dma_start3A_27 = tpu.memref_slice %arg8[%add3A_24, %dma_start3A_26] : memref<10240x128xf32, #tpu.memory_space<vmem_shared>> -> memref<64x128xf32, #tpu.memory_space<vmem_shared>>
        tpu.enqueue_dma source(%arg7 : memref<64x128xf32, #tpu.memory_space<vmem>>) target(%dma_start3A_27 : memref<64x128xf32, #tpu.memory_space<vmem_shared>>) target_semaphore(%run_scoped3A : memref<!tpu.dma_semaphore, #tpu.memory_space<semaphore_mem>>)
        %dma_wait3A = arith.constant 0 : i32
        %dma_wait3A_28 = tpu.memref_slice %arg8[%add3A_24, %dma_wait3A] : memref<10240x128xf32, #tpu.memory_space<vmem_shared>> -> memref<64x128xf32, #tpu.memory_space<vmem_shared>>
        %dma_wait3A_29 = arith.constant 0 : i32
        %dma_wait3A_30 = tpu.memref_slice %arg8[%add3A_24, %dma_wait3A_29] : memref<10240x128xf32, #tpu.memory_space<vmem_shared>> -> memref<64x128xf32, #tpu.memory_space<vmem_shared>>
        tpu.wait_dma2 semaphore(%run_scoped3A : memref<!tpu.dma_semaphore, #tpu.memory_space<semaphore_mem>>) src(%arg7 : memref<64x128xf32, #tpu.memory_space<vmem>>) dst(%dma_wait3A_30 : memref<64x128xf32, #tpu.memory_space<vmem_shared>>)
        tpu.yield
      }) : () -> ()
    }
    %scan3A_13 = arith.constant 10 : i32
    %barrier3A = arith.constant 0 : index
    tpu.barrier barrier_id(%barrier3A)
    %scan3A_14 = arith.constant 0 : i32
    %scan3A_15 = arith.constant 0 : i32
    %scan3A_16 = arith.constant 10 : i32
    %scan3A_17 = arith.addi %scan3A_15, %scan3A_16 : i32
    %scan3A_18 = arith.constant 1 : i32
    scf.for %scan3A_21 = %scan3A_15 to %scan3A_17 step %scan3A_18  : i32 {
      %mul3A_22 = arith.constant 8 : i32
      %mul3A_23 = arith.muli %mul3A_22, %scan3A_21 : i32
      %add3A_24 = arith.constant 0 : i32
      %add3A_25 = arith.addi %mul3A_23, %add3A_24 : i32
      %lt3A = arith.constant 79 : i32
      %lt3A_26 = arith.cmpi slt, %add3A_25, %lt3A : i32
      %convert_element_type3A = arith.extui %lt3A_26 : i1 to i32
      %cond3A = arith.constant 0 : i32
      %cond3A_27 = arith.cmpi ne, %convert_element_type3A, %cond3A : i32
      scf.if %cond3A_27 {
        %mul3A_163 = arith.constant 8 : i32
        %mul3A_164 = arith.muli %mul3A_163, %scan3A_21 : i32
        %add3A_165 = arith.constant 0 : i32
        %add3A_166 = arith.addi %mul3A_164, %add3A_165 : i32
        %dma_start3A = arith.constant 0 : i32
        %dma_start3A_167 = tpu.memref_slice %arg5[%add3A_166, %dma_start3A] : memref<80x128xi32, #tpu.memory_space<vmem>> -> memref<1x128xi32, #tpu.memory_space<vmem>>
        %dma_start3A_168 = tpu.memref_squeeze %dma_start3A_167 : memref<1x128xi32, #tpu.memory_space<vmem>> -> memref<128xi32, #tpu.memory_space<vmem>>
        %dma_start3A_169 = arith.constant 0 : i32
        %dma_start3A_170 = arith.constant 0 : i32
        %dma_start3A_171 = tpu.memref_slice %arg8[%dma_start3A_169, %dma_start3A_170] : memref<10240x128xf32, #tpu.memory_space<vmem_shared>> -> memref<10240x128xf32, #tpu.memory_space<vmem_shared>>
        tpu.enqueue_indirect_dma source(%arg6 : memref<128x128xf32, #tpu.memory_space<vmem>>) target(%dma_start3A_171 : memref<10240x128xf32, #tpu.memory_space<vmem_shared>>) offsets(%dma_start3A_168 : memref<128xi32, #tpu.memory_space<vmem>>) semaphore(%arg9 : memref<!tpu.dma_semaphore, #tpu.memory_space<semaphore_mem>>) {add = true}
      } else {
      }
      %mul3A_28 = arith.constant 8 : i32
      %mul3A_29 = arith.muli %mul3A_28, %scan3A_21 : i32
      %add3A_30 = arith.constant 1 : i32
      %add3A_31 = arith.addi %mul3A_29, %add3A_30 : i32
      %lt3A_32 = arith.constant 79 : i32
      %lt3A_33 = arith.cmpi slt, %add3A_31, %lt3A_32 : i32
      %convert_element_type3A_34 = arith.extui %lt3A_33 : i1 to i32
      %cond3A_35 = arith.constant 0 : i32
      %cond3A_36 = arith.cmpi ne, %convert_element_type3A_34, %cond3A_35 : i32
      scf.if %cond3A_36 {
        %mul3A_163 = arith.constant 8 : i32
        %mul3A_164 = arith.muli %mul3A_163, %scan3A_21 : i32
        %add3A_165 = arith.constant 1 : i32
        %add3A_166 = arith.addi %mul3A_164, %add3A_165 : i32
        %dma_start3A = arith.constant 0 : i32
        %dma_start3A_167 = tpu.memref_slice %arg5[%add3A_166, %dma_start3A] : memref<80x128xi32, #tpu.memory_space<vmem>> -> memref<1x128xi32, #tpu.memory_space<vmem>>
        %dma_start3A_168 = tpu.memref_squeeze %dma_start3A_167 : memref<1x128xi32, #tpu.memory_space<vmem>> -> memref<128xi32, #tpu.memory_space<vmem>>
        %dma_start3A_169 = arith.constant 0 : i32
        %dma_start3A_170 = arith.constant 0 : i32
        %dma_start3A_171 = tpu.memref_slice %arg8[%dma_start3A_169, %dma_start3A_170] : memref<10240x128xf32, #tpu.memory_space<vmem_shared>> -> memref<10240x128xf32, #tpu.memory_space<vmem_shared>>
        tpu.enqueue_indirect_dma source(%arg6 : memref<128x128xf32, #tpu.memory_space<vmem>>) target(%dma_start3A_171 : memref<10240x128xf32, #tpu.memory_space<vmem_shared>>) offsets(%dma_start3A_168 : memref<128xi32, #tpu.memory_space<vmem>>) semaphore(%arg9 : memref<!tpu.dma_semaphore, #tpu.memory_space<semaphore_mem>>) {add = true}
      } else {
      }
      %mul3A_37 = arith.constant 8 : i32
      %mul3A_38 = arith.muli %mul3A_37, %scan3A_21 : i32
      %add3A_39 = arith.constant 2 : i32
      %add3A_40 = arith.addi %mul3A_38, %add3A_39 : i32
      %lt3A_41 = arith.constant 79 : i32
      %lt3A_42 = arith.cmpi slt, %add3A_40, %lt3A_41 : i32
      %convert_element_type3A_43 = arith.extui %lt3A_42 : i1 to i32
      %cond3A_44 = arith.constant 0 : i32
      %cond3A_45 = arith.cmpi ne, %convert_element_type3A_43, %cond3A_44 : i32
      scf.if %cond3A_45 {
        %mul3A_163 = arith.constant 8 : i32
        %mul3A_164 = arith.muli %mul3A_163, %scan3A_21 : i32
        %add3A_165 = arith.constant 2 : i32
        %add3A_166 = arith.addi %mul3A_164, %add3A_165 : i32
        %dma_start3A = arith.constant 0 : i32
        %dma_start3A_167 = tpu.memref_slice %arg5[%add3A_166, %dma_start3A] : memref<80x128xi32, #tpu.memory_space<vmem>> -> memref<1x128xi32, #tpu.memory_space<vmem>>
        %dma_start3A_168 = tpu.memref_squeeze %dma_start3A_167 : memref<1x128xi32, #tpu.memory_space<vmem>> -> memref<128xi32, #tpu.memory_space<vmem>>
        %dma_start3A_169 = arith.constant 0 : i32
        %dma_start3A_170 = arith.constant 0 : i32
        %dma_start3A_171 = tpu.memref_slice %arg8[%dma_start3A_169, %dma_start3A_170] : memref<10240x128xf32, #tpu.memory_space<vmem_shared>> -> memref<10240x128xf32, #tpu.memory_space<vmem_shared>>
        tpu.enqueue_indirect_dma source(%arg6 : memref<128x128xf32, #tpu.memory_space<vmem>>) target(%dma_start3A_171 : memref<10240x128xf32, #tpu.memory_space<vmem_shared>>) offsets(%dma_start3A_168 : memref<128xi32, #tpu.memory_space<vmem>>) semaphore(%arg9 : memref<!tpu.dma_semaphore, #tpu.memory_space<semaphore_mem>>) {add = true}
      } else {
      }
      %mul3A_46 = arith.constant 8 : i32
      %mul3A_47 = arith.muli %mul3A_46, %scan3A_21 : i32
      %add3A_48 = arith.constant 3 : i32
      %add3A_49 = arith.addi %mul3A_47, %add3A_48 : i32
      %lt3A_50 = arith.constant 79 : i32
      %lt3A_51 = arith.cmpi slt, %add3A_49, %lt3A_50 : i32
      %convert_element_type3A_52 = arith.extui %lt3A_51 : i1 to i32
      %cond3A_53 = arith.constant 0 : i32
      %cond3A_54 = arith.cmpi ne, %convert_element_type3A_52, %cond3A_53 : i32
      scf.if %cond3A_54 {
        %mul3A_163 = arith.constant 8 : i32
        %mul3A_164 = arith.muli %mul3A_163, %scan3A_21 : i32
        %add3A_165 = arith.constant 3 : i32
        %add3A_166 = arith.addi %mul3A_164, %add3A_165 : i32
        %dma_start3A = arith.constant 0 : i32
        %dma_start3A_167 = tpu.memref_slice %arg5[%add3A_166, %dma_start3A] : memref<80x128xi32, #tpu.memory_space<vmem>> -> memref<1x128xi32, #tpu.memory_space<vmem>>
        %dma_start3A_168 = tpu.memref_squeeze %dma_start3A_167 : memref<1x128xi32, #tpu.memory_space<vmem>> -> memref<128xi32, #tpu.memory_space<vmem>>
        %dma_start3A_169 = arith.constant 0 : i32
        %dma_start3A_170 = arith.constant 0 : i32
        %dma_start3A_171 = tpu.memref_slice %arg8[%dma_start3A_169, %dma_start3A_170] : memref<10240x128xf32, #tpu.memory_space<vmem_shared>> -> memref<10240x128xf32, #tpu.memory_space<vmem_shared>>
        tpu.enqueue_indirect_dma source(%arg6 : memref<128x128xf32, #tpu.memory_space<vmem>>) target(%dma_start3A_171 : memref<10240x128xf32, #tpu.memory_space<vmem_shared>>) offsets(%dma_start3A_168 : memref<128xi32, #tpu.memory_space<vmem>>) semaphore(%arg9 : memref<!tpu.dma_semaphore, #tpu.memory_space<semaphore_mem>>) {add = true}
      } else {
      }
      %mul3A_55 = arith.constant 8 : i32
      %mul3A_56 = arith.muli %mul3A_55, %scan3A_21 : i32
      %add3A_57 = arith.constant 4 : i32
      %add3A_58 = arith.addi %mul3A_56, %add3A_57 : i32
      %lt3A_59 = arith.constant 79 : i32
      %lt3A_60 = arith.cmpi slt, %add3A_58, %lt3A_59 : i32
      %convert_element_type3A_61 = arith.extui %lt3A_60 : i1 to i32
      %cond3A_62 = arith.constant 0 : i32
      %cond3A_63 = arith.cmpi ne, %convert_element_type3A_61, %cond3A_62 : i32
      scf.if %cond3A_63 {
        %mul3A_163 = arith.constant 8 : i32
        %mul3A_164 = arith.muli %mul3A_163, %scan3A_21 : i32
        %add3A_165 = arith.constant 4 : i32
        %add3A_166 = arith.addi %mul3A_164, %add3A_165 : i32
        %dma_start3A = arith.constant 0 : i32
        %dma_start3A_167 = tpu.memref_slice %arg5[%add3A_166, %dma_start3A] : memref<80x128xi32, #tpu.memory_space<vmem>> -> memref<1x128xi32, #tpu.memory_space<vmem>>
        %dma_start3A_168 = tpu.memref_squeeze %dma_start3A_167 : memref<1x128xi32, #tpu.memory_space<vmem>> -> memref<128xi32, #tpu.memory_space<vmem>>
        %dma_start3A_169 = arith.constant 0 : i32
        %dma_start3A_170 = arith.constant 0 : i32
        %dma_start3A_171 = tpu.memref_slice %arg8[%dma_start3A_169, %dma_start3A_170] : memref<10240x128xf32, #tpu.memory_space<vmem_shared>> -> memref<10240x128xf32, #tpu.memory_space<vmem_shared>>
        tpu.enqueue_indirect_dma source(%arg6 : memref<128x128xf32, #tpu.memory_space<vmem>>) target(%dma_start3A_171 : memref<10240x128xf32, #tpu.memory_space<vmem_shared>>) offsets(%dma_start3A_168 : memref<128xi32, #tpu.memory_space<vmem>>) semaphore(%arg9 : memref<!tpu.dma_semaphore, #tpu.memory_space<semaphore_mem>>) {add = true}
      } else {
      }
      %mul3A_64 = arith.constant 8 : i32
      %mul3A_65 = arith.muli %mul3A_64, %scan3A_21 : i32
      %add3A_66 = arith.constant 5 : i32
      %add3A_67 = arith.addi %mul3A_65, %add3A_66 : i32
      %lt3A_68 = arith.constant 79 : i32
      %lt3A_69 = arith.cmpi slt, %add3A_67, %lt3A_68 : i32
      %convert_element_type3A_70 = arith.extui %lt3A_69 : i1 to i32
      %cond3A_71 = arith.constant 0 : i32
      %cond3A_72 = arith.cmpi ne, %convert_element_type3A_70, %cond3A_71 : i32
      scf.if %cond3A_72 {
        %mul3A_163 = arith.constant 8 : i32
        %mul3A_164 = arith.muli %mul3A_163, %scan3A_21 : i32
        %add3A_165 = arith.constant 5 : i32
        %add3A_166 = arith.addi %mul3A_164, %add3A_165 : i32
        %dma_start3A = arith.constant 0 : i32
        %dma_start3A_167 = tpu.memref_slice %arg5[%add3A_166, %dma_start3A] : memref<80x128xi32, #tpu.memory_space<vmem>> -> memref<1x128xi32, #tpu.memory_space<vmem>>
        %dma_start3A_168 = tpu.memref_squeeze %dma_start3A_167 : memref<1x128xi32, #tpu.memory_space<vmem>> -> memref<128xi32, #tpu.memory_space<vmem>>
        %dma_start3A_169 = arith.constant 0 : i32
        %dma_start3A_170 = arith.constant 0 : i32
        %dma_start3A_171 = tpu.memref_slice %arg8[%dma_start3A_169, %dma_start3A_170] : memref<10240x128xf32, #tpu.memory_space<vmem_shared>> -> memref<10240x128xf32, #tpu.memory_space<vmem_shared>>
        tpu.enqueue_indirect_dma source(%arg6 : memref<128x128xf32, #tpu.memory_space<vmem>>) target(%dma_start3A_171 : memref<10240x128xf32, #tpu.memory_space<vmem_shared>>) offsets(%dma_start3A_168 : memref<128xi32, #tpu.memory_space<vmem>>) semaphore(%arg9 : memref<!tpu.dma_semaphore, #tpu.memory_space<semaphore_mem>>) {add = true}
      } else {
      }
      %mul3A_73 = arith.constant 8 : i32
      %mul3A_74 = arith.muli %mul3A_73, %scan3A_21 : i32
      %add3A_75 = arith.constant 6 : i32
      %add3A_76 = arith.addi %mul3A_74, %add3A_75 : i32
      %lt3A_77 = arith.constant 79 : i32
      %lt3A_78 = arith.cmpi slt, %add3A_76, %lt3A_77 : i32
      %convert_element_type3A_79 = arith.extui %lt3A_78 : i1 to i32
      %cond3A_80 = arith.constant 0 : i32
      %cond3A_81 = arith.cmpi ne, %convert_element_type3A_79, %cond3A_80 : i32
      scf.if %cond3A_81 {
        %mul3A_163 = arith.constant 8 : i32
        %mul3A_164 = arith.muli %mul3A_163, %scan3A_21 : i32
        %add3A_165 = arith.constant 6 : i32
        %add3A_166 = arith.addi %mul3A_164, %add3A_165 : i32
        %dma_start3A = arith.constant 0 : i32
        %dma_start3A_167 = tpu.memref_slice %arg5[%add3A_166, %dma_start3A] : memref<80x128xi32, #tpu.memory_space<vmem>> -> memref<1x128xi32, #tpu.memory_space<vmem>>
        %dma_start3A_168 = tpu.memref_squeeze %dma_start3A_167 : memref<1x128xi32, #tpu.memory_space<vmem>> -> memref<128xi32, #tpu.memory_space<vmem>>
        %dma_start3A_169 = arith.constant 0 : i32
        %dma_start3A_170 = arith.constant 0 : i32
        %dma_start3A_171 = tpu.memref_slice %arg8[%dma_start3A_169, %dma_start3A_170] : memref<10240x128xf32, #tpu.memory_space<vmem_shared>> -> memref<10240x128xf32, #tpu.memory_space<vmem_shared>>
        tpu.enqueue_indirect_dma source(%arg6 : memref<128x128xf32, #tpu.memory_space<vmem>>) target(%dma_start3A_171 : memref<10240x128xf32, #tpu.memory_space<vmem_shared>>) offsets(%dma_start3A_168 : memref<128xi32, #tpu.memory_space<vmem>>) semaphore(%arg9 : memref<!tpu.dma_semaphore, #tpu.memory_space<semaphore_mem>>) {add = true}
      } else {
      }
      %mul3A_82 = arith.constant 8 : i32
      %mul3A_83 = arith.muli %mul3A_82, %scan3A_21 : i32
      %add3A_84 = arith.constant 7 : i32
      %add3A_85 = arith.addi %mul3A_83, %add3A_84 : i32
      %lt3A_86 = arith.constant 79 : i32
      %lt3A_87 = arith.cmpi slt, %add3A_85, %lt3A_86 : i32
      %convert_element_type3A_88 = arith.extui %lt3A_87 : i1 to i32
      %cond3A_89 = arith.constant 0 : i32
      %cond3A_90 = arith.cmpi ne, %convert_element_type3A_88, %cond3A_89 : i32
      scf.if %cond3A_90 {
        %mul3A_163 = arith.constant 8 : i32
        %mul3A_164 = arith.muli %mul3A_163, %scan3A_21 : i32
        %add3A_165 = arith.constant 7 : i32
        %add3A_166 = arith.addi %mul3A_164, %add3A_165 : i32
        %dma_start3A = arith.constant 0 : i32
        %dma_start3A_167 = tpu.memref_slice %arg5[%add3A_166, %dma_start3A] : memref<80x128xi32, #tpu.memory_space<vmem>> -> memref<1x128xi32, #tpu.memory_space<vmem>>
        %dma_start3A_168 = tpu.memref_squeeze %dma_start3A_167 : memref<1x128xi32, #tpu.memory_space<vmem>> -> memref<128xi32, #tpu.memory_space<vmem>>
        %dma_start3A_169 = arith.constant 0 : i32
        %dma_start3A_170 = arith.constant 0 : i32
        %dma_start3A_171 = tpu.memref_slice %arg8[%dma_start3A_169, %dma_start3A_170] : memref<10240x128xf32, #tpu.memory_space<vmem_shared>> -> memref<10240x128xf32, #tpu.memory_space<vmem_shared>>
        tpu.enqueue_indirect_dma source(%arg6 : memref<128x128xf32, #tpu.memory_space<vmem>>) target(%dma_start3A_171 : memref<10240x128xf32, #tpu.memory_space<vmem_shared>>) offsets(%dma_start3A_168 : memref<128xi32, #tpu.memory_space<vmem>>) semaphore(%arg9 : memref<!tpu.dma_semaphore, #tpu.memory_space<semaphore_mem>>) {add = true}
      } else {
      }
      %mul3A_91 = arith.constant 8 : i32
      %mul3A_92 = arith.muli %mul3A_91, %scan3A_21 : i32
      %add3A_93 = arith.constant 0 : i32
      %add3A_94 = arith.addi %mul3A_92, %add3A_93 : i32
      %lt3A_95 = arith.constant 79 : i32
      %lt3A_96 = arith.cmpi slt, %add3A_94, %lt3A_95 : i32
      %convert_element_type3A_97 = arith.extui %lt3A_96 : i1 to i32
      %cond3A_98 = arith.constant 0 : i32
      %cond3A_99 = arith.cmpi ne, %convert_element_type3A_97, %cond3A_98 : i32
      scf.if %cond3A_99 {
        %dma_wait3A = arith.constant 0 : i32
        %dma_wait3A_163 = arith.constant 0 : i32
        %dma_wait3A_164 = tpu.memref_slice %arg8[%dma_wait3A, %dma_wait3A_163] : memref<10240x128xf32, #tpu.memory_space<vmem_shared>> -> memref<128x128xf32, #tpu.memory_space<vmem_shared>>
        %dma_wait3A_165 = arith.constant 0 : i32
        %dma_wait3A_166 = arith.constant 0 : i32
        %dma_wait3A_167 = tpu.memref_slice %arg8[%dma_wait3A_165, %dma_wait3A_166] : memref<10240x128xf32, #tpu.memory_space<vmem_shared>> -> memref<128x128xf32, #tpu.memory_space<vmem_shared>>
        tpu.wait_dma2 semaphore(%arg9 : memref<!tpu.dma_semaphore, #tpu.memory_space<semaphore_mem>>) src(%arg6 : memref<128x128xf32, #tpu.memory_space<vmem>>) dst(%dma_wait3A_167 : memref<128x128xf32, #tpu.memory_space<vmem_shared>>)
      } else {
      }
      %mul3A_100 = arith.constant 8 : i32
      %mul3A_101 = arith.muli %mul3A_100, %scan3A_21 : i32
      %add3A_102 = arith.constant 1 : i32
      %add3A_103 = arith.addi %mul3A_101, %add3A_102 : i32
      %lt3A_104 = arith.constant 79 : i32
      %lt3A_105 = arith.cmpi slt, %add3A_103, %lt3A_104 : i32
      %convert_element_type3A_106 = arith.extui %lt3A_105 : i1 to i32
      %cond3A_107 = arith.constant 0 : i32
      %cond3A_108 = arith.cmpi ne, %convert_element_type3A_106, %cond3A_107 : i32
      scf.if %cond3A_108 {
        %dma_wait3A = arith.constant 0 : i32
        %dma_wait3A_163 = arith.constant 0 : i32
        %dma_wait3A_164 = tpu.memref_slice %arg8[%dma_wait3A, %dma_wait3A_163] : memref<10240x128xf32, #tpu.memory_space<vmem_shared>> -> memref<128x128xf32, #tpu.memory_space<vmem_shared>>
        %dma_wait3A_165 = arith.constant 0 : i32
        %dma_wait3A_166 = arith.constant 0 : i32
        %dma_wait3A_167 = tpu.memref_slice %arg8[%dma_wait3A_165, %dma_wait3A_166] : memref<10240x128xf32, #tpu.memory_space<vmem_shared>> -> memref<128x128xf32, #tpu.memory_space<vmem_shared>>
        tpu.wait_dma2 semaphore(%arg9 : memref<!tpu.dma_semaphore, #tpu.memory_space<semaphore_mem>>) src(%arg6 : memref<128x128xf32, #tpu.memory_space<vmem>>) dst(%dma_wait3A_167 : memref<128x128xf32, #tpu.memory_space<vmem_shared>>)
      } else {
      }
      %mul3A_109 = arith.constant 8 : i32
      %mul3A_110 = arith.muli %mul3A_109, %scan3A_21 : i32
      %add3A_111 = arith.constant 2 : i32
      %add3A_112 = arith.addi %mul3A_110, %add3A_111 : i32
      %lt3A_113 = arith.constant 79 : i32
      %lt3A_114 = arith.cmpi slt, %add3A_112, %lt3A_113 : i32
      %convert_element_type3A_115 = arith.extui %lt3A_114 : i1 to i32
      %cond3A_116 = arith.constant 0 : i32
      %cond3A_117 = arith.cmpi ne, %convert_element_type3A_115, %cond3A_116 : i32
      scf.if %cond3A_117 {
        %dma_wait3A = arith.constant 0 : i32
        %dma_wait3A_163 = arith.constant 0 : i32
        %dma_wait3A_164 = tpu.memref_slice %arg8[%dma_wait3A, %dma_wait3A_163] : memref<10240x128xf32, #tpu.memory_space<vmem_shared>> -> memref<128x128xf32, #tpu.memory_space<vmem_shared>>
        %dma_wait3A_165 = arith.constant 0 : i32
        %dma_wait3A_166 = arith.constant 0 : i32
        %dma_wait3A_167 = tpu.memref_slice %arg8[%dma_wait3A_165, %dma_wait3A_166] : memref<10240x128xf32, #tpu.memory_space<vmem_shared>> -> memref<128x128xf32, #tpu.memory_space<vmem_shared>>
        tpu.wait_dma2 semaphore(%arg9 : memref<!tpu.dma_semaphore, #tpu.memory_space<semaphore_mem>>) src(%arg6 : memref<128x128xf32, #tpu.memory_space<vmem>>) dst(%dma_wait3A_167 : memref<128x128xf32, #tpu.memory_space<vmem_shared>>)
      } else {
      }
      %mul3A_118 = arith.constant 8 : i32
      %mul3A_119 = arith.muli %mul3A_118, %scan3A_21 : i32
      %add3A_120 = arith.constant 3 : i32
      %add3A_121 = arith.addi %mul3A_119, %add3A_120 : i32
      %lt3A_122 = arith.constant 79 : i32
      %lt3A_123 = arith.cmpi slt, %add3A_121, %lt3A_122 : i32
      %convert_element_type3A_124 = arith.extui %lt3A_123 : i1 to i32
      %cond3A_125 = arith.constant 0 : i32
      %cond3A_126 = arith.cmpi ne, %convert_element_type3A_124, %cond3A_125 : i32
      scf.if %cond3A_126 {
        %dma_wait3A = arith.constant 0 : i32
        %dma_wait3A_163 = arith.constant 0 : i32
        %dma_wait3A_164 = tpu.memref_slice %arg8[%dma_wait3A, %dma_wait3A_163] : memref<10240x128xf32, #tpu.memory_space<vmem_shared>> -> memref<128x128xf32, #tpu.memory_space<vmem_shared>>
        %dma_wait3A_165 = arith.constant 0 : i32
        %dma_wait3A_166 = arith.constant 0 : i32
        %dma_wait3A_167 = tpu.memref_slice %arg8[%dma_wait3A_165, %dma_wait3A_166] : memref<10240x128xf32, #tpu.memory_space<vmem_shared>> -> memref<128x128xf32, #tpu.memory_space<vmem_shared>>
        tpu.wait_dma2 semaphore(%arg9 : memref<!tpu.dma_semaphore, #tpu.memory_space<semaphore_mem>>) src(%arg6 : memref<128x128xf32, #tpu.memory_space<vmem>>) dst(%dma_wait3A_167 : memref<128x128xf32, #tpu.memory_space<vmem_shared>>)
      } else {
      }
      %mul3A_127 = arith.constant 8 : i32
      %mul3A_128 = arith.muli %mul3A_127, %scan3A_21 : i32
      %add3A_129 = arith.constant 4 : i32
      %add3A_130 = arith.addi %mul3A_128, %add3A_129 : i32
      %lt3A_131 = arith.constant 79 : i32
      %lt3A_132 = arith.cmpi slt, %add3A_130, %lt3A_131 : i32
      %convert_element_type3A_133 = arith.extui %lt3A_132 : i1 to i32
      %cond3A_134 = arith.constant 0 : i32
      %cond3A_135 = arith.cmpi ne, %convert_element_type3A_133, %cond3A_134 : i32
      scf.if %cond3A_135 {
        %dma_wait3A = arith.constant 0 : i32
        %dma_wait3A_163 = arith.constant 0 : i32
        %dma_wait3A_164 = tpu.memref_slice %arg8[%dma_wait3A, %dma_wait3A_163] : memref<10240x128xf32, #tpu.memory_space<vmem_shared>> -> memref<128x128xf32, #tpu.memory_space<vmem_shared>>
        %dma_wait3A_165 = arith.constant 0 : i32
        %dma_wait3A_166 = arith.constant 0 : i32
        %dma_wait3A_167 = tpu.memref_slice %arg8[%dma_wait3A_165, %dma_wait3A_166] : memref<10240x128xf32, #tpu.memory_space<vmem_shared>> -> memref<128x128xf32, #tpu.memory_space<vmem_shared>>
        tpu.wait_dma2 semaphore(%arg9 : memref<!tpu.dma_semaphore, #tpu.memory_space<semaphore_mem>>) src(%arg6 : memref<128x128xf32, #tpu.memory_space<vmem>>) dst(%dma_wait3A_167 : memref<128x128xf32, #tpu.memory_space<vmem_shared>>)
      } else {
      }
      %mul3A_136 = arith.constant 8 : i32
      %mul3A_137 = arith.muli %mul3A_136, %scan3A_21 : i32
      %add3A_138 = arith.constant 5 : i32
      %add3A_139 = arith.addi %mul3A_137, %add3A_138 : i32
      %lt3A_140 = arith.constant 79 : i32
      %lt3A_141 = arith.cmpi slt, %add3A_139, %lt3A_140 : i32
      %convert_element_type3A_142 = arith.extui %lt3A_141 : i1 to i32
      %cond3A_143 = arith.constant 0 : i32
      %cond3A_144 = arith.cmpi ne, %convert_element_type3A_142, %cond3A_143 : i32
      scf.if %cond3A_144 {
        %dma_wait3A = arith.constant 0 : i32
        %dma_wait3A_163 = arith.constant 0 : i32
        %dma_wait3A_164 = tpu.memref_slice %arg8[%dma_wait3A, %dma_wait3A_163] : memref<10240x128xf32, #tpu.memory_space<vmem_shared>> -> memref<128x128xf32, #tpu.memory_space<vmem_shared>>
        %dma_wait3A_165 = arith.constant 0 : i32
        %dma_wait3A_166 = arith.constant 0 : i32
        %dma_wait3A_167 = tpu.memref_slice %arg8[%dma_wait3A_165, %dma_wait3A_166] : memref<10240x128xf32, #tpu.memory_space<vmem_shared>> -> memref<128x128xf32, #tpu.memory_space<vmem_shared>>
        tpu.wait_dma2 semaphore(%arg9 : memref<!tpu.dma_semaphore, #tpu.memory_space<semaphore_mem>>) src(%arg6 : memref<128x128xf32, #tpu.memory_space<vmem>>) dst(%dma_wait3A_167 : memref<128x128xf32, #tpu.memory_space<vmem_shared>>)
      } else {
      }
      %mul3A_145 = arith.constant 8 : i32
      %mul3A_146 = arith.muli %mul3A_145, %scan3A_21 : i32
      %add3A_147 = arith.constant 6 : i32
      %add3A_148 = arith.addi %mul3A_146, %add3A_147 : i32
      %lt3A_149 = arith.constant 79 : i32
      %lt3A_150 = arith.cmpi slt, %add3A_148, %lt3A_149 : i32
      %convert_element_type3A_151 = arith.extui %lt3A_150 : i1 to i32
      %cond3A_152 = arith.constant 0 : i32
      %cond3A_153 = arith.cmpi ne, %convert_element_type3A_151, %cond3A_152 : i32
      scf.if %cond3A_153 {
        %dma_wait3A = arith.constant 0 : i32
        %dma_wait3A_163 = arith.constant 0 : i32
        %dma_wait3A_164 = tpu.memref_slice %arg8[%dma_wait3A, %dma_wait3A_163] : memref<10240x128xf32, #tpu.memory_space<vmem_shared>> -> memref<128x128xf32, #tpu.memory_space<vmem_shared>>
        %dma_wait3A_165 = arith.constant 0 : i32
        %dma_wait3A_166 = arith.constant 0 : i32
        %dma_wait3A_167 = tpu.memref_slice %arg8[%dma_wait3A_165, %dma_wait3A_166] : memref<10240x128xf32, #tpu.memory_space<vmem_shared>> -> memref<128x128xf32, #tpu.memory_space<vmem_shared>>
        tpu.wait_dma2 semaphore(%arg9 : memref<!tpu.dma_semaphore, #tpu.memory_space<semaphore_mem>>) src(%arg6 : memref<128x128xf32, #tpu.memory_space<vmem>>) dst(%dma_wait3A_167 : memref<128x128xf32, #tpu.memory_space<vmem_shared>>)
      } else {
      }
      %mul3A_154 = arith.constant 8 : i32
      %mul3A_155 = arith.muli %mul3A_154, %scan3A_21 : i32
      %add3A_156 = arith.constant 7 : i32
      %add3A_157 = arith.addi %mul3A_155, %add3A_156 : i32
      %lt3A_158 = arith.constant 79 : i32
      %lt3A_159 = arith.cmpi slt, %add3A_157, %lt3A_158 : i32
      %convert_element_type3A_160 = arith.extui %lt3A_159 : i1 to i32
      %cond3A_161 = arith.constant 0 : i32
      %cond3A_162 = arith.cmpi ne, %convert_element_type3A_160, %cond3A_161 : i32
      scf.if %cond3A_162 {
        %dma_wait3A = arith.constant 0 : i32
        %dma_wait3A_163 = arith.constant 0 : i32
        %dma_wait3A_164 = tpu.memref_slice %arg8[%dma_wait3A, %dma_wait3A_163] : memref<10240x128xf32, #tpu.memory_space<vmem_shared>> -> memref<128x128xf32, #tpu.memory_space<vmem_shared>>
        %dma_wait3A_165 = arith.constant 0 : i32
        %dma_wait3A_166 = arith.constant 0 : i32
        %dma_wait3A_167 = tpu.memref_slice %arg8[%dma_wait3A_165, %dma_wait3A_166] : memref<10240x128xf32, #tpu.memory_space<vmem_shared>> -> memref<128x128xf32, #tpu.memory_space<vmem_shared>>
        tpu.wait_dma2 semaphore(%arg9 : memref<!tpu.dma_semaphore, #tpu.memory_space<semaphore_mem>>) src(%arg6 : memref<128x128xf32, #tpu.memory_space<vmem>>) dst(%dma_wait3A_167 : memref<128x128xf32, #tpu.memory_space<vmem_shared>>)
      } else {
      }
    }
    %scan3A_19 = arith.constant 10 : i32
    %barrier3A_20 = arith.constant 0 : index
    tpu.barrier barrier_id(%barrier3A_20)
    "tpu.region"() ({
      %run_scoped3A = tpu.sem_alloc : memref<!tpu.dma_semaphore, #tpu.memory_space<semaphore_mem>>
      %dma_start3A = arith.constant 0 : i32
      %dma_start3A_21 = tpu.memref_slice %arg4[%arg0, %mul3A_7, %dma_start3A] : memref<2x10240x128xf32, #tpu.memory_space<hbm>> -> memref<1x640x128xf32, #tpu.memory_space<hbm>>
      %dma_start3A_22 = tpu.memref_squeeze %dma_start3A_21 : memref<1x640x128xf32, #tpu.memory_space<hbm>> -> memref<640x128xf32, #tpu.memory_space<hbm>>
      %dma_start3A_23 = arith.constant 0 : i32
      %dma_start3A_24 = tpu.memref_slice %arg8[%mul3A_7, %dma_start3A_23] : memref<10240x128xf32, #tpu.memory_space<vmem_shared>> -> memref<640x128xf32, #tpu.memory_space<vmem_shared>>
      tpu.enqueue_dma source(%dma_start3A_24 : memref<640x128xf32, #tpu.memory_space<vmem_shared>>) target(%dma_start3A_22 : memref<640x128xf32, #tpu.memory_space<hbm>>) target_semaphore(%run_scoped3A : memref<!tpu.dma_semaphore, #tpu.memory_space<semaphore_mem>>)
      %dma_wait3A = arith.constant 0 : i32
      %dma_wait3A_25 = tpu.memref_slice %arg4[%arg0, %mul3A_7, %dma_wait3A] : memref<2x10240x128xf32, #tpu.memory_space<hbm>> -> memref<1x640x128xf32, #tpu.memory_space<hbm>>
      %dma_wait3A_26 = tpu.memref_squeeze %dma_wait3A_25 : memref<1x640x128xf32, #tpu.memory_space<hbm>> -> memref<640x128xf32, #tpu.memory_space<hbm>>
      %dma_wait3A_27 = arith.constant 0 : i32
      %dma_wait3A_28 = tpu.memref_slice %arg8[%mul3A_7, %dma_wait3A_27] : memref<10240x128xf32, #tpu.memory_space<vmem_shared>> -> memref<640x128xf32, #tpu.memory_space<vmem_shared>>
      tpu.wait_dma2 semaphore(%run_scoped3A : memref<!tpu.dma_semaphore, #tpu.memory_space<semaphore_mem>>) src(%dma_wait3A_28 : memref<640x128xf32, #tpu.memory_space<vmem_shared>>) dst(%dma_wait3A_26 : memref<640x128xf32, #tpu.memory_space<hbm>>)
      tpu.yield
    }) : () -> ()
    return
  }
}

#map = affine_map<(d0, d1) -> (0, 0)>
#map1 = affine_map<(d0, d1) -> (0, 0, 0)>
module attributes {stable_mosaic.version = 14 : i64} {
  func.func @_edge_sum_kernel(%arg0: i32, %arg1: i32, %arg2: memref<10240x128xf32, #tpu.memory_space<hbm>>, %arg3: memref<32x80x128xi32, #tpu.memory_space<hbm>>, %arg4: memref<32x80x128xi32, #tpu.memory_space<hbm>>, %arg5: memref<2x10240x128xf32, #tpu.memory_space<hbm>>, %arg6: memref<2x16x128xi32, #tpu.memory_space<vmem>>, %arg7: memref<2x16x128xi32, #tpu.memory_space<vmem>>, %arg8: memref<2x128x128xf32, #tpu.memory_space<vmem>>, %arg9: memref<32x128xf32, #tpu.memory_space<vmem>>, %arg10: memref<10240x128xf32, #tpu.memory_space<vmem_shared>>, %arg11: memref<!tpu.dma_semaphore, #tpu.memory_space<semaphore_mem>>, %arg12: memref<!tpu.dma_semaphore, #tpu.memory_space<semaphore_mem>>, %arg13: memref<!tpu.dma_semaphore, #tpu.memory_space<semaphore_mem>>) attributes {dimension_semantics = [#tpu.dimension_semantics<core_parallel>, #tpu.dimension_semantics<subcore_parallel>], iteration_bounds = array<i64: 2, 16>, scalar_prefetch = 0 : i64, scratch_operands = 8 : i64, tpu.core_type = #tpu.core_type<sc_vector_subcore>, window_params = [{transform_indices = #map}, {transform_indices = #map1}, {transform_indices = #map1}, {transform_indices = #map1}]} {
    %mul3A = arith.constant 2 : i32
    %mul3A_0 = arith.muli %arg1, %mul3A : i32
    %add3A = arith.addi %mul3A_0, %arg0 : i32
    %scan3A = arith.constant 0 : i32
    %scan3A_1 = arith.constant 0 : i32
    %scan3A_2 = arith.constant 256 : i32
    %scan3A_3 = arith.addi %scan3A_1, %scan3A_2 : i32
    %scan3A_4 = arith.constant 1 : i32
    scf.for %scan3A_49 = %scan3A_1 to %scan3A_3 step %scan3A_4  : i32 {
      %broadcast_in_dim3A = arith.constant 0.000000e+00 : f32
      %broadcast_in_dim3A_50 = vector.broadcast %broadcast_in_dim3A : f32 to vector<16xf32>
      %jit3A = arith.constant 8 : i32
      %div3A = arith.divsi %scan3A_49, %jit3A : i32
      %sign3A = arith.constant 0 : i32
      %sign3A_51 = arith.cmpi sgt, %scan3A_49, %sign3A : i32
      %sign3A_52 = arith.extui %sign3A_51 : i1 to i32
      %sign3A_53 = arith.constant 0 : i32
      %sign3A_54 = arith.cmpi slt, %scan3A_49, %sign3A_53 : i32
      %sign3A_55 = arith.extui %sign3A_54 : i1 to i32
      %sign3A_56 = arith.subi %sign3A_52, %sign3A_55 : i32
      %sign3A_57 = arith.constant 0 : i32
      %sign3A_58 = arith.cmpi sgt, %jit3A, %sign3A_57 : i32
      %sign3A_59 = arith.extui %sign3A_58 : i1 to i32
      %sign3A_60 = arith.constant 0 : i32
      %sign3A_61 = arith.cmpi slt, %jit3A, %sign3A_60 : i32
      %sign3A_62 = arith.extui %sign3A_61 : i1 to i32
      %sign3A_63 = arith.subi %sign3A_59, %sign3A_62 : i32
      %ne3A = arith.cmpi ne, %sign3A_56, %sign3A_63 : i32
      %rem3A = arith.remsi %scan3A_49, %jit3A : i32
      %ne3A_64 = arith.constant 0 : i32
      %ne3A_65 = arith.cmpi ne, %rem3A, %ne3A_64 : i32
      %and3A = arith.andi %ne3A, %ne3A_65 : i1
      %sub3A = arith.constant 1 : i32
      %sub3A_66 = arith.subi %div3A, %sub3A : i32
      %select_n3A = arith.select %and3A, %sub3A_66, %div3A : i32
      %jit3A_67 = arith.constant 8 : i32
      %eq3A = arith.constant 0 : i32
      %eq3A_68 = arith.cmpi eq, %jit3A_67, %eq3A : i32
      %jit3A_69 = arith.constant 1 : i32
      %select_n3A_70 = arith.select %eq3A_68, %jit3A_69, %jit3A_67 : i32
      %rem3A_71 = arith.remsi %scan3A_49, %select_n3A_70 : i32
      %ne3A_72 = arith.constant 0 : i32
      %ne3A_73 = arith.cmpi ne, %rem3A_71, %ne3A_72 : i32
      %lt3A = arith.constant 0 : i32
      %lt3A_74 = arith.cmpi slt, %rem3A_71, %lt3A : i32
      %lt3A_75 = arith.constant 0 : i32
      %lt3A_76 = arith.cmpi slt, %select_n3A_70, %lt3A_75 : i32
      %ne3A_77 = arith.xori %lt3A_74, %lt3A_76 : i1
      %and3A_78 = arith.andi %ne3A_77, %ne3A_73 : i1
      %add3A_79 = arith.addi %rem3A_71, %select_n3A_70 : i32
      %select_n3A_80 = arith.select %and3A_78, %add3A_79, %rem3A_71 : i32
      %mul3A_81 = arith.constant 16 : i32
      %mul3A_82 = arith.muli %select_n3A_80, %mul3A_81 : i32
      %swap3A = arith.index_cast %select_n3A : i32 to index
      %swap3A_83 = arith.index_cast %mul3A_82 : i32 to index
      %swap3A_84 = tpu.vector_load %arg9[%swap3A, %swap3A_83] {strides = array<i32>} : memref<32x128xf32, #tpu.memory_space<vmem>>, vector<1x16xf32>,
      %swap3A_85 = vector.shape_cast %swap3A_84 : vector<1x16xf32> to vector<16xf32>
      %swap3A_86 = vector.shape_cast %broadcast_in_dim3A_50 : vector<16xf32> to vector<1x16xf32>
      tpu.vector_store %arg9[%swap3A, %swap3A_83], %swap3A_86 {strides = array<i32>} : memref<32x128xf32, #tpu.memory_space<vmem>>, vector<1x16xf32>,
    }
    %scan3A_5 = arith.constant 256 : i32
    %mul3A_6 = arith.constant 640 : i32
    %mul3A_7 = arith.muli %arg1, %mul3A_6 : i32
    %scan3A_8 = arith.constant 0 : i32
    %scan3A_9 = arith.constant 0 : i32
    %scan3A_10 = arith.constant 20 : i32
    %scan3A_11 = arith.addi %scan3A_9, %scan3A_10 : i32
    %scan3A_12 = arith.constant 1 : i32
    scf.for %scan3A_49 = %scan3A_9 to %scan3A_11 step %scan3A_12  : i32 {
      %mul3A_50 = arith.constant 32 : i32
      %mul3A_51 = arith.muli %scan3A_49, %mul3A_50 : i32
      %add3A_52 = arith.addi %mul3A_7, %mul3A_51 : i32
      "tpu.region"() ({
        %run_scoped3A_53 = tpu.sem_alloc : memref<!tpu.dma_semaphore, #tpu.memory_space<semaphore_mem>>
        %dma_start3A_54 = arith.constant 0 : i32
        %dma_start3A_55 = tpu.memref_slice %arg10[%add3A_52, %dma_start3A_54] : memref<10240x128xf32, #tpu.memory_space<vmem_shared>> -> memref<32x128xf32, #tpu.memory_space<vmem_shared>>
        %dma_start3A_56 = arith.constant 0 : i32
        %dma_start3A_57 = tpu.memref_slice %arg10[%add3A_52, %dma_start3A_56] : memref<10240x128xf32, #tpu.memory_space<vmem_shared>> -> memref<32x128xf32, #tpu.memory_space<vmem_shared>>
        tpu.enqueue_dma source(%arg9 : memref<32x128xf32, #tpu.memory_space<vmem>>) target(%dma_start3A_57 : memref<32x128xf32, #tpu.memory_space<vmem_shared>>) target_semaphore(%run_scoped3A_53 : memref<!tpu.dma_semaphore, #tpu.memory_space<semaphore_mem>>)
        %dma_wait3A_58 = arith.constant 0 : i32
        %dma_wait3A_59 = tpu.memref_slice %arg10[%add3A_52, %dma_wait3A_58] : memref<10240x128xf32, #tpu.memory_space<vmem_shared>> -> memref<32x128xf32, #tpu.memory_space<vmem_shared>>
        %dma_wait3A_60 = arith.constant 0 : i32
        %dma_wait3A_61 = tpu.memref_slice %arg10[%add3A_52, %dma_wait3A_60] : memref<10240x128xf32, #tpu.memory_space<vmem_shared>> -> memref<32x128xf32, #tpu.memory_space<vmem_shared>>
        tpu.wait_dma2 semaphore(%run_scoped3A_53 : memref<!tpu.dma_semaphore, #tpu.memory_space<semaphore_mem>>) src(%arg9 : memref<32x128xf32, #tpu.memory_space<vmem>>) dst(%dma_wait3A_61 : memref<32x128xf32, #tpu.memory_space<vmem_shared>>)
        tpu.yield
      }) : () -> ()
    }
    %scan3A_13 = arith.constant 20 : i32
    %run_scoped3A = arith.constant 0 : i32
    "tpu.region"() ({
      %run_scoped3A_49 = tpu.sem_alloc : memref<!tpu.dma_semaphore, #tpu.memory_space<semaphore_mem>>
      %dma_start3A_50 = arith.constant 0 : i32
      %dma_start3A_51 = arith.constant 0 : i32
      %dma_start3A_52 = tpu.memref_slice %arg6[%run_scoped3A, %dma_start3A_50, %dma_start3A_51] : memref<2x16x128xi32, #tpu.memory_space<vmem>> -> memref<1x16x128xi32, #tpu.memory_space<vmem>>
      %dma_start3A_53 = tpu.memref_squeeze %dma_start3A_52 : memref<1x16x128xi32, #tpu.memory_space<vmem>> -> memref<16x128xi32, #tpu.memory_space<vmem>>
      %dma_start3A_54 = arith.constant 0 : i32
      %dma_start3A_55 = arith.constant 0 : i32
      %dma_start3A_56 = tpu.memref_slice %arg3[%add3A, %dma_start3A_54, %dma_start3A_55] : memref<32x80x128xi32, #tpu.memory_space<hbm>> -> memref<1x16x128xi32, #tpu.memory_space<hbm>>
      %dma_start3A_57 = tpu.memref_squeeze %dma_start3A_56 : memref<1x16x128xi32, #tpu.memory_space<hbm>> -> memref<16x128xi32, #tpu.memory_space<hbm>>
      %dma_start3A_58 = arith.constant 0 : i32
      %dma_start3A_59 = arith.constant 0 : i32
      %dma_start3A_60 = tpu.memref_slice %arg6[%run_scoped3A, %dma_start3A_58, %dma_start3A_59] : memref<2x16x128xi32, #tpu.memory_space<vmem>> -> memref<1x16x128xi32, #tpu.memory_space<vmem>>
      %dma_start3A_61 = tpu.memref_squeeze %dma_start3A_60 : memref<1x16x128xi32, #tpu.memory_space<vmem>> -> memref<16x128xi32, #tpu.memory_space<vmem>>
      %dma_start3A_62 = arith.constant 0 : i32
      %dma_start3A_63 = arith.constant 0 : i32
      %dma_start3A_64 = tpu.memref_slice %arg3[%add3A, %dma_start3A_62, %dma_start3A_63] : memref<32x80x128xi32, #tpu.memory_space<hbm>> -> memref<1x16x128xi32, #tpu.memory_space<hbm>>
      %dma_start3A_65 = tpu.memref_squeeze %dma_start3A_64 : memref<1x16x128xi32, #tpu.memory_space<hbm>> -> memref<16x128xi32, #tpu.memory_space<hbm>>
      tpu.enqueue_dma source(%dma_start3A_65 : memref<16x128xi32, #tpu.memory_space<hbm>>) target(%dma_start3A_61 : memref<16x128xi32, #tpu.memory_space<vmem>>) target_semaphore(%run_scoped3A_49 : memref<!tpu.dma_semaphore, #tpu.memory_space<semaphore_mem>>)
      %dma_wait3A_66 = arith.constant 0 : i32
      %dma_wait3A_67 = arith.constant 0 : i32
      %dma_wait3A_68 = tpu.memref_slice %arg6[%run_scoped3A, %dma_wait3A_66, %dma_wait3A_67] : memref<2x16x128xi32, #tpu.memory_space<vmem>> -> memref<1x16x128xi32, #tpu.memory_space<vmem>>
      %dma_wait3A_69 = tpu.memref_squeeze %dma_wait3A_68 : memref<1x16x128xi32, #tpu.memory_space<vmem>> -> memref<16x128xi32, #tpu.memory_space<vmem>>
      %dma_wait3A_70 = arith.constant 0 : i32
      %dma_wait3A_71 = arith.constant 0 : i32
      %dma_wait3A_72 = tpu.memref_slice %arg3[%add3A, %dma_wait3A_70, %dma_wait3A_71] : memref<32x80x128xi32, #tpu.memory_space<hbm>> -> memref<1x16x128xi32, #tpu.memory_space<hbm>>
      %dma_wait3A_73 = tpu.memref_squeeze %dma_wait3A_72 : memref<1x16x128xi32, #tpu.memory_space<hbm>> -> memref<16x128xi32, #tpu.memory_space<hbm>>
      %dma_wait3A_74 = arith.constant 0 : i32
      %dma_wait3A_75 = arith.constant 0 : i32
      %dma_wait3A_76 = tpu.memref_slice %arg6[%run_scoped3A, %dma_wait3A_74, %dma_wait3A_75] : memref<2x16x128xi32, #tpu.memory_space<vmem>> -> memref<1x16x128xi32, #tpu.memory_space<vmem>>
      %dma_wait3A_77 = tpu.memref_squeeze %dma_wait3A_76 : memref<1x16x128xi32, #tpu.memory_space<vmem>> -> memref<16x128xi32, #tpu.memory_space<vmem>>
      %dma_wait3A_78 = arith.constant 0 : i32
      %dma_wait3A_79 = arith.constant 0 : i32
      %dma_wait3A_80 = tpu.memref_slice %arg3[%add3A, %dma_wait3A_78, %dma_wait3A_79] : memref<32x80x128xi32, #tpu.memory_space<hbm>> -> memref<1x16x128xi32, #tpu.memory_space<hbm>>
      %dma_wait3A_81 = tpu.memref_squeeze %dma_wait3A_80 : memref<1x16x128xi32, #tpu.memory_space<hbm>> -> memref<16x128xi32, #tpu.memory_space<hbm>>
      tpu.wait_dma2 semaphore(%run_scoped3A_49 : memref<!tpu.dma_semaphore, #tpu.memory_space<semaphore_mem>>) src(%dma_wait3A_81 : memref<16x128xi32, #tpu.memory_space<hbm>>) dst(%dma_wait3A_77 : memref<16x128xi32, #tpu.memory_space<vmem>>)
      tpu.yield
    }) : () -> ()
    %run_scoped3A_14 = arith.constant 0 : i32
    "tpu.region"() ({
      %run_scoped3A_49 = tpu.sem_alloc : memref<!tpu.dma_semaphore, #tpu.memory_space<semaphore_mem>>
      %dma_start3A_50 = arith.constant 0 : i32
      %dma_start3A_51 = arith.constant 0 : i32
      %dma_start3A_52 = tpu.memref_slice %arg7[%run_scoped3A_14, %dma_start3A_50, %dma_start3A_51] : memref<2x16x128xi32, #tpu.memory_space<vmem>> -> memref<1x16x128xi32, #tpu.memory_space<vmem>>
      %dma_start3A_53 = tpu.memref_squeeze %dma_start3A_52 : memref<1x16x128xi32, #tpu.memory_space<vmem>> -> memref<16x128xi32, #tpu.memory_space<vmem>>
      %dma_start3A_54 = arith.constant 0 : i32
      %dma_start3A_55 = arith.constant 0 : i32
      %dma_start3A_56 = tpu.memref_slice %arg4[%add3A, %dma_start3A_54, %dma_start3A_55] : memref<32x80x128xi32, #tpu.memory_space<hbm>> -> memref<1x16x128xi32, #tpu.memory_space<hbm>>
      %dma_start3A_57 = tpu.memref_squeeze %dma_start3A_56 : memref<1x16x128xi32, #tpu.memory_space<hbm>> -> memref<16x128xi32, #tpu.memory_space<hbm>>
      %dma_start3A_58 = arith.constant 0 : i32
      %dma_start3A_59 = arith.constant 0 : i32
      %dma_start3A_60 = tpu.memref_slice %arg7[%run_scoped3A_14, %dma_start3A_58, %dma_start3A_59] : memref<2x16x128xi32, #tpu.memory_space<vmem>> -> memref<1x16x128xi32, #tpu.memory_space<vmem>>
      %dma_start3A_61 = tpu.memref_squeeze %dma_start3A_60 : memref<1x16x128xi32, #tpu.memory_space<vmem>> -> memref<16x128xi32, #tpu.memory_space<vmem>>
      %dma_start3A_62 = arith.constant 0 : i32
      %dma_start3A_63 = arith.constant 0 : i32
      %dma_start3A_64 = tpu.memref_slice %arg4[%add3A, %dma_start3A_62, %dma_start3A_63] : memref<32x80x128xi32, #tpu.memory_space<hbm>> -> memref<1x16x128xi32, #tpu.memory_space<hbm>>
      %dma_start3A_65 = tpu.memref_squeeze %dma_start3A_64 : memref<1x16x128xi32, #tpu.memory_space<hbm>> -> memref<16x128xi32, #tpu.memory_space<hbm>>
      tpu.enqueue_dma source(%dma_start3A_65 : memref<16x128xi32, #tpu.memory_space<hbm>>) target(%dma_start3A_61 : memref<16x128xi32, #tpu.memory_space<vmem>>) target_semaphore(%run_scoped3A_49 : memref<!tpu.dma_semaphore, #tpu.memory_space<semaphore_mem>>)
      %dma_wait3A_66 = arith.constant 0 : i32
      %dma_wait3A_67 = arith.constant 0 : i32
      %dma_wait3A_68 = tpu.memref_slice %arg7[%run_scoped3A_14, %dma_wait3A_66, %dma_wait3A_67] : memref<2x16x128xi32, #tpu.memory_space<vmem>> -> memref<1x16x128xi32, #tpu.memory_space<vmem>>
      %dma_wait3A_69 = tpu.memref_squeeze %dma_wait3A_68 : memref<1x16x128xi32, #tpu.memory_space<vmem>> -> memref<16x128xi32, #tpu.memory_space<vmem>>
      %dma_wait3A_70 = arith.constant 0 : i32
      %dma_wait3A_71 = arith.constant 0 : i32
      %dma_wait3A_72 = tpu.memref_slice %arg4[%add3A, %dma_wait3A_70, %dma_wait3A_71] : memref<32x80x128xi32, #tpu.memory_space<hbm>> -> memref<1x16x128xi32, #tpu.memory_space<hbm>>
      %dma_wait3A_73 = tpu.memref_squeeze %dma_wait3A_72 : memref<1x16x128xi32, #tpu.memory_space<hbm>> -> memref<16x128xi32, #tpu.memory_space<hbm>>
      %dma_wait3A_74 = arith.constant 0 : i32
      %dma_wait3A_75 = arith.constant 0 : i32
      %dma_wait3A_76 = tpu.memref_slice %arg7[%run_scoped3A_14, %dma_wait3A_74, %dma_wait3A_75] : memref<2x16x128xi32, #tpu.memory_space<vmem>> -> memref<1x16x128xi32, #tpu.memory_space<vmem>>
      %dma_wait3A_77 = tpu.memref_squeeze %dma_wait3A_76 : memref<1x16x128xi32, #tpu.memory_space<vmem>> -> memref<16x128xi32, #tpu.memory_space<vmem>>
      %dma_wait3A_78 = arith.constant 0 : i32
      %dma_wait3A_79 = arith.constant 0 : i32
      %dma_wait3A_80 = tpu.memref_slice %arg4[%add3A, %dma_wait3A_78, %dma_wait3A_79] : memref<32x80x128xi32, #tpu.memory_space<hbm>> -> memref<1x16x128xi32, #tpu.memory_space<hbm>>
      %dma_wait3A_81 = tpu.memref_squeeze %dma_wait3A_80 : memref<1x16x128xi32, #tpu.memory_space<hbm>> -> memref<16x128xi32, #tpu.memory_space<hbm>>
      tpu.wait_dma2 semaphore(%run_scoped3A_49 : memref<!tpu.dma_semaphore, #tpu.memory_space<semaphore_mem>>) src(%dma_wait3A_81 : memref<16x128xi32, #tpu.memory_space<hbm>>) dst(%dma_wait3A_77 : memref<16x128xi32, #tpu.memory_space<vmem>>)
      tpu.yield
    }) : () -> ()
    %barrier3A = arith.constant 0 : index
    tpu.barrier barrier_id(%barrier3A)
    %dma_start3A = arith.constant 0 : i32
    %dma_start3A_15 = arith.constant 0 : i32
    %dma_start3A_16 = arith.constant 0 : i32
    %dma_start3A_17 = arith.constant 0 : i32
    %dma_start3A_18 = arith.constant 0 : i32
    %dma_start3A_19 = tpu.memref_slice %arg8[%dma_start3A_16, %dma_start3A_17, %dma_start3A_18] : memref<2x128x128xf32, #tpu.memory_space<vmem>> -> memref<1x128x128xf32, #tpu.memory_space<vmem>>
    %dma_start3A_20 = tpu.memref_squeeze %dma_start3A_19 : memref<1x128x128xf32, #tpu.memory_space<vmem>> -> memref<128x128xf32, #tpu.memory_space<vmem>>
    %dma_start3A_21 = arith.constant 0 : i32
    %dma_start3A_22 = tpu.memref_slice %arg6[%dma_start3A, %dma_start3A_15, %dma_start3A_21] : memref<2x16x128xi32, #tpu.memory_space<vmem>> -> memref<1x1x128xi32, #tpu.memory_space<vmem>>
    %dma_start3A_23 = tpu.memref_squeeze %dma_start3A_22 : memref<1x1x128xi32, #tpu.memory_space<vmem>> -> memref<128xi32, #tpu.memory_space<vmem>>
    %dma_start3A_24 = arith.constant 0 : i32
    %dma_start3A_25 = arith.constant 0 : i32
    %dma_start3A_26 = tpu.memref_slice %arg2[%dma_start3A_24, %dma_start3A_25] : memref<10240x128xf32, #tpu.memory_space<hbm>> -> memref<10240x128xf32, #tpu.memory_space<hbm>>
    tpu.enqueue_indirect_dma source(%dma_start3A_26 : memref<10240x128xf32, #tpu.memory_space<hbm>>) target(%dma_start3A_20 : memref<128x128xf32, #tpu.memory_space<vmem>>) offsets(%dma_start3A_23 : memref<128xi32, #tpu.memory_space<vmem>>) semaphore(%arg11 : memref<!tpu.dma_semaphore, #tpu.memory_space<semaphore_mem>>)
    %scan3A_27 = arith.constant 0 : i32
    %scan3A_28 = arith.constant 0 : i32
    %scan3A_29 = arith.constant 39 : i32
    %scan3A_30 = arith.addi %scan3A_28, %scan3A_29 : i32
    %scan3A_31 = arith.constant 1 : i32
    scf.for %scan3A_49 = %scan3A_28 to %scan3A_30 step %scan3A_31  : i32 {
      %mul3A_50 = arith.constant 2 : i32
      %mul3A_51 = arith.muli %mul3A_50, %scan3A_49 : i32
      %jit3A = arith.constant 16 : i32
      %div3A = arith.divsi %mul3A_51, %jit3A : i32
      %sign3A = arith.constant 0 : i32
      %sign3A_52 = arith.cmpi sgt, %mul3A_51, %sign3A : i32
      %sign3A_53 = arith.extui %sign3A_52 : i1 to i32
      %sign3A_54 = arith.constant 0 : i32
      %sign3A_55 = arith.cmpi slt, %mul3A_51, %sign3A_54 : i32
      %sign3A_56 = arith.extui %sign3A_55 : i1 to i32
      %sign3A_57 = arith.subi %sign3A_53, %sign3A_56 : i32
      %sign3A_58 = arith.constant 0 : i32
      %sign3A_59 = arith.cmpi sgt, %jit3A, %sign3A_58 : i32
      %sign3A_60 = arith.extui %sign3A_59 : i1 to i32
      %sign3A_61 = arith.constant 0 : i32
      %sign3A_62 = arith.cmpi slt, %jit3A, %sign3A_61 : i32
      %sign3A_63 = arith.extui %sign3A_62 : i1 to i32
      %sign3A_64 = arith.subi %sign3A_60, %sign3A_63 : i32
      %ne3A = arith.cmpi ne, %sign3A_57, %sign3A_64 : i32
      %rem3A = arith.remsi %mul3A_51, %jit3A : i32
      %ne3A_65 = arith.constant 0 : i32
      %ne3A_66 = arith.cmpi ne, %rem3A, %ne3A_65 : i32
      %and3A = arith.andi %ne3A, %ne3A_66 : i1
      %sub3A = arith.constant 1 : i32
      %sub3A_67 = arith.subi %div3A, %sub3A : i32
      %select_n3A = arith.select %and3A, %sub3A_67, %div3A : i32
      %rem3A_68 = arith.constant 2 : i32
      %rem3A_69 = arith.remsi %select_n3A, %rem3A_68 : i32
      %mul3A_70 = arith.constant 16 : i32
      %mul3A_71 = arith.muli %select_n3A, %mul3A_70 : i32
      %sub3A_72 = arith.subi %mul3A_51, %mul3A_71 : i32
      %rem3A_73 = arith.constant 8 : i32
      %rem3A_74 = arith.remsi %scan3A_49, %rem3A_73 : i32
      %eq3A = arith.constant 0 : i32
      %eq3A_75 = arith.cmpi eq, %rem3A_74, %eq3A : i32
      %lt3A = arith.constant 4 : i32
      %lt3A_76 = arith.cmpi slt, %select_n3A, %lt3A : i32
      %and3A_77 = arith.andi %eq3A_75, %lt3A_76 : i1
      %convert_element_type3A = arith.extui %and3A_77 : i1 to i32
      %cond3A = arith.constant 0 : i32
      %cond3A_78 = arith.cmpi ne, %convert_element_type3A, %cond3A : i32
      scf.if %cond3A_78 {
        %add3A_167 = arith.constant 1 : i32
        %add3A_168 = arith.addi %select_n3A, %add3A_167 : i32
        %mul3A_169 = arith.constant 16 : i32
        %mul3A_170 = arith.muli %add3A_168, %mul3A_169 : i32
        %sub3A_171 = arith.constant 1 : i32
        %sub3A_172 = arith.subi %sub3A_171, %rem3A_69 : i32
        %dma_start3A_173 = arith.constant 0 : i32
        %dma_start3A_174 = arith.constant 0 : i32
        %dma_start3A_175 = tpu.memref_slice %arg6[%sub3A_172, %dma_start3A_173, %dma_start3A_174] : memref<2x16x128xi32, #tpu.memory_space<vmem>> -> memref<1x16x128xi32, #tpu.memory_space<vmem>>
        %dma_start3A_176 = tpu.memref_squeeze %dma_start3A_175 : memref<1x16x128xi32, #tpu.memory_space<vmem>> -> memref<16x128xi32, #tpu.memory_space<vmem>>
        %dma_start3A_177 = arith.constant 0 : i32
        %dma_start3A_178 = tpu.memref_slice %arg3[%add3A, %mul3A_170, %dma_start3A_177] : memref<32x80x128xi32, #tpu.memory_space<hbm>> -> memref<1x16x128xi32, #tpu.memory_space<hbm>>
        %dma_start3A_179 = tpu.memref_squeeze %dma_start3A_178 : memref<1x16x128xi32, #tpu.memory_space<hbm>> -> memref<16x128xi32, #tpu.memory_space<hbm>>
        %dma_start3A_180 = arith.constant 0 : i32
        %dma_start3A_181 = arith.constant 0 : i32
        %dma_start3A_182 = tpu.memref_slice %arg6[%sub3A_172, %dma_start3A_180, %dma_start3A_181] : memref<2x16x128xi32, #tpu.memory_space<vmem>> -> memref<1x16x128xi32, #tpu.memory_space<vmem>>
        %dma_start3A_183 = tpu.memref_squeeze %dma_start3A_182 : memref<1x16x128xi32, #tpu.memory_space<vmem>> -> memref<16x128xi32, #tpu.memory_space<vmem>>
        %dma_start3A_184 = arith.constant 0 : i32
        %dma_start3A_185 = tpu.memref_slice %arg3[%add3A, %mul3A_170, %dma_start3A_184] : memref<32x80x128xi32, #tpu.memory_space<hbm>> -> memref<1x16x128xi32, #tpu.memory_space<hbm>>
        %dma_start3A_186 = tpu.memref_squeeze %dma_start3A_185 : memref<1x16x128xi32, #tpu.memory_space<hbm>> -> memref<16x128xi32, #tpu.memory_space<hbm>>
        tpu.enqueue_dma source(%dma_start3A_186 : memref<16x128xi32, #tpu.memory_space<hbm>>) target(%dma_start3A_183 : memref<16x128xi32, #tpu.memory_space<vmem>>) target_semaphore(%arg13 : memref<!tpu.dma_semaphore, #tpu.memory_space<semaphore_mem>>)
        %add3A_187 = arith.constant 1 : i32
        %add3A_188 = arith.addi %select_n3A, %add3A_187 : i32
        %mul3A_189 = arith.constant 16 : i32
        %mul3A_190 = arith.muli %add3A_188, %mul3A_189 : i32
        %sub3A_191 = arith.constant 1 : i32
        %sub3A_192 = arith.subi %sub3A_191, %rem3A_69 : i32
        %dma_start3A_193 = arith.constant 0 : i32
        %dma_start3A_194 = arith.constant 0 : i32
        %dma_start3A_195 = tpu.memref_slice %arg7[%sub3A_192, %dma_start3A_193, %dma_start3A_194] : memref<2x16x128xi32, #tpu.memory_space<vmem>> -> memref<1x16x128xi32, #tpu.memory_space<vmem>>
        %dma_start3A_196 = tpu.memref_squeeze %dma_start3A_195 : memref<1x16x128xi32, #tpu.memory_space<vmem>> -> memref<16x128xi32, #tpu.memory_space<vmem>>
        %dma_start3A_197 = arith.constant 0 : i32
        %dma_start3A_198 = tpu.memref_slice %arg4[%add3A, %mul3A_190, %dma_start3A_197] : memref<32x80x128xi32, #tpu.memory_space<hbm>> -> memref<1x16x128xi32, #tpu.memory_space<hbm>>
        %dma_start3A_199 = tpu.memref_squeeze %dma_start3A_198 : memref<1x16x128xi32, #tpu.memory_space<hbm>> -> memref<16x128xi32, #tpu.memory_space<hbm>>
        %dma_start3A_200 = arith.constant 0 : i32
        %dma_start3A_201 = arith.constant 0 : i32
        %dma_start3A_202 = tpu.memref_slice %arg7[%sub3A_192, %dma_start3A_200, %dma_start3A_201] : memref<2x16x128xi32, #tpu.memory_space<vmem>> -> memref<1x16x128xi32, #tpu.memory_space<vmem>>
        %dma_start3A_203 = tpu.memref_squeeze %dma_start3A_202 : memref<1x16x128xi32, #tpu.memory_space<vmem>> -> memref<16x128xi32, #tpu.memory_space<vmem>>
        %dma_start3A_204 = arith.constant 0 : i32
        %dma_start3A_205 = tpu.memref_slice %arg4[%add3A, %mul3A_190, %dma_start3A_204] : memref<32x80x128xi32, #tpu.memory_space<hbm>> -> memref<1x16x128xi32, #tpu.memory_space<hbm>>
        %dma_start3A_206 = tpu.memref_squeeze %dma_start3A_205 : memref<1x16x128xi32, #tpu.memory_space<hbm>> -> memref<16x128xi32, #tpu.memory_space<hbm>>
        tpu.enqueue_dma source(%dma_start3A_206 : memref<16x128xi32, #tpu.memory_space<hbm>>) target(%dma_start3A_203 : memref<16x128xi32, #tpu.memory_space<vmem>>) target_semaphore(%arg13 : memref<!tpu.dma_semaphore, #tpu.memory_space<semaphore_mem>>)
      } else {
      }
      %add3A_79 = arith.constant 1 : i32
      %add3A_80 = arith.addi %sub3A_72, %add3A_79 : i32
      %dma_start3A_81 = arith.constant 1 : i32
      %dma_start3A_82 = arith.constant 0 : i32
      %dma_start3A_83 = arith.constant 0 : i32
      %dma_start3A_84 = tpu.memref_slice %arg8[%dma_start3A_81, %dma_start3A_82, %dma_start3A_83] : memref<2x128x128xf32, #tpu.memory_space<vmem>> -> memref<1x128x128xf32, #tpu.memory_space<vmem>>
      %dma_start3A_85 = tpu.memref_squeeze %dma_start3A_84 : memref<1x128x128xf32, #tpu.memory_space<vmem>> -> memref<128x128xf32, #tpu.memory_space<vmem>>
      %dma_start3A_86 = arith.constant 0 : i32
      %dma_start3A_87 = tpu.memref_slice %arg6[%rem3A_69, %add3A_80, %dma_start3A_86] : memref<2x16x128xi32, #tpu.memory_space<vmem>> -> memref<1x1x128xi32, #tpu.memory_space<vmem>>
      %dma_start3A_88 = tpu.memref_squeeze %dma_start3A_87 : memref<1x1x128xi32, #tpu.memory_space<vmem>> -> memref<128xi32, #tpu.memory_space<vmem>>
      %dma_start3A_89 = arith.constant 0 : i32
      %dma_start3A_90 = arith.constant 0 : i32
      %dma_start3A_91 = tpu.memref_slice %arg2[%dma_start3A_89, %dma_start3A_90] : memref<10240x128xf32, #tpu.memory_space<hbm>> -> memref<10240x128xf32, #tpu.memory_space<hbm>>
      tpu.enqueue_indirect_dma source(%dma_start3A_91 : memref<10240x128xf32, #tpu.memory_space<hbm>>) target(%dma_start3A_85 : memref<128x128xf32, #tpu.memory_space<vmem>>) offsets(%dma_start3A_88 : memref<128xi32, #tpu.memory_space<vmem>>) semaphore(%arg12 : memref<!tpu.dma_semaphore, #tpu.memory_space<semaphore_mem>>)
      %dma_wait3A_92 = arith.constant 0 : i32
      %dma_wait3A_93 = arith.constant 0 : i32
      %dma_wait3A_94 = arith.constant 0 : i32
      %dma_wait3A_95 = tpu.memref_slice %arg8[%dma_wait3A_92, %dma_wait3A_93, %dma_wait3A_94] : memref<2x128x128xf32, #tpu.memory_space<vmem>> -> memref<1x128x128xf32, #tpu.memory_space<vmem>>
      %dma_wait3A_96 = tpu.memref_squeeze %dma_wait3A_95 : memref<1x128x128xf32, #tpu.memory_space<vmem>> -> memref<128x128xf32, #tpu.memory_space<vmem>>
      %dma_wait3A_97 = arith.constant 0 : i32
      %dma_wait3A_98 = tpu.memref_slice %arg6[%rem3A_69, %sub3A_72, %dma_wait3A_97] : memref<2x16x128xi32, #tpu.memory_space<vmem>> -> memref<1x1x128xi32, #tpu.memory_space<vmem>>
      %dma_wait3A_99 = tpu.memref_squeeze %dma_wait3A_98 : memref<1x1x128xi32, #tpu.memory_space<vmem>> -> memref<128xi32, #tpu.memory_space<vmem>>
      %dma_wait3A_100 = arith.constant 0 : i32
      %dma_wait3A_101 = arith.constant 0 : i32
      %dma_wait3A_102 = tpu.memref_slice %arg2[%dma_wait3A_100, %dma_wait3A_101] : memref<10240x128xf32, #tpu.memory_space<hbm>> -> memref<10240x128xf32, #tpu.memory_space<hbm>>
      tpu.wait_indirect_dma semaphore(%arg11 : memref<!tpu.dma_semaphore, #tpu.memory_space<semaphore_mem>>) src(%dma_wait3A_102 : memref<10240x128xf32, #tpu.memory_space<hbm>>) dst(%dma_wait3A_96 : memref<128x128xf32, #tpu.memory_space<vmem>>)
      %run_scoped3A_103 = arith.constant 0 : i32
      "tpu.region"() ({
        %run_scoped3A_167 = tpu.sem_alloc : memref<!tpu.dma_semaphore, #tpu.memory_space<semaphore_mem>>
        %dma_start3A_168 = arith.constant 0 : i32
        %dma_start3A_169 = arith.constant 0 : i32
        %dma_start3A_170 = tpu.memref_slice %arg8[%run_scoped3A_103, %dma_start3A_168, %dma_start3A_169] : memref<2x128x128xf32, #tpu.memory_space<vmem>> -> memref<1x128x128xf32, #tpu.memory_space<vmem>>
        %dma_start3A_171 = tpu.memref_squeeze %dma_start3A_170 : memref<1x128x128xf32, #tpu.memory_space<vmem>> -> memref<128x128xf32, #tpu.memory_space<vmem>>
        %dma_start3A_172 = arith.constant 0 : i32
        %dma_start3A_173 = tpu.memref_slice %arg7[%rem3A_69, %sub3A_72, %dma_start3A_172] : memref<2x16x128xi32, #tpu.memory_space<vmem>> -> memref<1x1x128xi32, #tpu.memory_space<vmem>>
        %dma_start3A_174 = tpu.memref_squeeze %dma_start3A_173 : memref<1x1x128xi32, #tpu.memory_space<vmem>> -> memref<128xi32, #tpu.memory_space<vmem>>
        %dma_start3A_175 = arith.constant 0 : i32
        %dma_start3A_176 = arith.constant 0 : i32
        %dma_start3A_177 = tpu.memref_slice %arg10[%dma_start3A_175, %dma_start3A_176] : memref<10240x128xf32, #tpu.memory_space<vmem_shared>> -> memref<10240x128xf32, #tpu.memory_space<vmem_shared>>
        tpu.enqueue_indirect_dma source(%dma_start3A_171 : memref<128x128xf32, #tpu.memory_space<vmem>>) target(%dma_start3A_177 : memref<10240x128xf32, #tpu.memory_space<vmem_shared>>) offsets(%dma_start3A_174 : memref<128xi32, #tpu.memory_space<vmem>>) semaphore(%run_scoped3A_167 : memref<!tpu.dma_semaphore, #tpu.memory_space<semaphore_mem>>) {add = true}
        %dma_wait3A_178 = arith.constant 0 : i32
        %dma_wait3A_179 = arith.constant 0 : i32
        %dma_wait3A_180 = tpu.memref_slice %arg8[%run_scoped3A_103, %dma_wait3A_178, %dma_wait3A_179] : memref<2x128x128xf32, #tpu.memory_space<vmem>> -> memref<1x128x128xf32, #tpu.memory_space<vmem>>
        %dma_wait3A_181 = tpu.memref_squeeze %dma_wait3A_180 : memref<1x128x128xf32, #tpu.memory_space<vmem>> -> memref<128x128xf32, #tpu.memory_space<vmem>>
        %dma_wait3A_182 = arith.constant 0 : i32
        %dma_wait3A_183 = tpu.memref_slice %arg7[%rem3A_69, %sub3A_72, %dma_wait3A_182] : memref<2x16x128xi32, #tpu.memory_space<vmem>> -> memref<1x1x128xi32, #tpu.memory_space<vmem>>
        %dma_wait3A_184 = tpu.memref_squeeze %dma_wait3A_183 : memref<1x1x128xi32, #tpu.memory_space<vmem>> -> memref<128xi32, #tpu.memory_space<vmem>>
        %dma_wait3A_185 = arith.constant 0 : i32
        %dma_wait3A_186 = arith.constant 0 : i32
        %dma_wait3A_187 = tpu.memref_slice %arg10[%dma_wait3A_185, %dma_wait3A_186] : memref<10240x128xf32, #tpu.memory_space<vmem_shared>> -> memref<10240x128xf32, #tpu.memory_space<vmem_shared>>
        tpu.wait_indirect_dma semaphore(%run_scoped3A_167 : memref<!tpu.dma_semaphore, #tpu.memory_space<semaphore_mem>>) src(%dma_wait3A_181 : memref<128x128xf32, #tpu.memory_space<vmem>>) dst(%dma_wait3A_187 : memref<10240x128xf32, #tpu.memory_space<vmem_shared>>)
        tpu.yield
      }) : () -> ()
      %eq3A_104 = arith.constant 7 : i32
      %eq3A_105 = arith.cmpi eq, %rem3A_74, %eq3A_104 : i32
      %convert_element_type3A_106 = arith.extui %eq3A_105 : i1 to i32
      %cond3A_107 = arith.constant 0 : i32
      %cond3A_108 = arith.cmpi ne, %convert_element_type3A_106, %cond3A_107 : i32
      scf.if %cond3A_108 {
        %add3A_167 = arith.constant 1 : i32
        %add3A_168 = arith.addi %select_n3A, %add3A_167 : i32
        %mul3A_169 = arith.constant 16 : i32
        %mul3A_170 = arith.muli %add3A_168, %mul3A_169 : i32
        %sub3A_171 = arith.constant 1 : i32
        %sub3A_172 = arith.subi %sub3A_171, %rem3A_69 : i32
        %dma_wait3A_173 = arith.constant 0 : i32
        %dma_wait3A_174 = arith.constant 0 : i32
        %dma_wait3A_175 = tpu.memref_slice %arg6[%sub3A_172, %dma_wait3A_173, %dma_wait3A_174] : memref<2x16x128xi32, #tpu.memory_space<vmem>> -> memref<1x16x128xi32, #tpu.memory_space<vmem>>
        %dma_wait3A_176 = tpu.memref_squeeze %dma_wait3A_175 : memref<1x16x128xi32, #tpu.memory_space<vmem>> -> memref<16x128xi32, #tpu.memory_space<vmem>>
        %dma_wait3A_177 = arith.constant 0 : i32
        %dma_wait3A_178 = tpu.memref_slice %arg3[%add3A, %mul3A_170, %dma_wait3A_177] : memref<32x80x128xi32, #tpu.memory_space<hbm>> -> memref<1x16x128xi32, #tpu.memory_space<hbm>>
        %dma_wait3A_179 = tpu.memref_squeeze %dma_wait3A_178 : memref<1x16x128xi32, #tpu.memory_space<hbm>> -> memref<16x128xi32, #tpu.memory_space<hbm>>
        %dma_wait3A_180 = arith.constant 0 : i32
        %dma_wait3A_181 = arith.constant 0 : i32
        %dma_wait3A_182 = tpu.memref_slice %arg6[%sub3A_172, %dma_wait3A_180, %dma_wait3A_181] : memref<2x16x128xi32, #tpu.memory_space<vmem>> -> memref<1x16x128xi32, #tpu.memory_space<vmem>>
        %dma_wait3A_183 = tpu.memref_squeeze %dma_wait3A_182 : memref<1x16x128xi32, #tpu.memory_space<vmem>> -> memref<16x128xi32, #tpu.memory_space<vmem>>
        %dma_wait3A_184 = arith.constant 0 : i32
        %dma_wait3A_185 = tpu.memref_slice %arg3[%add3A, %mul3A_170, %dma_wait3A_184] : memref<32x80x128xi32, #tpu.memory_space<hbm>> -> memref<1x16x128xi32, #tpu.memory_space<hbm>>
        %dma_wait3A_186 = tpu.memref_squeeze %dma_wait3A_185 : memref<1x16x128xi32, #tpu.memory_space<hbm>> -> memref<16x128xi32, #tpu.memory_space<hbm>>
        tpu.wait_dma2 semaphore(%arg13 : memref<!tpu.dma_semaphore, #tpu.memory_space<semaphore_mem>>) src(%dma_wait3A_186 : memref<16x128xi32, #tpu.memory_space<hbm>>) dst(%dma_wait3A_183 : memref<16x128xi32, #tpu.memory_space<vmem>>)
        %add3A_187 = arith.constant 1 : i32
        %add3A_188 = arith.addi %select_n3A, %add3A_187 : i32
        %mul3A_189 = arith.constant 16 : i32
        %mul3A_190 = arith.muli %add3A_188, %mul3A_189 : i32
        %sub3A_191 = arith.constant 1 : i32
        %sub3A_192 = arith.subi %sub3A_191, %rem3A_69 : i32
        %dma_wait3A_193 = arith.constant 0 : i32
        %dma_wait3A_194 = arith.constant 0 : i32
        %dma_wait3A_195 = tpu.memref_slice %arg7[%sub3A_192, %dma_wait3A_193, %dma_wait3A_194] : memref<2x16x128xi32, #tpu.memory_space<vmem>> -> memref<1x16x128xi32, #tpu.memory_space<vmem>>
        %dma_wait3A_196 = tpu.memref_squeeze %dma_wait3A_195 : memref<1x16x128xi32, #tpu.memory_space<vmem>> -> memref<16x128xi32, #tpu.memory_space<vmem>>
        %dma_wait3A_197 = arith.constant 0 : i32
        %dma_wait3A_198 = tpu.memref_slice %arg4[%add3A, %mul3A_190, %dma_wait3A_197] : memref<32x80x128xi32, #tpu.memory_space<hbm>> -> memref<1x16x128xi32, #tpu.memory_space<hbm>>
        %dma_wait3A_199 = tpu.memref_squeeze %dma_wait3A_198 : memref<1x16x128xi32, #tpu.memory_space<hbm>> -> memref<16x128xi32, #tpu.memory_space<hbm>>
        %dma_wait3A_200 = arith.constant 0 : i32
        %dma_wait3A_201 = arith.constant 0 : i32
        %dma_wait3A_202 = tpu.memref_slice %arg7[%sub3A_192, %dma_wait3A_200, %dma_wait3A_201] : memref<2x16x128xi32, #tpu.memory_space<vmem>> -> memref<1x16x128xi32, #tpu.memory_space<vmem>>
        %dma_wait3A_203 = tpu.memref_squeeze %dma_wait3A_202 : memref<1x16x128xi32, #tpu.memory_space<vmem>> -> memref<16x128xi32, #tpu.memory_space<vmem>>
        %dma_wait3A_204 = arith.constant 0 : i32
        %dma_wait3A_205 = tpu.memref_slice %arg4[%add3A, %mul3A_190, %dma_wait3A_204] : memref<32x80x128xi32, #tpu.memory_space<hbm>> -> memref<1x16x128xi32, #tpu.memory_space<hbm>>
        %dma_wait3A_206 = tpu.memref_squeeze %dma_wait3A_205 : memref<1x16x128xi32, #tpu.memory_space<hbm>> -> memref<16x128xi32, #tpu.memory_space<hbm>>
        tpu.wait_dma2 semaphore(%arg13 : memref<!tpu.dma_semaphore, #tpu.memory_space<semaphore_mem>>) src(%dma_wait3A_206 : memref<16x128xi32, #tpu.memory_space<hbm>>) dst(%dma_wait3A_203 : memref<16x128xi32, #tpu.memory_space<vmem>>)
      } else {
      }
      %add3A_109 = arith.constant 2 : i32
      %add3A_110 = arith.addi %mul3A_51, %add3A_109 : i32
      %jit3A_111 = arith.constant 16 : i32
      %div3A_112 = arith.divsi %add3A_110, %jit3A_111 : i32
      %sign3A_113 = arith.constant 0 : i32
      %sign3A_114 = arith.cmpi sgt, %add3A_110, %sign3A_113 : i32
      %sign3A_115 = arith.extui %sign3A_114 : i1 to i32
      %sign3A_116 = arith.constant 0 : i32
      %sign3A_117 = arith.cmpi slt, %add3A_110, %sign3A_116 : i32
      %sign3A_118 = arith.extui %sign3A_117 : i1 to i32
      %sign3A_119 = arith.subi %sign3A_115, %sign3A_118 : i32
      %sign3A_120 = arith.constant 0 : i32
      %sign3A_121 = arith.cmpi sgt, %jit3A_111, %sign3A_120 : i32
      %sign3A_122 = arith.extui %sign3A_121 : i1 to i32
      %sign3A_123 = arith.constant 0 : i32
      %sign3A_124 = arith.cmpi slt, %jit3A_111, %sign3A_123 : i32
      %sign3A_125 = arith.extui %sign3A_124 : i1 to i32
      %sign3A_126 = arith.subi %sign3A_122, %sign3A_125 : i32
      %ne3A_127 = arith.cmpi ne, %sign3A_119, %sign3A_126 : i32
      %rem3A_128 = arith.remsi %add3A_110, %jit3A_111 : i32
      %ne3A_129 = arith.constant 0 : i32
      %ne3A_130 = arith.cmpi ne, %rem3A_128, %ne3A_129 : i32
      %and3A_131 = arith.andi %ne3A_127, %ne3A_130 : i1
      %sub3A_132 = arith.constant 1 : i32
      %sub3A_133 = arith.subi %div3A_112, %sub3A_132 : i32
      %select_n3A_134 = arith.select %and3A_131, %sub3A_133, %div3A_112 : i32
      %rem3A_135 = arith.constant 2 : i32
      %rem3A_136 = arith.remsi %select_n3A_134, %rem3A_135 : i32
      %mul3A_137 = arith.constant 16 : i32
      %mul3A_138 = arith.muli %select_n3A_134, %mul3A_137 : i32
      %sub3A_139 = arith.subi %add3A_110, %mul3A_138 : i32
      %dma_start3A_140 = arith.constant 0 : i32
      %dma_start3A_141 = arith.constant 0 : i32
      %dma_start3A_142 = arith.constant 0 : i32
      %dma_start3A_143 = tpu.memref_slice %arg8[%dma_start3A_140, %dma_start3A_141, %dma_start3A_142] : memref<2x128x128xf32, #tpu.memory_space<vmem>> -> memref<1x128x128xf32, #tpu.memory_space<vmem>>
      %dma_start3A_144 = tpu.memref_squeeze %dma_start3A_143 : memref<1x128x128xf32, #tpu.memory_space<vmem>> -> memref<128x128xf32, #tpu.memory_space<vmem>>
      %dma_start3A_145 = arith.constant 0 : i32
      %dma_start3A_146 = tpu.memref_slice %arg6[%rem3A_136, %sub3A_139, %dma_start3A_145] : memref<2x16x128xi32, #tpu.memory_space<vmem>> -> memref<1x1x128xi32, #tpu.memory_space<vmem>>
      %dma_start3A_147 = tpu.memref_squeeze %dma_start3A_146 : memref<1x1x128xi32, #tpu.memory_space<vmem>> -> memref<128xi32, #tpu.memory_space<vmem>>
      %dma_start3A_148 = arith.constant 0 : i32
      %dma_start3A_149 = arith.constant 0 : i32
      %dma_start3A_150 = tpu.memref_slice %arg2[%dma_start3A_148, %dma_start3A_149] : memref<10240x128xf32, #tpu.memory_space<hbm>> -> memref<10240x128xf32, #tpu.memory_space<hbm>>
      tpu.enqueue_indirect_dma source(%dma_start3A_150 : memref<10240x128xf32, #tpu.memory_space<hbm>>) target(%dma_start3A_144 : memref<128x128xf32, #tpu.memory_space<vmem>>) offsets(%dma_start3A_147 : memref<128xi32, #tpu.memory_space<vmem>>) semaphore(%arg11 : memref<!tpu.dma_semaphore, #tpu.memory_space<semaphore_mem>>)
      %add3A_151 = arith.constant 1 : i32
      %add3A_152 = arith.addi %sub3A_72, %add3A_151 : i32
      %dma_wait3A_153 = arith.constant 1 : i32
      %dma_wait3A_154 = arith.constant 0 : i32
      %dma_wait3A_155 = arith.constant 0 : i32
      %dma_wait3A_156 = tpu.memref_slice %arg8[%dma_wait3A_153, %dma_wait3A_154, %dma_wait3A_155] : memref<2x128x128xf32, #tpu.memory_space<vmem>> -> memref<1x128x128xf32, #tpu.memory_space<vmem>>
      %dma_wait3A_157 = tpu.memref_squeeze %dma_wait3A_156 : memref<1x128x128xf32, #tpu.memory_space<vmem>> -> memref<128x128xf32, #tpu.memory_space<vmem>>
      %dma_wait3A_158 = arith.constant 0 : i32
      %dma_wait3A_159 = tpu.memref_slice %arg6[%rem3A_69, %add3A_152, %dma_wait3A_158] : memref<2x16x128xi32, #tpu.memory_space<vmem>> -> memref<1x1x128xi32, #tpu.memory_space<vmem>>
      %dma_wait3A_160 = tpu.memref_squeeze %dma_wait3A_159 : memref<1x1x128xi32, #tpu.memory_space<vmem>> -> memref<128xi32, #tpu.memory_space<vmem>>
      %dma_wait3A_161 = arith.constant 0 : i32
      %dma_wait3A_162 = arith.constant 0 : i32
      %dma_wait3A_163 = tpu.memref_slice %arg2[%dma_wait3A_161, %dma_wait3A_162] : memref<10240x128xf32, #tpu.memory_space<hbm>> -> memref<10240x128xf32, #tpu.memory_space<hbm>>
      tpu.wait_indirect_dma semaphore(%arg12 : memref<!tpu.dma_semaphore, #tpu.memory_space<semaphore_mem>>) src(%dma_wait3A_163 : memref<10240x128xf32, #tpu.memory_space<hbm>>) dst(%dma_wait3A_157 : memref<128x128xf32, #tpu.memory_space<vmem>>)
      %add3A_164 = arith.constant 1 : i32
      %add3A_165 = arith.addi %sub3A_72, %add3A_164 : i32
      %run_scoped3A_166 = arith.constant 1 : i32
      "tpu.region"() ({
        %run_scoped3A_167 = tpu.sem_alloc : memref<!tpu.dma_semaphore, #tpu.memory_space<semaphore_mem>>
        %dma_start3A_168 = arith.constant 0 : i32
        %dma_start3A_169 = arith.constant 0 : i32
        %dma_start3A_170 = tpu.memref_slice %arg8[%run_scoped3A_166, %dma_start3A_168, %dma_start3A_169] : memref<2x128x128xf32, #tpu.memory_space<vmem>> -> memref<1x128x128xf32, #tpu.memory_space<vmem>>
        %dma_start3A_171 = tpu.memref_squeeze %dma_start3A_170 : memref<1x128x128xf32, #tpu.memory_space<vmem>> -> memref<128x128xf32, #tpu.memory_space<vmem>>
        %dma_start3A_172 = arith.constant 0 : i32
        %dma_start3A_173 = tpu.memref_slice %arg7[%rem3A_69, %add3A_165, %dma_start3A_172] : memref<2x16x128xi32, #tpu.memory_space<vmem>> -> memref<1x1x128xi32, #tpu.memory_space<vmem>>
        %dma_start3A_174 = tpu.memref_squeeze %dma_start3A_173 : memref<1x1x128xi32, #tpu.memory_space<vmem>> -> memref<128xi32, #tpu.memory_space<vmem>>
        %dma_start3A_175 = arith.constant 0 : i32
        %dma_start3A_176 = arith.constant 0 : i32
        %dma_start3A_177 = tpu.memref_slice %arg10[%dma_start3A_175, %dma_start3A_176] : memref<10240x128xf32, #tpu.memory_space<vmem_shared>> -> memref<10240x128xf32, #tpu.memory_space<vmem_shared>>
        tpu.enqueue_indirect_dma source(%dma_start3A_171 : memref<128x128xf32, #tpu.memory_space<vmem>>) target(%dma_start3A_177 : memref<10240x128xf32, #tpu.memory_space<vmem_shared>>) offsets(%dma_start3A_174 : memref<128xi32, #tpu.memory_space<vmem>>) semaphore(%run_scoped3A_167 : memref<!tpu.dma_semaphore, #tpu.memory_space<semaphore_mem>>) {add = true}
        %dma_wait3A_178 = arith.constant 0 : i32
        %dma_wait3A_179 = arith.constant 0 : i32
        %dma_wait3A_180 = tpu.memref_slice %arg8[%run_scoped3A_166, %dma_wait3A_178, %dma_wait3A_179] : memref<2x128x128xf32, #tpu.memory_space<vmem>> -> memref<1x128x128xf32, #tpu.memory_space<vmem>>
        %dma_wait3A_181 = tpu.memref_squeeze %dma_wait3A_180 : memref<1x128x128xf32, #tpu.memory_space<vmem>> -> memref<128x128xf32, #tpu.memory_space<vmem>>
        %dma_wait3A_182 = arith.constant 0 : i32
        %dma_wait3A_183 = tpu.memref_slice %arg7[%rem3A_69, %add3A_165, %dma_wait3A_182] : memref<2x16x128xi32, #tpu.memory_space<vmem>> -> memref<1x1x128xi32, #tpu.memory_space<vmem>>
        %dma_wait3A_184 = tpu.memref_squeeze %dma_wait3A_183 : memref<1x1x128xi32, #tpu.memory_space<vmem>> -> memref<128xi32, #tpu.memory_space<vmem>>
        %dma_wait3A_185 = arith.constant 0 : i32
        %dma_wait3A_186 = arith.constant 0 : i32
        %dma_wait3A_187 = tpu.memref_slice %arg10[%dma_wait3A_185, %dma_wait3A_186] : memref<10240x128xf32, #tpu.memory_space<vmem_shared>> -> memref<10240x128xf32, #tpu.memory_space<vmem_shared>>
        tpu.wait_indirect_dma semaphore(%run_scoped3A_167 : memref<!tpu.dma_semaphore, #tpu.memory_space<semaphore_mem>>) src(%dma_wait3A_181 : memref<128x128xf32, #tpu.memory_space<vmem>>) dst(%dma_wait3A_187 : memref<10240x128xf32, #tpu.memory_space<vmem_shared>>)
        tpu.yield
      }) : () -> ()
    }
    %scan3A_32 = arith.constant 39 : i32
    %dma_wait3A = arith.constant 0 : i32
    %dma_wait3A_33 = arith.constant 14 : i32
    %dma_wait3A_34 = arith.constant 0 : i32
    %dma_wait3A_35 = arith.constant 0 : i32
    %dma_wait3A_36 = arith.constant 0 : i32
    %dma_wait3A_37 = tpu.memref_slice %arg8[%dma_wait3A_34, %dma_wait3A_35, %dma_wait3A_36] : memref<2x128x128xf32, #tpu.memory_space<vmem>> -> memref<1x128x128xf32, #tpu.memory_space<vmem>>
    %dma_wait3A_38 = tpu.memref_squeeze %dma_wait3A_37 : memref<1x128x128xf32, #tpu.memory_space<vmem>> -> memref<128x128xf32, #tpu.memory_space<vmem>>
    %dma_wait3A_39 = arith.constant 0 : i32
    %dma_wait3A_40 = tpu.memref_slice %arg6[%dma_wait3A, %dma_wait3A_33, %dma_wait3A_39] : memref<2x16x128xi32, #tpu.memory_space<vmem>> -> memref<1x1x128xi32, #tpu.memory_space<vmem>>
    %dma_wait3A_41 = tpu.memref_squeeze %dma_wait3A_40 : memref<1x1x128xi32, #tpu.memory_space<vmem>> -> memref<128xi32, #tpu.memory_space<vmem>>
    %dma_wait3A_42 = arith.constant 0 : i32
    %dma_wait3A_43 = arith.constant 0 : i32
    %dma_wait3A_44 = tpu.memref_slice %arg2[%dma_wait3A_42, %dma_wait3A_43] : memref<10240x128xf32, #tpu.memory_space<hbm>> -> memref<10240x128xf32, #tpu.memory_space<hbm>>
    tpu.wait_indirect_dma semaphore(%arg11 : memref<!tpu.dma_semaphore, #tpu.memory_space<semaphore_mem>>) src(%dma_wait3A_44 : memref<10240x128xf32, #tpu.memory_space<hbm>>) dst(%dma_wait3A_38 : memref<128x128xf32, #tpu.memory_space<vmem>>)
    %run_scoped3A_45 = arith.constant 0 : i32
    %run_scoped3A_46 = arith.constant 0 : i32
    %run_scoped3A_47 = arith.constant 14 : i32
    "tpu.region"() ({
      %run_scoped3A_49 = tpu.sem_alloc : memref<!tpu.dma_semaphore, #tpu.memory_space<semaphore_mem>>
      %dma_start3A_50 = arith.constant 0 : i32
      %dma_start3A_51 = arith.constant 0 : i32
      %dma_start3A_52 = tpu.memref_slice %arg8[%run_scoped3A_45, %dma_start3A_50, %dma_start3A_51] : memref<2x128x128xf32, #tpu.memory_space<vmem>> -> memref<1x128x128xf32, #tpu.memory_space<vmem>>
      %dma_start3A_53 = tpu.memref_squeeze %dma_start3A_52 : memref<1x128x128xf32, #tpu.memory_space<vmem>> -> memref<128x128xf32, #tpu.memory_space<vmem>>
      %dma_start3A_54 = arith.constant 0 : i32
      %dma_start3A_55 = tpu.memref_slice %arg7[%run_scoped3A_46, %run_scoped3A_47, %dma_start3A_54] : memref<2x16x128xi32, #tpu.memory_space<vmem>> -> memref<1x1x128xi32, #tpu.memory_space<vmem>>
      %dma_start3A_56 = tpu.memref_squeeze %dma_start3A_55 : memref<1x1x128xi32, #tpu.memory_space<vmem>> -> memref<128xi32, #tpu.memory_space<vmem>>
      %dma_start3A_57 = arith.constant 0 : i32
      %dma_start3A_58 = arith.constant 0 : i32
      %dma_start3A_59 = tpu.memref_slice %arg10[%dma_start3A_57, %dma_start3A_58] : memref<10240x128xf32, #tpu.memory_space<vmem_shared>> -> memref<10240x128xf32, #tpu.memory_space<vmem_shared>>
      tpu.enqueue_indirect_dma source(%dma_start3A_53 : memref<128x128xf32, #tpu.memory_space<vmem>>) target(%dma_start3A_59 : memref<10240x128xf32, #tpu.memory_space<vmem_shared>>) offsets(%dma_start3A_56 : memref<128xi32, #tpu.memory_space<vmem>>) semaphore(%run_scoped3A_49 : memref<!tpu.dma_semaphore, #tpu.memory_space<semaphore_mem>>) {add = true}
      %dma_wait3A_60 = arith.constant 0 : i32
      %dma_wait3A_61 = arith.constant 0 : i32
      %dma_wait3A_62 = tpu.memref_slice %arg8[%run_scoped3A_45, %dma_wait3A_60, %dma_wait3A_61] : memref<2x128x128xf32, #tpu.memory_space<vmem>> -> memref<1x128x128xf32, #tpu.memory_space<vmem>>
      %dma_wait3A_63 = tpu.memref_squeeze %dma_wait3A_62 : memref<1x128x128xf32, #tpu.memory_space<vmem>> -> memref<128x128xf32, #tpu.memory_space<vmem>>
      %dma_wait3A_64 = arith.constant 0 : i32
      %dma_wait3A_65 = tpu.memref_slice %arg7[%run_scoped3A_46, %run_scoped3A_47, %dma_wait3A_64] : memref<2x16x128xi32, #tpu.memory_space<vmem>> -> memref<1x1x128xi32, #tpu.memory_space<vmem>>
      %dma_wait3A_66 = tpu.memref_squeeze %dma_wait3A_65 : memref<1x1x128xi32, #tpu.memory_space<vmem>> -> memref<128xi32, #tpu.memory_space<vmem>>
      %dma_wait3A_67 = arith.constant 0 : i32
      %dma_wait3A_68 = arith.constant 0 : i32
      %dma_wait3A_69 = tpu.memref_slice %arg10[%dma_wait3A_67, %dma_wait3A_68] : memref<10240x128xf32, #tpu.memory_space<vmem_shared>> -> memref<10240x128xf32, #tpu.memory_space<vmem_shared>>
      tpu.wait_indirect_dma semaphore(%run_scoped3A_49 : memref<!tpu.dma_semaphore, #tpu.memory_space<semaphore_mem>>) src(%dma_wait3A_63 : memref<128x128xf32, #tpu.memory_space<vmem>>) dst(%dma_wait3A_69 : memref<10240x128xf32, #tpu.memory_space<vmem_shared>>)
      tpu.yield
    }) : () -> ()
    %barrier3A_48 = arith.constant 0 : index
    tpu.barrier barrier_id(%barrier3A_48)
    "tpu.region"() ({
      %run_scoped3A_49 = tpu.sem_alloc : memref<!tpu.dma_semaphore, #tpu.memory_space<semaphore_mem>>
      %dma_start3A_50 = arith.constant 0 : i32
      %dma_start3A_51 = tpu.memref_slice %arg5[%arg0, %mul3A_7, %dma_start3A_50] : memref<2x10240x128xf32, #tpu.memory_space<hbm>> -> memref<1x640x128xf32, #tpu.memory_space<hbm>>
      %dma_start3A_52 = tpu.memref_squeeze %dma_start3A_51 : memref<1x640x128xf32, #tpu.memory_space<hbm>> -> memref<640x128xf32, #tpu.memory_space<hbm>>
      %dma_start3A_53 = arith.constant 0 : i32
      %dma_start3A_54 = tpu.memref_slice %arg10[%mul3A_7, %dma_start3A_53] : memref<10240x128xf32, #tpu.memory_space<vmem_shared>> -> memref<640x128xf32, #tpu.memory_space<vmem_shared>>
      tpu.enqueue_dma source(%dma_start3A_54 : memref<640x128xf32, #tpu.memory_space<vmem_shared>>) target(%dma_start3A_52 : memref<640x128xf32, #tpu.memory_space<hbm>>) target_semaphore(%run_scoped3A_49 : memref<!tpu.dma_semaphore, #tpu.memory_space<semaphore_mem>>)
      %dma_wait3A_55 = arith.constant 0 : i32
      %dma_wait3A_56 = tpu.memref_slice %arg5[%arg0, %mul3A_7, %dma_wait3A_55] : memref<2x10240x128xf32, #tpu.memory_space<hbm>> -> memref<1x640x128xf32, #tpu.memory_space<hbm>>
      %dma_wait3A_57 = tpu.memref_squeeze %dma_wait3A_56 : memref<1x640x128xf32, #tpu.memory_space<hbm>> -> memref<640x128xf32, #tpu.memory_space<hbm>>
      %dma_wait3A_58 = arith.constant 0 : i32
      %dma_wait3A_59 = tpu.memref_slice %arg10[%mul3A_7, %dma_wait3A_58] : memref<10240x128xf32, #tpu.memory_space<vmem_shared>> -> memref<640x128xf32, #tpu.memory_space<vmem_shared>>
      tpu.wait_dma2 semaphore(%run_scoped3A_49 : memref<!tpu.dma_semaphore, #tpu.memory_space<semaphore_mem>>) src(%dma_wait3A_59 : memref<640x128xf32, #tpu.memory_space<vmem_shared>>) dst(%dma_wait3A_57 : memref<640x128xf32, #tpu.memory_space<hbm>>)
      tpu.yield
    }) : () -> ()
    return
  }
}

#map = affine_map<(d0, d1) -> (0, 0)>
#map1 = affine_map<(d0, d1) -> (0, 0, 0)>
module attributes {stable_mosaic.version = 14 : i64} {
  func.func @_edge_sum_kernel(%arg0: i32, %arg1: i32, %arg2: memref<10240x128xf32, #tpu.memory_space<hbm>>, %arg3: memref<32x80x128xi32, #tpu.memory_space<hbm>>, %arg4: memref<32x80x128xi32, #tpu.memory_space<hbm>>, %arg5: memref<2x10240x128xf32, #tpu.memory_space<hbm>>, %arg6: memref<2x16x128xi32, #tpu.memory_space<vmem>>, %arg7: memref<2x16x128xi32, #tpu.memory_space<vmem>>, %arg8: memref<2x128x128xf32, #tpu.memory_space<vmem>>, %arg9: memref<32x128xf32, #tpu.memory_space<vmem>>, %arg10: memref<10240x128xf32, #tpu.memory_space<vmem_shared>>, %arg11: memref<!tpu.dma_semaphore, #tpu.memory_space<semaphore_mem>>, %arg12: memref<!tpu.dma_semaphore, #tpu.memory_space<semaphore_mem>>, %arg13: memref<!tpu.dma_semaphore, #tpu.memory_space<semaphore_mem>>) attributes {dimension_semantics = [#tpu.dimension_semantics<core_parallel>, #tpu.dimension_semantics<subcore_parallel>], iteration_bounds = array<i64: 2, 16>, scalar_prefetch = 0 : i64, scratch_operands = 8 : i64, tpu.core_type = #tpu.core_type<sc_vector_subcore>, window_params = [{transform_indices = #map}, {transform_indices = #map1}, {transform_indices = #map1}, {transform_indices = #map1}]} {
    %mul3A = arith.constant 2 : i32
    %mul3A_0 = arith.muli %arg1, %mul3A : i32
    %add3A = arith.addi %mul3A_0, %arg0 : i32
    %scan3A = arith.constant 0 : i32
    %scan3A_1 = arith.constant 0 : i32
    %scan3A_2 = arith.constant 256 : i32
    %scan3A_3 = arith.addi %scan3A_1, %scan3A_2 : i32
    %scan3A_4 = arith.constant 1 : i32
    scf.for %scan3A_49 = %scan3A_1 to %scan3A_3 step %scan3A_4  : i32 {
      %broadcast_in_dim3A = arith.constant 0.000000e+00 : f32
      %broadcast_in_dim3A_50 = vector.broadcast %broadcast_in_dim3A : f32 to vector<16xf32>
      %jit3A = arith.constant 8 : i32
      %div3A = arith.divsi %scan3A_49, %jit3A : i32
      %sign3A = arith.constant 0 : i32
      %sign3A_51 = arith.cmpi sgt, %scan3A_49, %sign3A : i32
      %sign3A_52 = arith.extui %sign3A_51 : i1 to i32
      %sign3A_53 = arith.constant 0 : i32
      %sign3A_54 = arith.cmpi slt, %scan3A_49, %sign3A_53 : i32
      %sign3A_55 = arith.extui %sign3A_54 : i1 to i32
      %sign3A_56 = arith.subi %sign3A_52, %sign3A_55 : i32
      %sign3A_57 = arith.constant 0 : i32
      %sign3A_58 = arith.cmpi sgt, %jit3A, %sign3A_57 : i32
      %sign3A_59 = arith.extui %sign3A_58 : i1 to i32
      %sign3A_60 = arith.constant 0 : i32
      %sign3A_61 = arith.cmpi slt, %jit3A, %sign3A_60 : i32
      %sign3A_62 = arith.extui %sign3A_61 : i1 to i32
      %sign3A_63 = arith.subi %sign3A_59, %sign3A_62 : i32
      %ne3A = arith.cmpi ne, %sign3A_56, %sign3A_63 : i32
      %rem3A = arith.remsi %scan3A_49, %jit3A : i32
      %ne3A_64 = arith.constant 0 : i32
      %ne3A_65 = arith.cmpi ne, %rem3A, %ne3A_64 : i32
      %and3A = arith.andi %ne3A, %ne3A_65 : i1
      %sub3A = arith.constant 1 : i32
      %sub3A_66 = arith.subi %div3A, %sub3A : i32
      %select_n3A = arith.select %and3A, %sub3A_66, %div3A : i32
      %jit3A_67 = arith.constant 8 : i32
      %eq3A = arith.constant 0 : i32
      %eq3A_68 = arith.cmpi eq, %jit3A_67, %eq3A : i32
      %jit3A_69 = arith.constant 1 : i32
      %select_n3A_70 = arith.select %eq3A_68, %jit3A_69, %jit3A_67 : i32
      %rem3A_71 = arith.remsi %scan3A_49, %select_n3A_70 : i32
      %ne3A_72 = arith.constant 0 : i32
      %ne3A_73 = arith.cmpi ne, %rem3A_71, %ne3A_72 : i32
      %lt3A = arith.constant 0 : i32
      %lt3A_74 = arith.cmpi slt, %rem3A_71, %lt3A : i32
      %lt3A_75 = arith.constant 0 : i32
      %lt3A_76 = arith.cmpi slt, %select_n3A_70, %lt3A_75 : i32
      %ne3A_77 = arith.xori %lt3A_74, %lt3A_76 : i1
      %and3A_78 = arith.andi %ne3A_77, %ne3A_73 : i1
      %add3A_79 = arith.addi %rem3A_71, %select_n3A_70 : i32
      %select_n3A_80 = arith.select %and3A_78, %add3A_79, %rem3A_71 : i32
      %mul3A_81 = arith.constant 16 : i32
      %mul3A_82 = arith.muli %select_n3A_80, %mul3A_81 : i32
      %swap3A = arith.index_cast %select_n3A : i32 to index
      %swap3A_83 = arith.index_cast %mul3A_82 : i32 to index
      %swap3A_84 = tpu.vector_load %arg9[%swap3A, %swap3A_83] {strides = array<i32>} : memref<32x128xf32, #tpu.memory_space<vmem>>, vector<1x16xf32>,
      %swap3A_85 = vector.shape_cast %swap3A_84 : vector<1x16xf32> to vector<16xf32>
      %swap3A_86 = vector.shape_cast %broadcast_in_dim3A_50 : vector<16xf32> to vector<1x16xf32>
      tpu.vector_store %arg9[%swap3A, %swap3A_83], %swap3A_86 {strides = array<i32>} : memref<32x128xf32, #tpu.memory_space<vmem>>, vector<1x16xf32>,
    }
    %scan3A_5 = arith.constant 256 : i32
    %mul3A_6 = arith.constant 640 : i32
    %mul3A_7 = arith.muli %arg1, %mul3A_6 : i32
    %scan3A_8 = arith.constant 0 : i32
    %scan3A_9 = arith.constant 0 : i32
    %scan3A_10 = arith.constant 20 : i32
    %scan3A_11 = arith.addi %scan3A_9, %scan3A_10 : i32
    %scan3A_12 = arith.constant 1 : i32
    scf.for %scan3A_49 = %scan3A_9 to %scan3A_11 step %scan3A_12  : i32 {
      %mul3A_50 = arith.constant 32 : i32
      %mul3A_51 = arith.muli %scan3A_49, %mul3A_50 : i32
      %add3A_52 = arith.addi %mul3A_7, %mul3A_51 : i32
      "tpu.region"() ({
        %run_scoped3A_53 = tpu.sem_alloc : memref<!tpu.dma_semaphore, #tpu.memory_space<semaphore_mem>>
        %dma_start3A_54 = arith.constant 0 : i32
        %dma_start3A_55 = tpu.memref_slice %arg10[%add3A_52, %dma_start3A_54] : memref<10240x128xf32, #tpu.memory_space<vmem_shared>> -> memref<32x128xf32, #tpu.memory_space<vmem_shared>>
        %dma_start3A_56 = arith.constant 0 : i32
        %dma_start3A_57 = tpu.memref_slice %arg10[%add3A_52, %dma_start3A_56] : memref<10240x128xf32, #tpu.memory_space<vmem_shared>> -> memref<32x128xf32, #tpu.memory_space<vmem_shared>>
        tpu.enqueue_dma source(%arg9 : memref<32x128xf32, #tpu.memory_space<vmem>>) target(%dma_start3A_57 : memref<32x128xf32, #tpu.memory_space<vmem_shared>>) target_semaphore(%run_scoped3A_53 : memref<!tpu.dma_semaphore, #tpu.memory_space<semaphore_mem>>)
        %dma_wait3A_58 = arith.constant 0 : i32
        %dma_wait3A_59 = tpu.memref_slice %arg10[%add3A_52, %dma_wait3A_58] : memref<10240x128xf32, #tpu.memory_space<vmem_shared>> -> memref<32x128xf32, #tpu.memory_space<vmem_shared>>
        %dma_wait3A_60 = arith.constant 0 : i32
        %dma_wait3A_61 = tpu.memref_slice %arg10[%add3A_52, %dma_wait3A_60] : memref<10240x128xf32, #tpu.memory_space<vmem_shared>> -> memref<32x128xf32, #tpu.memory_space<vmem_shared>>
        tpu.wait_dma2 semaphore(%run_scoped3A_53 : memref<!tpu.dma_semaphore, #tpu.memory_space<semaphore_mem>>) src(%arg9 : memref<32x128xf32, #tpu.memory_space<vmem>>) dst(%dma_wait3A_61 : memref<32x128xf32, #tpu.memory_space<vmem_shared>>)
        tpu.yield
      }) : () -> ()
    }
    %scan3A_13 = arith.constant 20 : i32
    %run_scoped3A = arith.constant 0 : i32
    "tpu.region"() ({
      %run_scoped3A_49 = tpu.sem_alloc : memref<!tpu.dma_semaphore, #tpu.memory_space<semaphore_mem>>
      %dma_start3A_50 = arith.constant 0 : i32
      %dma_start3A_51 = arith.constant 0 : i32
      %dma_start3A_52 = tpu.memref_slice %arg6[%run_scoped3A, %dma_start3A_50, %dma_start3A_51] : memref<2x16x128xi32, #tpu.memory_space<vmem>> -> memref<1x16x128xi32, #tpu.memory_space<vmem>>
      %dma_start3A_53 = tpu.memref_squeeze %dma_start3A_52 : memref<1x16x128xi32, #tpu.memory_space<vmem>> -> memref<16x128xi32, #tpu.memory_space<vmem>>
      %dma_start3A_54 = arith.constant 0 : i32
      %dma_start3A_55 = arith.constant 0 : i32
      %dma_start3A_56 = tpu.memref_slice %arg3[%add3A, %dma_start3A_54, %dma_start3A_55] : memref<32x80x128xi32, #tpu.memory_space<hbm>> -> memref<1x16x128xi32, #tpu.memory_space<hbm>>
      %dma_start3A_57 = tpu.memref_squeeze %dma_start3A_56 : memref<1x16x128xi32, #tpu.memory_space<hbm>> -> memref<16x128xi32, #tpu.memory_space<hbm>>
      %dma_start3A_58 = arith.constant 0 : i32
      %dma_start3A_59 = arith.constant 0 : i32
      %dma_start3A_60 = tpu.memref_slice %arg6[%run_scoped3A, %dma_start3A_58, %dma_start3A_59] : memref<2x16x128xi32, #tpu.memory_space<vmem>> -> memref<1x16x128xi32, #tpu.memory_space<vmem>>
      %dma_start3A_61 = tpu.memref_squeeze %dma_start3A_60 : memref<1x16x128xi32, #tpu.memory_space<vmem>> -> memref<16x128xi32, #tpu.memory_space<vmem>>
      %dma_start3A_62 = arith.constant 0 : i32
      %dma_start3A_63 = arith.constant 0 : i32
      %dma_start3A_64 = tpu.memref_slice %arg3[%add3A, %dma_start3A_62, %dma_start3A_63] : memref<32x80x128xi32, #tpu.memory_space<hbm>> -> memref<1x16x128xi32, #tpu.memory_space<hbm>>
      %dma_start3A_65 = tpu.memref_squeeze %dma_start3A_64 : memref<1x16x128xi32, #tpu.memory_space<hbm>> -> memref<16x128xi32, #tpu.memory_space<hbm>>
      tpu.enqueue_dma source(%dma_start3A_65 : memref<16x128xi32, #tpu.memory_space<hbm>>) target(%dma_start3A_61 : memref<16x128xi32, #tpu.memory_space<vmem>>) target_semaphore(%run_scoped3A_49 : memref<!tpu.dma_semaphore, #tpu.memory_space<semaphore_mem>>)
      %dma_wait3A_66 = arith.constant 0 : i32
      %dma_wait3A_67 = arith.constant 0 : i32
      %dma_wait3A_68 = tpu.memref_slice %arg6[%run_scoped3A, %dma_wait3A_66, %dma_wait3A_67] : memref<2x16x128xi32, #tpu.memory_space<vmem>> -> memref<1x16x128xi32, #tpu.memory_space<vmem>>
      %dma_wait3A_69 = tpu.memref_squeeze %dma_wait3A_68 : memref<1x16x128xi32, #tpu.memory_space<vmem>> -> memref<16x128xi32, #tpu.memory_space<vmem>>
      %dma_wait3A_70 = arith.constant 0 : i32
      %dma_wait3A_71 = arith.constant 0 : i32
      %dma_wait3A_72 = tpu.memref_slice %arg3[%add3A, %dma_wait3A_70, %dma_wait3A_71] : memref<32x80x128xi32, #tpu.memory_space<hbm>> -> memref<1x16x128xi32, #tpu.memory_space<hbm>>
      %dma_wait3A_73 = tpu.memref_squeeze %dma_wait3A_72 : memref<1x16x128xi32, #tpu.memory_space<hbm>> -> memref<16x128xi32, #tpu.memory_space<hbm>>
      %dma_wait3A_74 = arith.constant 0 : i32
      %dma_wait3A_75 = arith.constant 0 : i32
      %dma_wait3A_76 = tpu.memref_slice %arg6[%run_scoped3A, %dma_wait3A_74, %dma_wait3A_75] : memref<2x16x128xi32, #tpu.memory_space<vmem>> -> memref<1x16x128xi32, #tpu.memory_space<vmem>>
      %dma_wait3A_77 = tpu.memref_squeeze %dma_wait3A_76 : memref<1x16x128xi32, #tpu.memory_space<vmem>> -> memref<16x128xi32, #tpu.memory_space<vmem>>
      %dma_wait3A_78 = arith.constant 0 : i32
      %dma_wait3A_79 = arith.constant 0 : i32
      %dma_wait3A_80 = tpu.memref_slice %arg3[%add3A, %dma_wait3A_78, %dma_wait3A_79] : memref<32x80x128xi32, #tpu.memory_space<hbm>> -> memref<1x16x128xi32, #tpu.memory_space<hbm>>
      %dma_wait3A_81 = tpu.memref_squeeze %dma_wait3A_80 : memref<1x16x128xi32, #tpu.memory_space<hbm>> -> memref<16x128xi32, #tpu.memory_space<hbm>>
      tpu.wait_dma2 semaphore(%run_scoped3A_49 : memref<!tpu.dma_semaphore, #tpu.memory_space<semaphore_mem>>) src(%dma_wait3A_81 : memref<16x128xi32, #tpu.memory_space<hbm>>) dst(%dma_wait3A_77 : memref<16x128xi32, #tpu.memory_space<vmem>>)
      tpu.yield
    }) : () -> ()
    %run_scoped3A_14 = arith.constant 0 : i32
    "tpu.region"() ({
      %run_scoped3A_49 = tpu.sem_alloc : memref<!tpu.dma_semaphore, #tpu.memory_space<semaphore_mem>>
      %dma_start3A_50 = arith.constant 0 : i32
      %dma_start3A_51 = arith.constant 0 : i32
      %dma_start3A_52 = tpu.memref_slice %arg7[%run_scoped3A_14, %dma_start3A_50, %dma_start3A_51] : memref<2x16x128xi32, #tpu.memory_space<vmem>> -> memref<1x16x128xi32, #tpu.memory_space<vmem>>
      %dma_start3A_53 = tpu.memref_squeeze %dma_start3A_52 : memref<1x16x128xi32, #tpu.memory_space<vmem>> -> memref<16x128xi32, #tpu.memory_space<vmem>>
      %dma_start3A_54 = arith.constant 0 : i32
      %dma_start3A_55 = arith.constant 0 : i32
      %dma_start3A_56 = tpu.memref_slice %arg4[%add3A, %dma_start3A_54, %dma_start3A_55] : memref<32x80x128xi32, #tpu.memory_space<hbm>> -> memref<1x16x128xi32, #tpu.memory_space<hbm>>
      %dma_start3A_57 = tpu.memref_squeeze %dma_start3A_56 : memref<1x16x128xi32, #tpu.memory_space<hbm>> -> memref<16x128xi32, #tpu.memory_space<hbm>>
      %dma_start3A_58 = arith.constant 0 : i32
      %dma_start3A_59 = arith.constant 0 : i32
      %dma_start3A_60 = tpu.memref_slice %arg7[%run_scoped3A_14, %dma_start3A_58, %dma_start3A_59] : memref<2x16x128xi32, #tpu.memory_space<vmem>> -> memref<1x16x128xi32, #tpu.memory_space<vmem>>
      %dma_start3A_61 = tpu.memref_squeeze %dma_start3A_60 : memref<1x16x128xi32, #tpu.memory_space<vmem>> -> memref<16x128xi32, #tpu.memory_space<vmem>>
      %dma_start3A_62 = arith.constant 0 : i32
      %dma_start3A_63 = arith.constant 0 : i32
      %dma_start3A_64 = tpu.memref_slice %arg4[%add3A, %dma_start3A_62, %dma_start3A_63] : memref<32x80x128xi32, #tpu.memory_space<hbm>> -> memref<1x16x128xi32, #tpu.memory_space<hbm>>
      %dma_start3A_65 = tpu.memref_squeeze %dma_start3A_64 : memref<1x16x128xi32, #tpu.memory_space<hbm>> -> memref<16x128xi32, #tpu.memory_space<hbm>>
      tpu.enqueue_dma source(%dma_start3A_65 : memref<16x128xi32, #tpu.memory_space<hbm>>) target(%dma_start3A_61 : memref<16x128xi32, #tpu.memory_space<vmem>>) target_semaphore(%run_scoped3A_49 : memref<!tpu.dma_semaphore, #tpu.memory_space<semaphore_mem>>)
      %dma_wait3A_66 = arith.constant 0 : i32
      %dma_wait3A_67 = arith.constant 0 : i32
      %dma_wait3A_68 = tpu.memref_slice %arg7[%run_scoped3A_14, %dma_wait3A_66, %dma_wait3A_67] : memref<2x16x128xi32, #tpu.memory_space<vmem>> -> memref<1x16x128xi32, #tpu.memory_space<vmem>>
      %dma_wait3A_69 = tpu.memref_squeeze %dma_wait3A_68 : memref<1x16x128xi32, #tpu.memory_space<vmem>> -> memref<16x128xi32, #tpu.memory_space<vmem>>
      %dma_wait3A_70 = arith.constant 0 : i32
      %dma_wait3A_71 = arith.constant 0 : i32
      %dma_wait3A_72 = tpu.memref_slice %arg4[%add3A, %dma_wait3A_70, %dma_wait3A_71] : memref<32x80x128xi32, #tpu.memory_space<hbm>> -> memref<1x16x128xi32, #tpu.memory_space<hbm>>
      %dma_wait3A_73 = tpu.memref_squeeze %dma_wait3A_72 : memref<1x16x128xi32, #tpu.memory_space<hbm>> -> memref<16x128xi32, #tpu.memory_space<hbm>>
      %dma_wait3A_74 = arith.constant 0 : i32
      %dma_wait3A_75 = arith.constant 0 : i32
      %dma_wait3A_76 = tpu.memref_slice %arg7[%run_scoped3A_14, %dma_wait3A_74, %dma_wait3A_75] : memref<2x16x128xi32, #tpu.memory_space<vmem>> -> memref<1x16x128xi32, #tpu.memory_space<vmem>>
      %dma_wait3A_77 = tpu.memref_squeeze %dma_wait3A_76 : memref<1x16x128xi32, #tpu.memory_space<vmem>> -> memref<16x128xi32, #tpu.memory_space<vmem>>
      %dma_wait3A_78 = arith.constant 0 : i32
      %dma_wait3A_79 = arith.constant 0 : i32
      %dma_wait3A_80 = tpu.memref_slice %arg4[%add3A, %dma_wait3A_78, %dma_wait3A_79] : memref<32x80x128xi32, #tpu.memory_space<hbm>> -> memref<1x16x128xi32, #tpu.memory_space<hbm>>
      %dma_wait3A_81 = tpu.memref_squeeze %dma_wait3A_80 : memref<1x16x128xi32, #tpu.memory_space<hbm>> -> memref<16x128xi32, #tpu.memory_space<hbm>>
      tpu.wait_dma2 semaphore(%run_scoped3A_49 : memref<!tpu.dma_semaphore, #tpu.memory_space<semaphore_mem>>) src(%dma_wait3A_81 : memref<16x128xi32, #tpu.memory_space<hbm>>) dst(%dma_wait3A_77 : memref<16x128xi32, #tpu.memory_space<vmem>>)
      tpu.yield
    }) : () -> ()
    %barrier3A = arith.constant 0 : index
    tpu.barrier barrier_id(%barrier3A)
    %dma_start3A = arith.constant 0 : i32
    %dma_start3A_15 = arith.constant 0 : i32
    %dma_start3A_16 = arith.constant 0 : i32
    %dma_start3A_17 = arith.constant 0 : i32
    %dma_start3A_18 = arith.constant 0 : i32
    %dma_start3A_19 = tpu.memref_slice %arg8[%dma_start3A_16, %dma_start3A_17, %dma_start3A_18] : memref<2x128x128xf32, #tpu.memory_space<vmem>> -> memref<1x128x128xf32, #tpu.memory_space<vmem>>
    %dma_start3A_20 = tpu.memref_squeeze %dma_start3A_19 : memref<1x128x128xf32, #tpu.memory_space<vmem>> -> memref<128x128xf32, #tpu.memory_space<vmem>>
    %dma_start3A_21 = arith.constant 0 : i32
    %dma_start3A_22 = tpu.memref_slice %arg6[%dma_start3A, %dma_start3A_15, %dma_start3A_21] : memref<2x16x128xi32, #tpu.memory_space<vmem>> -> memref<1x1x128xi32, #tpu.memory_space<vmem>>
    %dma_start3A_23 = tpu.memref_squeeze %dma_start3A_22 : memref<1x1x128xi32, #tpu.memory_space<vmem>> -> memref<128xi32, #tpu.memory_space<vmem>>
    %dma_start3A_24 = arith.constant 0 : i32
    %dma_start3A_25 = arith.constant 0 : i32
    %dma_start3A_26 = tpu.memref_slice %arg2[%dma_start3A_24, %dma_start3A_25] : memref<10240x128xf32, #tpu.memory_space<hbm>> -> memref<10240x128xf32, #tpu.memory_space<hbm>>
    tpu.enqueue_indirect_dma source(%dma_start3A_26 : memref<10240x128xf32, #tpu.memory_space<hbm>>) target(%dma_start3A_20 : memref<128x128xf32, #tpu.memory_space<vmem>>) offsets(%dma_start3A_23 : memref<128xi32, #tpu.memory_space<vmem>>) semaphore(%arg11 : memref<!tpu.dma_semaphore, #tpu.memory_space<semaphore_mem>>)
    %scan3A_27 = arith.constant 0 : i32
    %scan3A_28 = arith.constant 0 : i32
    %scan3A_29 = arith.constant 39 : i32
    %scan3A_30 = arith.addi %scan3A_28, %scan3A_29 : i32
    %scan3A_31 = arith.constant 1 : i32
    scf.for %scan3A_49 = %scan3A_28 to %scan3A_30 step %scan3A_31  : i32 {
      %mul3A_50 = arith.constant 2 : i32
      %mul3A_51 = arith.muli %mul3A_50, %scan3A_49 : i32
      %jit3A = arith.constant 16 : i32
      %div3A = arith.divsi %mul3A_51, %jit3A : i32
      %sign3A = arith.constant 0 : i32
      %sign3A_52 = arith.cmpi sgt, %mul3A_51, %sign3A : i32
      %sign3A_53 = arith.extui %sign3A_52 : i1 to i32
      %sign3A_54 = arith.constant 0 : i32
      %sign3A_55 = arith.cmpi slt, %mul3A_51, %sign3A_54 : i32
      %sign3A_56 = arith.extui %sign3A_55 : i1 to i32
      %sign3A_57 = arith.subi %sign3A_53, %sign3A_56 : i32
      %sign3A_58 = arith.constant 0 : i32
      %sign3A_59 = arith.cmpi sgt, %jit3A, %sign3A_58 : i32
      %sign3A_60 = arith.extui %sign3A_59 : i1 to i32
      %sign3A_61 = arith.constant 0 : i32
      %sign3A_62 = arith.cmpi slt, %jit3A, %sign3A_61 : i32
      %sign3A_63 = arith.extui %sign3A_62 : i1 to i32
      %sign3A_64 = arith.subi %sign3A_60, %sign3A_63 : i32
      %ne3A = arith.cmpi ne, %sign3A_57, %sign3A_64 : i32
      %rem3A = arith.remsi %mul3A_51, %jit3A : i32
      %ne3A_65 = arith.constant 0 : i32
      %ne3A_66 = arith.cmpi ne, %rem3A, %ne3A_65 : i32
      %and3A = arith.andi %ne3A, %ne3A_66 : i1
      %sub3A = arith.constant 1 : i32
      %sub3A_67 = arith.subi %div3A, %sub3A : i32
      %select_n3A = arith.select %and3A, %sub3A_67, %div3A : i32
      %rem3A_68 = arith.constant 2 : i32
      %rem3A_69 = arith.remsi %select_n3A, %rem3A_68 : i32
      %mul3A_70 = arith.constant 16 : i32
      %mul3A_71 = arith.muli %select_n3A, %mul3A_70 : i32
      %sub3A_72 = arith.subi %mul3A_51, %mul3A_71 : i32
      %rem3A_73 = arith.constant 8 : i32
      %rem3A_74 = arith.remsi %scan3A_49, %rem3A_73 : i32
      %eq3A = arith.constant 0 : i32
      %eq3A_75 = arith.cmpi eq, %rem3A_74, %eq3A : i32
      %lt3A = arith.constant 4 : i32
      %lt3A_76 = arith.cmpi slt, %select_n3A, %lt3A : i32
      %and3A_77 = arith.andi %eq3A_75, %lt3A_76 : i1
      %convert_element_type3A = arith.extui %and3A_77 : i1 to i32
      %cond3A = arith.constant 0 : i32
      %cond3A_78 = arith.cmpi ne, %convert_element_type3A, %cond3A : i32
      scf.if %cond3A_78 {
        %add3A_167 = arith.constant 1 : i32
        %add3A_168 = arith.addi %select_n3A, %add3A_167 : i32
        %mul3A_169 = arith.constant 16 : i32
        %mul3A_170 = arith.muli %add3A_168, %mul3A_169 : i32
        %sub3A_171 = arith.constant 1 : i32
        %sub3A_172 = arith.subi %sub3A_171, %rem3A_69 : i32
        %dma_start3A_173 = arith.constant 0 : i32
        %dma_start3A_174 = arith.constant 0 : i32
        %dma_start3A_175 = tpu.memref_slice %arg6[%sub3A_172, %dma_start3A_173, %dma_start3A_174] : memref<2x16x128xi32, #tpu.memory_space<vmem>> -> memref<1x16x128xi32, #tpu.memory_space<vmem>>
        %dma_start3A_176 = tpu.memref_squeeze %dma_start3A_175 : memref<1x16x128xi32, #tpu.memory_space<vmem>> -> memref<16x128xi32, #tpu.memory_space<vmem>>
        %dma_start3A_177 = arith.constant 0 : i32
        %dma_start3A_178 = tpu.memref_slice %arg3[%add3A, %mul3A_170, %dma_start3A_177] : memref<32x80x128xi32, #tpu.memory_space<hbm>> -> memref<1x16x128xi32, #tpu.memory_space<hbm>>
        %dma_start3A_179 = tpu.memref_squeeze %dma_start3A_178 : memref<1x16x128xi32, #tpu.memory_space<hbm>> -> memref<16x128xi32, #tpu.memory_space<hbm>>
        %dma_start3A_180 = arith.constant 0 : i32
        %dma_start3A_181 = arith.constant 0 : i32
        %dma_start3A_182 = tpu.memref_slice %arg6[%sub3A_172, %dma_start3A_180, %dma_start3A_181] : memref<2x16x128xi32, #tpu.memory_space<vmem>> -> memref<1x16x128xi32, #tpu.memory_space<vmem>>
        %dma_start3A_183 = tpu.memref_squeeze %dma_start3A_182 : memref<1x16x128xi32, #tpu.memory_space<vmem>> -> memref<16x128xi32, #tpu.memory_space<vmem>>
        %dma_start3A_184 = arith.constant 0 : i32
        %dma_start3A_185 = tpu.memref_slice %arg3[%add3A, %mul3A_170, %dma_start3A_184] : memref<32x80x128xi32, #tpu.memory_space<hbm>> -> memref<1x16x128xi32, #tpu.memory_space<hbm>>
        %dma_start3A_186 = tpu.memref_squeeze %dma_start3A_185 : memref<1x16x128xi32, #tpu.memory_space<hbm>> -> memref<16x128xi32, #tpu.memory_space<hbm>>
        tpu.enqueue_dma source(%dma_start3A_186 : memref<16x128xi32, #tpu.memory_space<hbm>>) target(%dma_start3A_183 : memref<16x128xi32, #tpu.memory_space<vmem>>) target_semaphore(%arg13 : memref<!tpu.dma_semaphore, #tpu.memory_space<semaphore_mem>>)
        %add3A_187 = arith.constant 1 : i32
        %add3A_188 = arith.addi %select_n3A, %add3A_187 : i32
        %mul3A_189 = arith.constant 16 : i32
        %mul3A_190 = arith.muli %add3A_188, %mul3A_189 : i32
        %sub3A_191 = arith.constant 1 : i32
        %sub3A_192 = arith.subi %sub3A_191, %rem3A_69 : i32
        %dma_start3A_193 = arith.constant 0 : i32
        %dma_start3A_194 = arith.constant 0 : i32
        %dma_start3A_195 = tpu.memref_slice %arg7[%sub3A_192, %dma_start3A_193, %dma_start3A_194] : memref<2x16x128xi32, #tpu.memory_space<vmem>> -> memref<1x16x128xi32, #tpu.memory_space<vmem>>
        %dma_start3A_196 = tpu.memref_squeeze %dma_start3A_195 : memref<1x16x128xi32, #tpu.memory_space<vmem>> -> memref<16x128xi32, #tpu.memory_space<vmem>>
        %dma_start3A_197 = arith.constant 0 : i32
        %dma_start3A_198 = tpu.memref_slice %arg4[%add3A, %mul3A_190, %dma_start3A_197] : memref<32x80x128xi32, #tpu.memory_space<hbm>> -> memref<1x16x128xi32, #tpu.memory_space<hbm>>
        %dma_start3A_199 = tpu.memref_squeeze %dma_start3A_198 : memref<1x16x128xi32, #tpu.memory_space<hbm>> -> memref<16x128xi32, #tpu.memory_space<hbm>>
        %dma_start3A_200 = arith.constant 0 : i32
        %dma_start3A_201 = arith.constant 0 : i32
        %dma_start3A_202 = tpu.memref_slice %arg7[%sub3A_192, %dma_start3A_200, %dma_start3A_201] : memref<2x16x128xi32, #tpu.memory_space<vmem>> -> memref<1x16x128xi32, #tpu.memory_space<vmem>>
        %dma_start3A_203 = tpu.memref_squeeze %dma_start3A_202 : memref<1x16x128xi32, #tpu.memory_space<vmem>> -> memref<16x128xi32, #tpu.memory_space<vmem>>
        %dma_start3A_204 = arith.constant 0 : i32
        %dma_start3A_205 = tpu.memref_slice %arg4[%add3A, %mul3A_190, %dma_start3A_204] : memref<32x80x128xi32, #tpu.memory_space<hbm>> -> memref<1x16x128xi32, #tpu.memory_space<hbm>>
        %dma_start3A_206 = tpu.memref_squeeze %dma_start3A_205 : memref<1x16x128xi32, #tpu.memory_space<hbm>> -> memref<16x128xi32, #tpu.memory_space<hbm>>
        tpu.enqueue_dma source(%dma_start3A_206 : memref<16x128xi32, #tpu.memory_space<hbm>>) target(%dma_start3A_203 : memref<16x128xi32, #tpu.memory_space<vmem>>) target_semaphore(%arg13 : memref<!tpu.dma_semaphore, #tpu.memory_space<semaphore_mem>>)
      } else {
      }
      %add3A_79 = arith.constant 1 : i32
      %add3A_80 = arith.addi %sub3A_72, %add3A_79 : i32
      %dma_start3A_81 = arith.constant 1 : i32
      %dma_start3A_82 = arith.constant 0 : i32
      %dma_start3A_83 = arith.constant 0 : i32
      %dma_start3A_84 = tpu.memref_slice %arg8[%dma_start3A_81, %dma_start3A_82, %dma_start3A_83] : memref<2x128x128xf32, #tpu.memory_space<vmem>> -> memref<1x128x128xf32, #tpu.memory_space<vmem>>
      %dma_start3A_85 = tpu.memref_squeeze %dma_start3A_84 : memref<1x128x128xf32, #tpu.memory_space<vmem>> -> memref<128x128xf32, #tpu.memory_space<vmem>>
      %dma_start3A_86 = arith.constant 0 : i32
      %dma_start3A_87 = tpu.memref_slice %arg6[%rem3A_69, %add3A_80, %dma_start3A_86] : memref<2x16x128xi32, #tpu.memory_space<vmem>> -> memref<1x1x128xi32, #tpu.memory_space<vmem>>
      %dma_start3A_88 = tpu.memref_squeeze %dma_start3A_87 : memref<1x1x128xi32, #tpu.memory_space<vmem>> -> memref<128xi32, #tpu.memory_space<vmem>>
      %dma_start3A_89 = arith.constant 0 : i32
      %dma_start3A_90 = arith.constant 0 : i32
      %dma_start3A_91 = tpu.memref_slice %arg2[%dma_start3A_89, %dma_start3A_90] : memref<10240x128xf32, #tpu.memory_space<hbm>> -> memref<10240x128xf32, #tpu.memory_space<hbm>>
      tpu.enqueue_indirect_dma source(%dma_start3A_91 : memref<10240x128xf32, #tpu.memory_space<hbm>>) target(%dma_start3A_85 : memref<128x128xf32, #tpu.memory_space<vmem>>) offsets(%dma_start3A_88 : memref<128xi32, #tpu.memory_space<vmem>>) semaphore(%arg12 : memref<!tpu.dma_semaphore, #tpu.memory_space<semaphore_mem>>)
      %dma_wait3A_92 = arith.constant 0 : i32
      %dma_wait3A_93 = arith.constant 0 : i32
      %dma_wait3A_94 = arith.constant 0 : i32
      %dma_wait3A_95 = tpu.memref_slice %arg8[%dma_wait3A_92, %dma_wait3A_93, %dma_wait3A_94] : memref<2x128x128xf32, #tpu.memory_space<vmem>> -> memref<1x128x128xf32, #tpu.memory_space<vmem>>
      %dma_wait3A_96 = tpu.memref_squeeze %dma_wait3A_95 : memref<1x128x128xf32, #tpu.memory_space<vmem>> -> memref<128x128xf32, #tpu.memory_space<vmem>>
      %dma_wait3A_97 = arith.constant 0 : i32
      %dma_wait3A_98 = tpu.memref_slice %arg6[%rem3A_69, %sub3A_72, %dma_wait3A_97] : memref<2x16x128xi32, #tpu.memory_space<vmem>> -> memref<1x1x128xi32, #tpu.memory_space<vmem>>
      %dma_wait3A_99 = tpu.memref_squeeze %dma_wait3A_98 : memref<1x1x128xi32, #tpu.memory_space<vmem>> -> memref<128xi32, #tpu.memory_space<vmem>>
      %dma_wait3A_100 = arith.constant 0 : i32
      %dma_wait3A_101 = arith.constant 0 : i32
      %dma_wait3A_102 = tpu.memref_slice %arg2[%dma_wait3A_100, %dma_wait3A_101] : memref<10240x128xf32, #tpu.memory_space<hbm>> -> memref<10240x128xf32, #tpu.memory_space<hbm>>
      tpu.wait_indirect_dma semaphore(%arg11 : memref<!tpu.dma_semaphore, #tpu.memory_space<semaphore_mem>>) src(%dma_wait3A_102 : memref<10240x128xf32, #tpu.memory_space<hbm>>) dst(%dma_wait3A_96 : memref<128x128xf32, #tpu.memory_space<vmem>>)
      %run_scoped3A_103 = arith.constant 0 : i32
      "tpu.region"() ({
        %run_scoped3A_167 = tpu.sem_alloc : memref<!tpu.dma_semaphore, #tpu.memory_space<semaphore_mem>>
        %dma_start3A_168 = arith.constant 0 : i32
        %dma_start3A_169 = arith.constant 0 : i32
        %dma_start3A_170 = tpu.memref_slice %arg8[%run_scoped3A_103, %dma_start3A_168, %dma_start3A_169] : memref<2x128x128xf32, #tpu.memory_space<vmem>> -> memref<1x128x128xf32, #tpu.memory_space<vmem>>
        %dma_start3A_171 = tpu.memref_squeeze %dma_start3A_170 : memref<1x128x128xf32, #tpu.memory_space<vmem>> -> memref<128x128xf32, #tpu.memory_space<vmem>>
        %dma_start3A_172 = arith.constant 0 : i32
        %dma_start3A_173 = tpu.memref_slice %arg7[%rem3A_69, %sub3A_72, %dma_start3A_172] : memref<2x16x128xi32, #tpu.memory_space<vmem>> -> memref<1x1x128xi32, #tpu.memory_space<vmem>>
        %dma_start3A_174 = tpu.memref_squeeze %dma_start3A_173 : memref<1x1x128xi32, #tpu.memory_space<vmem>> -> memref<128xi32, #tpu.memory_space<vmem>>
        %dma_start3A_175 = arith.constant 0 : i32
        %dma_start3A_176 = arith.constant 0 : i32
        %dma_start3A_177 = tpu.memref_slice %arg10[%dma_start3A_175, %dma_start3A_176] : memref<10240x128xf32, #tpu.memory_space<vmem_shared>> -> memref<10240x128xf32, #tpu.memory_space<vmem_shared>>
        tpu.enqueue_indirect_dma source(%dma_start3A_171 : memref<128x128xf32, #tpu.memory_space<vmem>>) target(%dma_start3A_177 : memref<10240x128xf32, #tpu.memory_space<vmem_shared>>) offsets(%dma_start3A_174 : memref<128xi32, #tpu.memory_space<vmem>>) semaphore(%run_scoped3A_167 : memref<!tpu.dma_semaphore, #tpu.memory_space<semaphore_mem>>) {add = true}
        %dma_wait3A_178 = arith.constant 0 : i32
        %dma_wait3A_179 = arith.constant 0 : i32
        %dma_wait3A_180 = tpu.memref_slice %arg8[%run_scoped3A_103, %dma_wait3A_178, %dma_wait3A_179] : memref<2x128x128xf32, #tpu.memory_space<vmem>> -> memref<1x128x128xf32, #tpu.memory_space<vmem>>
        %dma_wait3A_181 = tpu.memref_squeeze %dma_wait3A_180 : memref<1x128x128xf32, #tpu.memory_space<vmem>> -> memref<128x128xf32, #tpu.memory_space<vmem>>
        %dma_wait3A_182 = arith.constant 0 : i32
        %dma_wait3A_183 = tpu.memref_slice %arg7[%rem3A_69, %sub3A_72, %dma_wait3A_182] : memref<2x16x128xi32, #tpu.memory_space<vmem>> -> memref<1x1x128xi32, #tpu.memory_space<vmem>>
        %dma_wait3A_184 = tpu.memref_squeeze %dma_wait3A_183 : memref<1x1x128xi32, #tpu.memory_space<vmem>> -> memref<128xi32, #tpu.memory_space<vmem>>
        %dma_wait3A_185 = arith.constant 0 : i32
        %dma_wait3A_186 = arith.constant 0 : i32
        %dma_wait3A_187 = tpu.memref_slice %arg10[%dma_wait3A_185, %dma_wait3A_186] : memref<10240x128xf32, #tpu.memory_space<vmem_shared>> -> memref<10240x128xf32, #tpu.memory_space<vmem_shared>>
        tpu.wait_indirect_dma semaphore(%run_scoped3A_167 : memref<!tpu.dma_semaphore, #tpu.memory_space<semaphore_mem>>) src(%dma_wait3A_181 : memref<128x128xf32, #tpu.memory_space<vmem>>) dst(%dma_wait3A_187 : memref<10240x128xf32, #tpu.memory_space<vmem_shared>>)
        tpu.yield
      }) : () -> ()
      %eq3A_104 = arith.constant 7 : i32
      %eq3A_105 = arith.cmpi eq, %rem3A_74, %eq3A_104 : i32
      %convert_element_type3A_106 = arith.extui %eq3A_105 : i1 to i32
      %cond3A_107 = arith.constant 0 : i32
      %cond3A_108 = arith.cmpi ne, %convert_element_type3A_106, %cond3A_107 : i32
      scf.if %cond3A_108 {
        %add3A_167 = arith.constant 1 : i32
        %add3A_168 = arith.addi %select_n3A, %add3A_167 : i32
        %mul3A_169 = arith.constant 16 : i32
        %mul3A_170 = arith.muli %add3A_168, %mul3A_169 : i32
        %sub3A_171 = arith.constant 1 : i32
        %sub3A_172 = arith.subi %sub3A_171, %rem3A_69 : i32
        %dma_wait3A_173 = arith.constant 0 : i32
        %dma_wait3A_174 = arith.constant 0 : i32
        %dma_wait3A_175 = tpu.memref_slice %arg6[%sub3A_172, %dma_wait3A_173, %dma_wait3A_174] : memref<2x16x128xi32, #tpu.memory_space<vmem>> -> memref<1x16x128xi32, #tpu.memory_space<vmem>>
        %dma_wait3A_176 = tpu.memref_squeeze %dma_wait3A_175 : memref<1x16x128xi32, #tpu.memory_space<vmem>> -> memref<16x128xi32, #tpu.memory_space<vmem>>
        %dma_wait3A_177 = arith.constant 0 : i32
        %dma_wait3A_178 = tpu.memref_slice %arg3[%add3A, %mul3A_170, %dma_wait3A_177] : memref<32x80x128xi32, #tpu.memory_space<hbm>> -> memref<1x16x128xi32, #tpu.memory_space<hbm>>
        %dma_wait3A_179 = tpu.memref_squeeze %dma_wait3A_178 : memref<1x16x128xi32, #tpu.memory_space<hbm>> -> memref<16x128xi32, #tpu.memory_space<hbm>>
        %dma_wait3A_180 = arith.constant 0 : i32
        %dma_wait3A_181 = arith.constant 0 : i32
        %dma_wait3A_182 = tpu.memref_slice %arg6[%sub3A_172, %dma_wait3A_180, %dma_wait3A_181] : memref<2x16x128xi32, #tpu.memory_space<vmem>> -> memref<1x16x128xi32, #tpu.memory_space<vmem>>
        %dma_wait3A_183 = tpu.memref_squeeze %dma_wait3A_182 : memref<1x16x128xi32, #tpu.memory_space<vmem>> -> memref<16x128xi32, #tpu.memory_space<vmem>>
        %dma_wait3A_184 = arith.constant 0 : i32
        %dma_wait3A_185 = tpu.memref_slice %arg3[%add3A, %mul3A_170, %dma_wait3A_184] : memref<32x80x128xi32, #tpu.memory_space<hbm>> -> memref<1x16x128xi32, #tpu.memory_space<hbm>>
        %dma_wait3A_186 = tpu.memref_squeeze %dma_wait3A_185 : memref<1x16x128xi32, #tpu.memory_space<hbm>> -> memref<16x128xi32, #tpu.memory_space<hbm>>
        tpu.wait_dma2 semaphore(%arg13 : memref<!tpu.dma_semaphore, #tpu.memory_space<semaphore_mem>>) src(%dma_wait3A_186 : memref<16x128xi32, #tpu.memory_space<hbm>>) dst(%dma_wait3A_183 : memref<16x128xi32, #tpu.memory_space<vmem>>)
        %add3A_187 = arith.constant 1 : i32
        %add3A_188 = arith.addi %select_n3A, %add3A_187 : i32
        %mul3A_189 = arith.constant 16 : i32
        %mul3A_190 = arith.muli %add3A_188, %mul3A_189 : i32
        %sub3A_191 = arith.constant 1 : i32
        %sub3A_192 = arith.subi %sub3A_191, %rem3A_69 : i32
        %dma_wait3A_193 = arith.constant 0 : i32
        %dma_wait3A_194 = arith.constant 0 : i32
        %dma_wait3A_195 = tpu.memref_slice %arg7[%sub3A_192, %dma_wait3A_193, %dma_wait3A_194] : memref<2x16x128xi32, #tpu.memory_space<vmem>> -> memref<1x16x128xi32, #tpu.memory_space<vmem>>
        %dma_wait3A_196 = tpu.memref_squeeze %dma_wait3A_195 : memref<1x16x128xi32, #tpu.memory_space<vmem>> -> memref<16x128xi32, #tpu.memory_space<vmem>>
        %dma_wait3A_197 = arith.constant 0 : i32
        %dma_wait3A_198 = tpu.memref_slice %arg4[%add3A, %mul3A_190, %dma_wait3A_197] : memref<32x80x128xi32, #tpu.memory_space<hbm>> -> memref<1x16x128xi32, #tpu.memory_space<hbm>>
        %dma_wait3A_199 = tpu.memref_squeeze %dma_wait3A_198 : memref<1x16x128xi32, #tpu.memory_space<hbm>> -> memref<16x128xi32, #tpu.memory_space<hbm>>
        %dma_wait3A_200 = arith.constant 0 : i32
        %dma_wait3A_201 = arith.constant 0 : i32
        %dma_wait3A_202 = tpu.memref_slice %arg7[%sub3A_192, %dma_wait3A_200, %dma_wait3A_201] : memref<2x16x128xi32, #tpu.memory_space<vmem>> -> memref<1x16x128xi32, #tpu.memory_space<vmem>>
        %dma_wait3A_203 = tpu.memref_squeeze %dma_wait3A_202 : memref<1x16x128xi32, #tpu.memory_space<vmem>> -> memref<16x128xi32, #tpu.memory_space<vmem>>
        %dma_wait3A_204 = arith.constant 0 : i32
        %dma_wait3A_205 = tpu.memref_slice %arg4[%add3A, %mul3A_190, %dma_wait3A_204] : memref<32x80x128xi32, #tpu.memory_space<hbm>> -> memref<1x16x128xi32, #tpu.memory_space<hbm>>
        %dma_wait3A_206 = tpu.memref_squeeze %dma_wait3A_205 : memref<1x16x128xi32, #tpu.memory_space<hbm>> -> memref<16x128xi32, #tpu.memory_space<hbm>>
        tpu.wait_dma2 semaphore(%arg13 : memref<!tpu.dma_semaphore, #tpu.memory_space<semaphore_mem>>) src(%dma_wait3A_206 : memref<16x128xi32, #tpu.memory_space<hbm>>) dst(%dma_wait3A_203 : memref<16x128xi32, #tpu.memory_space<vmem>>)
      } else {
      }
      %add3A_109 = arith.constant 2 : i32
      %add3A_110 = arith.addi %mul3A_51, %add3A_109 : i32
      %jit3A_111 = arith.constant 16 : i32
      %div3A_112 = arith.divsi %add3A_110, %jit3A_111 : i32
      %sign3A_113 = arith.constant 0 : i32
      %sign3A_114 = arith.cmpi sgt, %add3A_110, %sign3A_113 : i32
      %sign3A_115 = arith.extui %sign3A_114 : i1 to i32
      %sign3A_116 = arith.constant 0 : i32
      %sign3A_117 = arith.cmpi slt, %add3A_110, %sign3A_116 : i32
      %sign3A_118 = arith.extui %sign3A_117 : i1 to i32
      %sign3A_119 = arith.subi %sign3A_115, %sign3A_118 : i32
      %sign3A_120 = arith.constant 0 : i32
      %sign3A_121 = arith.cmpi sgt, %jit3A_111, %sign3A_120 : i32
      %sign3A_122 = arith.extui %sign3A_121 : i1 to i32
      %sign3A_123 = arith.constant 0 : i32
      %sign3A_124 = arith.cmpi slt, %jit3A_111, %sign3A_123 : i32
      %sign3A_125 = arith.extui %sign3A_124 : i1 to i32
      %sign3A_126 = arith.subi %sign3A_122, %sign3A_125 : i32
      %ne3A_127 = arith.cmpi ne, %sign3A_119, %sign3A_126 : i32
      %rem3A_128 = arith.remsi %add3A_110, %jit3A_111 : i32
      %ne3A_129 = arith.constant 0 : i32
      %ne3A_130 = arith.cmpi ne, %rem3A_128, %ne3A_129 : i32
      %and3A_131 = arith.andi %ne3A_127, %ne3A_130 : i1
      %sub3A_132 = arith.constant 1 : i32
      %sub3A_133 = arith.subi %div3A_112, %sub3A_132 : i32
      %select_n3A_134 = arith.select %and3A_131, %sub3A_133, %div3A_112 : i32
      %rem3A_135 = arith.constant 2 : i32
      %rem3A_136 = arith.remsi %select_n3A_134, %rem3A_135 : i32
      %mul3A_137 = arith.constant 16 : i32
      %mul3A_138 = arith.muli %select_n3A_134, %mul3A_137 : i32
      %sub3A_139 = arith.subi %add3A_110, %mul3A_138 : i32
      %dma_start3A_140 = arith.constant 0 : i32
      %dma_start3A_141 = arith.constant 0 : i32
      %dma_start3A_142 = arith.constant 0 : i32
      %dma_start3A_143 = tpu.memref_slice %arg8[%dma_start3A_140, %dma_start3A_141, %dma_start3A_142] : memref<2x128x128xf32, #tpu.memory_space<vmem>> -> memref<1x128x128xf32, #tpu.memory_space<vmem>>
      %dma_start3A_144 = tpu.memref_squeeze %dma_start3A_143 : memref<1x128x128xf32, #tpu.memory_space<vmem>> -> memref<128x128xf32, #tpu.memory_space<vmem>>
      %dma_start3A_145 = arith.constant 0 : i32
      %dma_start3A_146 = tpu.memref_slice %arg6[%rem3A_136, %sub3A_139, %dma_start3A_145] : memref<2x16x128xi32, #tpu.memory_space<vmem>> -> memref<1x1x128xi32, #tpu.memory_space<vmem>>
      %dma_start3A_147 = tpu.memref_squeeze %dma_start3A_146 : memref<1x1x128xi32, #tpu.memory_space<vmem>> -> memref<128xi32, #tpu.memory_space<vmem>>
      %dma_start3A_148 = arith.constant 0 : i32
      %dma_start3A_149 = arith.constant 0 : i32
      %dma_start3A_150 = tpu.memref_slice %arg2[%dma_start3A_148, %dma_start3A_149] : memref<10240x128xf32, #tpu.memory_space<hbm>> -> memref<10240x128xf32, #tpu.memory_space<hbm>>
      tpu.enqueue_indirect_dma source(%dma_start3A_150 : memref<10240x128xf32, #tpu.memory_space<hbm>>) target(%dma_start3A_144 : memref<128x128xf32, #tpu.memory_space<vmem>>) offsets(%dma_start3A_147 : memref<128xi32, #tpu.memory_space<vmem>>) semaphore(%arg11 : memref<!tpu.dma_semaphore, #tpu.memory_space<semaphore_mem>>)
      %add3A_151 = arith.constant 1 : i32
      %add3A_152 = arith.addi %sub3A_72, %add3A_151 : i32
      %dma_wait3A_153 = arith.constant 1 : i32
      %dma_wait3A_154 = arith.constant 0 : i32
      %dma_wait3A_155 = arith.constant 0 : i32
      %dma_wait3A_156 = tpu.memref_slice %arg8[%dma_wait3A_153, %dma_wait3A_154, %dma_wait3A_155] : memref<2x128x128xf32, #tpu.memory_space<vmem>> -> memref<1x128x128xf32, #tpu.memory_space<vmem>>
      %dma_wait3A_157 = tpu.memref_squeeze %dma_wait3A_156 : memref<1x128x128xf32, #tpu.memory_space<vmem>> -> memref<128x128xf32, #tpu.memory_space<vmem>>
      %dma_wait3A_158 = arith.constant 0 : i32
      %dma_wait3A_159 = tpu.memref_slice %arg6[%rem3A_69, %add3A_152, %dma_wait3A_158] : memref<2x16x128xi32, #tpu.memory_space<vmem>> -> memref<1x1x128xi32, #tpu.memory_space<vmem>>
      %dma_wait3A_160 = tpu.memref_squeeze %dma_wait3A_159 : memref<1x1x128xi32, #tpu.memory_space<vmem>> -> memref<128xi32, #tpu.memory_space<vmem>>
      %dma_wait3A_161 = arith.constant 0 : i32
      %dma_wait3A_162 = arith.constant 0 : i32
      %dma_wait3A_163 = tpu.memref_slice %arg2[%dma_wait3A_161, %dma_wait3A_162] : memref<10240x128xf32, #tpu.memory_space<hbm>> -> memref<10240x128xf32, #tpu.memory_space<hbm>>
      tpu.wait_indirect_dma semaphore(%arg12 : memref<!tpu.dma_semaphore, #tpu.memory_space<semaphore_mem>>) src(%dma_wait3A_163 : memref<10240x128xf32, #tpu.memory_space<hbm>>) dst(%dma_wait3A_157 : memref<128x128xf32, #tpu.memory_space<vmem>>)
      %add3A_164 = arith.constant 1 : i32
      %add3A_165 = arith.addi %sub3A_72, %add3A_164 : i32
      %run_scoped3A_166 = arith.constant 1 : i32
      "tpu.region"() ({
        %run_scoped3A_167 = tpu.sem_alloc : memref<!tpu.dma_semaphore, #tpu.memory_space<semaphore_mem>>
        %dma_start3A_168 = arith.constant 0 : i32
        %dma_start3A_169 = arith.constant 0 : i32
        %dma_start3A_170 = tpu.memref_slice %arg8[%run_scoped3A_166, %dma_start3A_168, %dma_start3A_169] : memref<2x128x128xf32, #tpu.memory_space<vmem>> -> memref<1x128x128xf32, #tpu.memory_space<vmem>>
        %dma_start3A_171 = tpu.memref_squeeze %dma_start3A_170 : memref<1x128x128xf32, #tpu.memory_space<vmem>> -> memref<128x128xf32, #tpu.memory_space<vmem>>
        %dma_start3A_172 = arith.constant 0 : i32
        %dma_start3A_173 = tpu.memref_slice %arg7[%rem3A_69, %add3A_165, %dma_start3A_172] : memref<2x16x128xi32, #tpu.memory_space<vmem>> -> memref<1x1x128xi32, #tpu.memory_space<vmem>>
        %dma_start3A_174 = tpu.memref_squeeze %dma_start3A_173 : memref<1x1x128xi32, #tpu.memory_space<vmem>> -> memref<128xi32, #tpu.memory_space<vmem>>
        %dma_start3A_175 = arith.constant 0 : i32
        %dma_start3A_176 = arith.constant 0 : i32
        %dma_start3A_177 = tpu.memref_slice %arg10[%dma_start3A_175, %dma_start3A_176] : memref<10240x128xf32, #tpu.memory_space<vmem_shared>> -> memref<10240x128xf32, #tpu.memory_space<vmem_shared>>
        tpu.enqueue_indirect_dma source(%dma_start3A_171 : memref<128x128xf32, #tpu.memory_space<vmem>>) target(%dma_start3A_177 : memref<10240x128xf32, #tpu.memory_space<vmem_shared>>) offsets(%dma_start3A_174 : memref<128xi32, #tpu.memory_space<vmem>>) semaphore(%run_scoped3A_167 : memref<!tpu.dma_semaphore, #tpu.memory_space<semaphore_mem>>) {add = true}
        %dma_wait3A_178 = arith.constant 0 : i32
        %dma_wait3A_179 = arith.constant 0 : i32
        %dma_wait3A_180 = tpu.memref_slice %arg8[%run_scoped3A_166, %dma_wait3A_178, %dma_wait3A_179] : memref<2x128x128xf32, #tpu.memory_space<vmem>> -> memref<1x128x128xf32, #tpu.memory_space<vmem>>
        %dma_wait3A_181 = tpu.memref_squeeze %dma_wait3A_180 : memref<1x128x128xf32, #tpu.memory_space<vmem>> -> memref<128x128xf32, #tpu.memory_space<vmem>>
        %dma_wait3A_182 = arith.constant 0 : i32
        %dma_wait3A_183 = tpu.memref_slice %arg7[%rem3A_69, %add3A_165, %dma_wait3A_182] : memref<2x16x128xi32, #tpu.memory_space<vmem>> -> memref<1x1x128xi32, #tpu.memory_space<vmem>>
        %dma_wait3A_184 = tpu.memref_squeeze %dma_wait3A_183 : memref<1x1x128xi32, #tpu.memory_space<vmem>> -> memref<128xi32, #tpu.memory_space<vmem>>
        %dma_wait3A_185 = arith.constant 0 : i32
        %dma_wait3A_186 = arith.constant 0 : i32
        %dma_wait3A_187 = tpu.memref_slice %arg10[%dma_wait3A_185, %dma_wait3A_186] : memref<10240x128xf32, #tpu.memory_space<vmem_shared>> -> memref<10240x128xf32, #tpu.memory_space<vmem_shared>>
        tpu.wait_indirect_dma semaphore(%run_scoped3A_167 : memref<!tpu.dma_semaphore, #tpu.memory_space<semaphore_mem>>) src(%dma_wait3A_181 : memref<128x128xf32, #tpu.memory_space<vmem>>) dst(%dma_wait3A_187 : memref<10240x128xf32, #tpu.memory_space<vmem_shared>>)
        tpu.yield
      }) : () -> ()
    }
    %scan3A_32 = arith.constant 39 : i32
    %dma_wait3A = arith.constant 0 : i32
    %dma_wait3A_33 = arith.constant 14 : i32
    %dma_wait3A_34 = arith.constant 0 : i32
    %dma_wait3A_35 = arith.constant 0 : i32
    %dma_wait3A_36 = arith.constant 0 : i32
    %dma_wait3A_37 = tpu.memref_slice %arg8[%dma_wait3A_34, %dma_wait3A_35, %dma_wait3A_36] : memref<2x128x128xf32, #tpu.memory_space<vmem>> -> memref<1x128x128xf32, #tpu.memory_space<vmem>>
    %dma_wait3A_38 = tpu.memref_squeeze %dma_wait3A_37 : memref<1x128x128xf32, #tpu.memory_space<vmem>> -> memref<128x128xf32, #tpu.memory_space<vmem>>
    %dma_wait3A_39 = arith.constant 0 : i32
    %dma_wait3A_40 = tpu.memref_slice %arg6[%dma_wait3A, %dma_wait3A_33, %dma_wait3A_39] : memref<2x16x128xi32, #tpu.memory_space<vmem>> -> memref<1x1x128xi32, #tpu.memory_space<vmem>>
    %dma_wait3A_41 = tpu.memref_squeeze %dma_wait3A_40 : memref<1x1x128xi32, #tpu.memory_space<vmem>> -> memref<128xi32, #tpu.memory_space<vmem>>
    %dma_wait3A_42 = arith.constant 0 : i32
    %dma_wait3A_43 = arith.constant 0 : i32
    %dma_wait3A_44 = tpu.memref_slice %arg2[%dma_wait3A_42, %dma_wait3A_43] : memref<10240x128xf32, #tpu.memory_space<hbm>> -> memref<10240x128xf32, #tpu.memory_space<hbm>>
    tpu.wait_indirect_dma semaphore(%arg11 : memref<!tpu.dma_semaphore, #tpu.memory_space<semaphore_mem>>) src(%dma_wait3A_44 : memref<10240x128xf32, #tpu.memory_space<hbm>>) dst(%dma_wait3A_38 : memref<128x128xf32, #tpu.memory_space<vmem>>)
    %run_scoped3A_45 = arith.constant 0 : i32
    %run_scoped3A_46 = arith.constant 0 : i32
    %run_scoped3A_47 = arith.constant 14 : i32
    "tpu.region"() ({
      %run_scoped3A_49 = tpu.sem_alloc : memref<!tpu.dma_semaphore, #tpu.memory_space<semaphore_mem>>
      %dma_start3A_50 = arith.constant 0 : i32
      %dma_start3A_51 = arith.constant 0 : i32
      %dma_start3A_52 = tpu.memref_slice %arg8[%run_scoped3A_45, %dma_start3A_50, %dma_start3A_51] : memref<2x128x128xf32, #tpu.memory_space<vmem>> -> memref<1x128x128xf32, #tpu.memory_space<vmem>>
      %dma_start3A_53 = tpu.memref_squeeze %dma_start3A_52 : memref<1x128x128xf32, #tpu.memory_space<vmem>> -> memref<128x128xf32, #tpu.memory_space<vmem>>
      %dma_start3A_54 = arith.constant 0 : i32
      %dma_start3A_55 = tpu.memref_slice %arg7[%run_scoped3A_46, %run_scoped3A_47, %dma_start3A_54] : memref<2x16x128xi32, #tpu.memory_space<vmem>> -> memref<1x1x128xi32, #tpu.memory_space<vmem>>
      %dma_start3A_56 = tpu.memref_squeeze %dma_start3A_55 : memref<1x1x128xi32, #tpu.memory_space<vmem>> -> memref<128xi32, #tpu.memory_space<vmem>>
      %dma_start3A_57 = arith.constant 0 : i32
      %dma_start3A_58 = arith.constant 0 : i32
      %dma_start3A_59 = tpu.memref_slice %arg10[%dma_start3A_57, %dma_start3A_58] : memref<10240x128xf32, #tpu.memory_space<vmem_shared>> -> memref<10240x128xf32, #tpu.memory_space<vmem_shared>>
      tpu.enqueue_indirect_dma source(%dma_start3A_53 : memref<128x128xf32, #tpu.memory_space<vmem>>) target(%dma_start3A_59 : memref<10240x128xf32, #tpu.memory_space<vmem_shared>>) offsets(%dma_start3A_56 : memref<128xi32, #tpu.memory_space<vmem>>) semaphore(%run_scoped3A_49 : memref<!tpu.dma_semaphore, #tpu.memory_space<semaphore_mem>>) {add = true}
      %dma_wait3A_60 = arith.constant 0 : i32
      %dma_wait3A_61 = arith.constant 0 : i32
      %dma_wait3A_62 = tpu.memref_slice %arg8[%run_scoped3A_45, %dma_wait3A_60, %dma_wait3A_61] : memref<2x128x128xf32, #tpu.memory_space<vmem>> -> memref<1x128x128xf32, #tpu.memory_space<vmem>>
      %dma_wait3A_63 = tpu.memref_squeeze %dma_wait3A_62 : memref<1x128x128xf32, #tpu.memory_space<vmem>> -> memref<128x128xf32, #tpu.memory_space<vmem>>
      %dma_wait3A_64 = arith.constant 0 : i32
      %dma_wait3A_65 = tpu.memref_slice %arg7[%run_scoped3A_46, %run_scoped3A_47, %dma_wait3A_64] : memref<2x16x128xi32, #tpu.memory_space<vmem>> -> memref<1x1x128xi32, #tpu.memory_space<vmem>>
      %dma_wait3A_66 = tpu.memref_squeeze %dma_wait3A_65 : memref<1x1x128xi32, #tpu.memory_space<vmem>> -> memref<128xi32, #tpu.memory_space<vmem>>
      %dma_wait3A_67 = arith.constant 0 : i32
      %dma_wait3A_68 = arith.constant 0 : i32
      %dma_wait3A_69 = tpu.memref_slice %arg10[%dma_wait3A_67, %dma_wait3A_68] : memref<10240x128xf32, #tpu.memory_space<vmem_shared>> -> memref<10240x128xf32, #tpu.memory_space<vmem_shared>>
      tpu.wait_indirect_dma semaphore(%run_scoped3A_49 : memref<!tpu.dma_semaphore, #tpu.memory_space<semaphore_mem>>) src(%dma_wait3A_63 : memref<128x128xf32, #tpu.memory_space<vmem>>) dst(%dma_wait3A_69 : memref<10240x128xf32, #tpu.memory_space<vmem_shared>>)
      tpu.yield
    }) : () -> ()
    %barrier3A_48 = arith.constant 0 : index
    tpu.barrier barrier_id(%barrier3A_48)
    "tpu.region"() ({
      %run_scoped3A_49 = tpu.sem_alloc : memref<!tpu.dma_semaphore, #tpu.memory_space<semaphore_mem>>
      %dma_start3A_50 = arith.constant 0 : i32
      %dma_start3A_51 = tpu.memref_slice %arg5[%arg0, %mul3A_7, %dma_start3A_50] : memref<2x10240x128xf32, #tpu.memory_space<hbm>> -> memref<1x640x128xf32, #tpu.memory_space<hbm>>
      %dma_start3A_52 = tpu.memref_squeeze %dma_start3A_51 : memref<1x640x128xf32, #tpu.memory_space<hbm>> -> memref<640x128xf32, #tpu.memory_space<hbm>>
      %dma_start3A_53 = arith.constant 0 : i32
      %dma_start3A_54 = tpu.memref_slice %arg10[%mul3A_7, %dma_start3A_53] : memref<10240x128xf32, #tpu.memory_space<vmem_shared>> -> memref<640x128xf32, #tpu.memory_space<vmem_shared>>
      tpu.enqueue_dma source(%dma_start3A_54 : memref<640x128xf32, #tpu.memory_space<vmem_shared>>) target(%dma_start3A_52 : memref<640x128xf32, #tpu.memory_space<hbm>>) target_semaphore(%run_scoped3A_49 : memref<!tpu.dma_semaphore, #tpu.memory_space<semaphore_mem>>)
      %dma_wait3A_55 = arith.constant 0 : i32
      %dma_wait3A_56 = tpu.memref_slice %arg5[%arg0, %mul3A_7, %dma_wait3A_55] : memref<2x10240x128xf32, #tpu.memory_space<hbm>> -> memref<1x640x128xf32, #tpu.memory_space<hbm>>
      %dma_wait3A_57 = tpu.memref_squeeze %dma_wait3A_56 : memref<1x640x128xf32, #tpu.memory_space<hbm>> -> memref<640x128xf32, #tpu.memory_space<hbm>>
      %dma_wait3A_58 = arith.constant 0 : i32
      %dma_wait3A_59 = tpu.memref_slice %arg10[%mul3A_7, %dma_wait3A_58] : memref<10240x128xf32, #tpu.memory_space<vmem_shared>> -> memref<640x128xf32, #tpu.memory_space<vmem_shared>>
      tpu.wait_dma2 semaphore(%run_scoped3A_49 : memref<!tpu.dma_semaphore, #tpu.memory_space<semaphore_mem>>) src(%dma_wait3A_59 : memref<640x128xf32, #tpu.memory_space<vmem_shared>>) dst(%dma_wait3A_57 : memref<640x128xf32, #tpu.memory_space<hbm>>)
      tpu.yield
    }) : () -> ()
    return
  }
}

module attributes {stable_mosaic.version = 14 : i64} {
  func.func @_k0_body(%arg0: i32, %arg1: memref<256x128xf32, #tpu.memory_space<vmem>>, %arg2: memref<128x128xf32, #tpu.memory_space<vmem>>, %arg3: memref<1x128xf32, #tpu.memory_space<vmem>>, %arg4: memref<128x128xf32, #tpu.memory_space<vmem>>, %arg5: memref<256x128xf32, #tpu.memory_space<vmem>>) attributes {dimension_semantics = [#tpu.dimension_semantics<arbitrary>], iteration_bounds = array<i64: 40>, scalar_prefetch = 0 : i64, scratch_operands = 0 : i64, tpu.core_type = #tpu.core_type<tc>, window_params = [{transform_indices = @transform_0, window_bounds = array<i64: 256, 128>}, {pipeline_mode = #tpu.pipeline_mode<synchronous>, transform_indices = @transform_1, window_bounds = array<i64: 128, 128>}, {pipeline_mode = #tpu.pipeline_mode<synchronous>, transform_indices = @transform_2, window_bounds = array<i64: 1, 128>}, {pipeline_mode = #tpu.pipeline_mode<synchronous>, transform_indices = @transform_3, window_bounds = array<i64: 128, 128>}, {transform_indices = @transform_4, window_bounds = array<i64: 256, 128>}]} {
    %get3A = arith.constant 0 : index
    %get3A_0 = arith.constant 0 : index
    %get3A_1 = vector.load %arg1[%get3A, %get3A_0] : memref<256x128xf32, #tpu.memory_space<vmem>>, vector<256x128xf32>
    %get3A_2 = arith.constant 0 : index
    %get3A_3 = arith.constant 0 : index
    %get3A_4 = vector.load %arg2[%get3A_2, %get3A_3] : memref<128x128xf32, #tpu.memory_space<vmem>>, vector<128x128xf32>
    %dot_general3A = arith.constant dense<0.000000e+00> : vector<256x128xf32>
    %dot_general3A_5 = tpu.matmul %get3A_1, %get3A_4, %dot_general3A {dimension_numbers = #tpu.dot_dimension_numbers<[1], [0], [0], [1], [0, 0, 1, 1], [], []>, transpose_lhs_hint = false} : vector<256x128xf32>, vector<128x128xf32>, vector<256x128xf32> -> vector<256x128xf32>
    %get3A_6 = arith.constant 0 : index
    %get3A_7 = arith.constant 0 : index
    %get3A_8 = vector.load %arg3[%get3A_6, %get3A_7] : memref<1x128xf32, #tpu.memory_space<vmem>>, vector<1x128xf32>
    %add3A = vector.broadcast %get3A_8 : vector<1x128xf32> to vector<256x128xf32>
    %add3A_9 = arith.addf %dot_general3A_5, %add3A : vector<256x128xf32>
    %get3A_10 = arith.constant 0 : index
    %get3A_11 = arith.constant 0 : index
    %get3A_12 = vector.load %arg4[%get3A_10, %get3A_11] : memref<128x128xf32, #tpu.memory_space<vmem>>, vector<128x128xf32>
    %dot_general3A_13 = arith.constant dense<0.000000e+00> : vector<256x128xf32>
    %dot_general3A_14 = tpu.matmul %add3A_9, %get3A_12, %dot_general3A_13 {dimension_numbers = #tpu.dot_dimension_numbers<[1], [0], [0], [1], [0, 0, 1, 1], [], []>, transpose_lhs_hint = false} : vector<256x128xf32>, vector<128x128xf32>, vector<256x128xf32> -> vector<256x128xf32>
    %swap3A = arith.constant 0 : index
    %swap3A_15 = arith.constant 0 : index
    %swap3A_16 = vector.load %arg5[%swap3A, %swap3A_15] : memref<256x128xf32, #tpu.memory_space<vmem>>, vector<256x128xf32>
    tpu.vector_store %arg5[%swap3A, %swap3A_15], %dot_general3A_14 {strides = array<i32>} : memref<256x128xf32, #tpu.memory_space<vmem>>, vector<256x128xf32>,
    return
  }
  func.func @transform_0(%arg0: i32) -> (i32, i32) {
    %c0_i32 = arith.constant 0 : i32
    %c0_i32_0 = arith.constant 0 : i32
    return %arg0, %c0_i32 : i32, i32
  }
  func.func @transform_1(%arg0: i32) -> (i32, i32) {
    %c0_i32 = arith.constant 0 : i32
    %c0_i32_0 = arith.constant 0 : i32
    %c0_i32_1 = arith.constant 0 : i32
    return %c0_i32, %c0_i32_0 : i32, i32
  }
  func.func @transform_2(%arg0: i32) -> (i32, i32) {
    %c0_i32 = arith.constant 0 : i32
    %c0_i32_0 = arith.constant 0 : i32
    %c0_i32_1 = arith.constant 0 : i32
    return %c0_i32, %c0_i32_0 : i32, i32
  }
  func.func @transform_3(%arg0: i32) -> (i32, i32) {
    %c0_i32 = arith.constant 0 : i32
    %c0_i32_0 = arith.constant 0 : i32
    %c0_i32_1 = arith.constant 0 : i32
    return %c0_i32, %c0_i32_0 : i32, i32
  }
  func.func @transform_4(%arg0: i32) -> (i32, i32) {
    %c0_i32 = arith.constant 0 : i32
    %c0_i32_0 = arith.constant 0 : i32
    return %arg0, %c0_i32 : i32, i32
  }
}

module attributes {stable_mosaic.version = 14 : i64} {
  func.func @_k1_body(%arg0: i32, %arg1: memref<256x128xf32, #tpu.memory_space<vmem>>, %arg2: memref<2x256x128xf32, #tpu.memory_space<vmem>>, %arg3: memref<256x128xf32, #tpu.memory_space<vmem>>, %arg4: memref<256x1xf32, #tpu.memory_space<vmem>>) attributes {dimension_semantics = [#tpu.dimension_semantics<arbitrary>], iteration_bounds = array<i64: 40>, scalar_prefetch = 0 : i64, scratch_operands = 0 : i64, tpu.core_type = #tpu.core_type<tc>, window_params = [{transform_indices = @transform_0, window_bounds = array<i64: 256, 128>}, {transform_indices = @transform_1, window_bounds = array<i64: 2, 256, 128>}, {transform_indices = @transform_2, window_bounds = array<i64: 256, 128>}, {transform_indices = @transform_3, window_bounds = array<i64: 256, 1>}]} {
    %get3A = arith.constant 0 : index
    %get3A_0 = arith.constant 0 : index
    %get3A_1 = arith.constant 0 : index
    %get3A_2 = vector.load %arg2[%get3A, %get3A_0, %get3A_1] : memref<2x256x128xf32, #tpu.memory_space<vmem>>, vector<1x256x1xf32>
    %get3A_3 = vector.shape_cast %get3A_2 : vector<1x256x1xf32> to vector<256x1xf32>
    %get3A_4 = arith.constant 1 : index
    %get3A_5 = arith.constant 0 : index
    %get3A_6 = arith.constant 0 : index
    %get3A_7 = vector.load %arg2[%get3A_4, %get3A_5, %get3A_6] : memref<2x256x128xf32, #tpu.memory_space<vmem>>, vector<1x256x1xf32>
    %get3A_8 = vector.shape_cast %get3A_7 : vector<1x256x1xf32> to vector<256x1xf32>
    %add3A = arith.addf %get3A_3, %get3A_8 : vector<256x1xf32>
    %add3A_9 = arith.constant 1.000000e+00 : f32
    %add3A_10 = vector.broadcast %add3A_9 : f32 to vector<256x1xf32>
    %add3A_11 = arith.addf %add3A, %add3A_10 : vector<256x1xf32>
    %rsqrt3A = math.rsqrt %add3A_11 : vector<256x1xf32>
    %get3A_12 = arith.constant 0 : index
    %get3A_13 = arith.constant 0 : index
    %get3A_14 = vector.load %arg1[%get3A_12, %get3A_13] : memref<256x128xf32, #tpu.memory_space<vmem>>, vector<256x128xf32>
    %mul3A = vector.broadcast %rsqrt3A : vector<256x1xf32> to vector<256x128xf32>
    %mul3A_15 = arith.mulf %mul3A, %get3A_14 : vector<256x128xf32>
    %swap3A = arith.constant 0 : index
    %swap3A_16 = arith.constant 0 : index
    %swap3A_17 = vector.load %arg3[%swap3A, %swap3A_16] : memref<256x128xf32, #tpu.memory_space<vmem>>, vector<256x128xf32>
    tpu.vector_store %arg3[%swap3A, %swap3A_16], %mul3A_15 {strides = array<i32>} : memref<256x128xf32, #tpu.memory_space<vmem>>, vector<256x128xf32>,
    %swap3A_18 = arith.constant 0 : index
    %swap3A_19 = arith.constant 0 : index
    %swap3A_20 = vector.load %arg4[%swap3A_18, %swap3A_19] : memref<256x1xf32, #tpu.memory_space<vmem>>, vector<256x1xf32>
    tpu.vector_store %arg4[%swap3A_18, %swap3A_19], %rsqrt3A {strides = array<i32>} : memref<256x1xf32, #tpu.memory_space<vmem>>, vector<256x1xf32>,
    return
  }
  func.func @transform_0(%arg0: i32) -> (i32, i32) {
    %c0_i32 = arith.constant 0 : i32
    %c0_i32_0 = arith.constant 0 : i32
    return %arg0, %c0_i32 : i32, i32
  }
  func.func @transform_1(%arg0: i32) -> (i32, i32, i32) {
    %c0_i32 = arith.constant 0 : i32
    %c0_i32_0 = arith.constant 0 : i32
    %c0_i32_1 = arith.constant 0 : i32
    return %c0_i32, %arg0, %c0_i32_0 : i32, i32, i32
  }
  func.func @transform_2(%arg0: i32) -> (i32, i32) {
    %c0_i32 = arith.constant 0 : i32
    %c0_i32_0 = arith.constant 0 : i32
    return %arg0, %c0_i32 : i32, i32
  }
  func.func @transform_3(%arg0: i32) -> (i32, i32) {
    %c0_i32 = arith.constant 0 : i32
    %c0_i32_0 = arith.constant 0 : i32
    return %arg0, %c0_i32 : i32, i32
  }
}

module attributes {stable_mosaic.version = 14 : i64} {
  func.func @_k2_body(%arg0: i32, %arg1: memref<2x256x128xf32, #tpu.memory_space<vmem>>, %arg2: memref<256x128xf32, #tpu.memory_space<vmem>>, %arg3: memref<256x1xf32, #tpu.memory_space<vmem>>, %arg4: memref<1x128xf32, #tpu.memory_space<vmem>>, %arg5: memref<128x128xf32, #tpu.memory_space<vmem>>, %arg6: memref<256x128xf32, #tpu.memory_space<vmem>>) attributes {dimension_semantics = [#tpu.dimension_semantics<arbitrary>], iteration_bounds = array<i64: 40>, scalar_prefetch = 0 : i64, scratch_operands = 0 : i64, tpu.core_type = #tpu.core_type<tc>, window_params = [{transform_indices = @transform_0, window_bounds = array<i64: 2, 256, 128>}, {transform_indices = @transform_1, window_bounds = array<i64: 256, 128>}, {transform_indices = @transform_2, window_bounds = array<i64: 256, 1>}, {pipeline_mode = #tpu.pipeline_mode<synchronous>, transform_indices = @transform_3, window_bounds = array<i64: 1, 128>}, {pipeline_mode = #tpu.pipeline_mode<synchronous>, transform_indices = @transform_4, window_bounds = array<i64: 128, 128>}, {transform_indices = @transform_5, window_bounds = array<i64: 256, 128>}]} {
    %get3A = arith.constant 0 : index
    %get3A_0 = arith.constant 0 : index
    %get3A_1 = vector.load %arg3[%get3A, %get3A_0] : memref<256x1xf32, #tpu.memory_space<vmem>>, vector<256x1xf32>
    %get3A_2 = arith.constant 0 : index
    %get3A_3 = arith.constant 0 : index
    %get3A_4 = arith.constant 0 : index
    %get3A_5 = vector.load %arg1[%get3A_2, %get3A_3, %get3A_4] : memref<2x256x128xf32, #tpu.memory_space<vmem>>, vector<1x256x128xf32>
    %get3A_6 = vector.shape_cast %get3A_5 : vector<1x256x128xf32> to vector<256x128xf32>
    %get3A_7 = arith.constant 1 : index
    %get3A_8 = arith.constant 0 : index
    %get3A_9 = arith.constant 0 : index
    %get3A_10 = vector.load %arg1[%get3A_7, %get3A_8, %get3A_9] : memref<2x256x128xf32, #tpu.memory_space<vmem>>, vector<1x256x128xf32>
    %get3A_11 = vector.shape_cast %get3A_10 : vector<1x256x128xf32> to vector<256x128xf32>
    %add3A = arith.addf %get3A_6, %get3A_11 : vector<256x128xf32>
    %get3A_12 = arith.constant 0 : index
    %get3A_13 = arith.constant 0 : index
    %get3A_14 = vector.load %arg2[%get3A_12, %get3A_13] : memref<256x128xf32, #tpu.memory_space<vmem>>, vector<256x128xf32>
    %add3A_15 = arith.addf %add3A, %get3A_14 : vector<256x128xf32>
    %mul3A = vector.broadcast %get3A_1 : vector<256x1xf32> to vector<256x128xf32>
    %mul3A_16 = arith.mulf %mul3A, %add3A_15 : vector<256x128xf32>
    %get3A_17 = arith.constant 0 : index
    %get3A_18 = arith.constant 0 : index
    %get3A_19 = vector.load %arg4[%get3A_17, %get3A_18] : memref<1x128xf32, #tpu.memory_space<vmem>>, vector<1x128xf32>
    %add3A_20 = vector.broadcast %get3A_19 : vector<1x128xf32> to vector<256x128xf32>
    %add3A_21 = arith.addf %mul3A_16, %add3A_20 : vector<256x128xf32>
    %max3A = arith.constant 0.000000e+00 : f32
    %max3A_22 = vector.broadcast %max3A : f32 to vector<256x128xf32>
    %max3A_23 = arith.maximumf %add3A_21, %max3A_22 : vector<256x128xf32>
    %get3A_24 = arith.constant 0 : index
    %get3A_25 = arith.constant 0 : index
    %get3A_26 = vector.load %arg5[%get3A_24, %get3A_25] : memref<128x128xf32, #tpu.memory_space<vmem>>, vector<128x128xf32>
    %dot_general3A = arith.constant dense<0.000000e+00> : vector<256x128xf32>
    %dot_general3A_27 = tpu.matmul %max3A_23, %get3A_26, %dot_general3A {dimension_numbers = #tpu.dot_dimension_numbers<[1], [0], [0], [1], [0, 0, 1, 1], [], []>, transpose_lhs_hint = false} : vector<256x128xf32>, vector<128x128xf32>, vector<256x128xf32> -> vector<256x128xf32>
    %mul3A_28 = vector.broadcast %get3A_1 : vector<256x1xf32> to vector<256x128xf32>
    %mul3A_29 = arith.mulf %mul3A_28, %dot_general3A_27 : vector<256x128xf32>
    %swap3A = arith.constant 0 : index
    %swap3A_30 = arith.constant 0 : index
    %swap3A_31 = vector.load %arg6[%swap3A, %swap3A_30] : memref<256x128xf32, #tpu.memory_space<vmem>>, vector<256x128xf32>
    tpu.vector_store %arg6[%swap3A, %swap3A_30], %mul3A_29 {strides = array<i32>} : memref<256x128xf32, #tpu.memory_space<vmem>>, vector<256x128xf32>,
    return
  }
  func.func @transform_0(%arg0: i32) -> (i32, i32, i32) {
    %c0_i32 = arith.constant 0 : i32
    %c0_i32_0 = arith.constant 0 : i32
    %c0_i32_1 = arith.constant 0 : i32
    return %c0_i32, %arg0, %c0_i32_0 : i32, i32, i32
  }
  func.func @transform_1(%arg0: i32) -> (i32, i32) {
    %c0_i32 = arith.constant 0 : i32
    %c0_i32_0 = arith.constant 0 : i32
    return %arg0, %c0_i32 : i32, i32
  }
  func.func @transform_2(%arg0: i32) -> (i32, i32) {
    %c0_i32 = arith.constant 0 : i32
    %c0_i32_0 = arith.constant 0 : i32
    return %arg0, %c0_i32 : i32, i32
  }
  func.func @transform_3(%arg0: i32) -> (i32, i32) {
    %c0_i32 = arith.constant 0 : i32
    %c0_i32_0 = arith.constant 0 : i32
    %c0_i32_1 = arith.constant 0 : i32
    return %c0_i32, %c0_i32_0 : i32, i32
  }
  func.func @transform_4(%arg0: i32) -> (i32, i32) {
    %c0_i32 = arith.constant 0 : i32
    %c0_i32_0 = arith.constant 0 : i32
    %c0_i32_1 = arith.constant 0 : i32
    return %c0_i32, %c0_i32_0 : i32, i32
  }
  func.func @transform_5(%arg0: i32) -> (i32, i32) {
    %c0_i32 = arith.constant 0 : i32
    %c0_i32_0 = arith.constant 0 : i32
    return %arg0, %c0_i32 : i32, i32
  }
}

module attributes {stable_mosaic.version = 14 : i64} {
  func.func @_k3_body(%arg0: i32, %arg1: memref<2x256x128xf32, #tpu.memory_space<vmem>>, %arg2: memref<256x128xf32, #tpu.memory_space<vmem>>, %arg3: memref<256x1xf32, #tpu.memory_space<vmem>>, %arg4: memref<1x128xf32, #tpu.memory_space<vmem>>, %arg5: memref<128x128xf32, #tpu.memory_space<vmem>>, %arg6: memref<1x128xf32, #tpu.memory_space<vmem>>, %arg7: memref<256x128xf32, #tpu.memory_space<vmem>>) attributes {dimension_semantics = [#tpu.dimension_semantics<arbitrary>], iteration_bounds = array<i64: 40>, scalar_prefetch = 0 : i64, scratch_operands = 0 : i64, tpu.core_type = #tpu.core_type<tc>, window_params = [{transform_indices = @transform_0, window_bounds = array<i64: 2, 256, 128>}, {transform_indices = @transform_1, window_bounds = array<i64: 256, 128>}, {transform_indices = @transform_2, window_bounds = array<i64: 256, 1>}, {pipeline_mode = #tpu.pipeline_mode<synchronous>, transform_indices = @transform_3, window_bounds = array<i64: 1, 128>}, {pipeline_mode = #tpu.pipeline_mode<synchronous>, transform_indices = @transform_4, window_bounds = array<i64: 128, 128>}, {pipeline_mode = #tpu.pipeline_mode<synchronous>, transform_indices = @transform_5, window_bounds = array<i64: 1, 128>}, {transform_indices = @transform_6, window_bounds = array<i64: 256, 128>}]} {
    %get3A = arith.constant 0 : index
    %get3A_0 = arith.constant 0 : index
    %get3A_1 = vector.load %arg3[%get3A, %get3A_0] : memref<256x1xf32, #tpu.memory_space<vmem>>, vector<256x1xf32>
    %get3A_2 = arith.constant 0 : index
    %get3A_3 = arith.constant 0 : index
    %get3A_4 = arith.constant 0 : index
    %get3A_5 = vector.load %arg1[%get3A_2, %get3A_3, %get3A_4] : memref<2x256x128xf32, #tpu.memory_space<vmem>>, vector<1x256x128xf32>
    %get3A_6 = vector.shape_cast %get3A_5 : vector<1x256x128xf32> to vector<256x128xf32>
    %get3A_7 = arith.constant 1 : index
    %get3A_8 = arith.constant 0 : index
    %get3A_9 = arith.constant 0 : index
    %get3A_10 = vector.load %arg1[%get3A_7, %get3A_8, %get3A_9] : memref<2x256x128xf32, #tpu.memory_space<vmem>>, vector<1x256x128xf32>
    %get3A_11 = vector.shape_cast %get3A_10 : vector<1x256x128xf32> to vector<256x128xf32>
    %add3A = arith.addf %get3A_6, %get3A_11 : vector<256x128xf32>
    %get3A_12 = arith.constant 0 : index
    %get3A_13 = arith.constant 0 : index
    %get3A_14 = vector.load %arg2[%get3A_12, %get3A_13] : memref<256x128xf32, #tpu.memory_space<vmem>>, vector<256x128xf32>
    %add3A_15 = arith.addf %add3A, %get3A_14 : vector<256x128xf32>
    %mul3A = vector.broadcast %get3A_1 : vector<256x1xf32> to vector<256x128xf32>
    %mul3A_16 = arith.mulf %mul3A, %add3A_15 : vector<256x128xf32>
    %get3A_17 = arith.constant 0 : index
    %get3A_18 = arith.constant 0 : index
    %get3A_19 = vector.load %arg4[%get3A_17, %get3A_18] : memref<1x128xf32, #tpu.memory_space<vmem>>, vector<1x128xf32>
    %add3A_20 = vector.broadcast %get3A_19 : vector<1x128xf32> to vector<256x128xf32>
    %add3A_21 = arith.addf %mul3A_16, %add3A_20 : vector<256x128xf32>
    %max3A = arith.constant 0.000000e+00 : f32
    %max3A_22 = vector.broadcast %max3A : f32 to vector<256x128xf32>
    %max3A_23 = arith.maximumf %add3A_21, %max3A_22 : vector<256x128xf32>
    %get3A_24 = arith.constant 0 : index
    %get3A_25 = arith.constant 0 : index
    %get3A_26 = vector.load %arg5[%get3A_24, %get3A_25] : memref<128x128xf32, #tpu.memory_space<vmem>>, vector<128x128xf32>
    %dot_general3A = arith.constant dense<0.000000e+00> : vector<256x128xf32>
    %dot_general3A_27 = tpu.matmul %max3A_23, %get3A_26, %dot_general3A {dimension_numbers = #tpu.dot_dimension_numbers<[1], [0], [0], [1], [0, 0, 1, 1], [], []>, transpose_lhs_hint = false} : vector<256x128xf32>, vector<128x128xf32>, vector<256x128xf32> -> vector<256x128xf32>
    %get3A_28 = arith.constant 0 : index
    %get3A_29 = arith.constant 0 : index
    %get3A_30 = vector.load %arg6[%get3A_28, %get3A_29] : memref<1x128xf32, #tpu.memory_space<vmem>>, vector<1x128xf32>
    %add3A_31 = vector.broadcast %get3A_30 : vector<1x128xf32> to vector<256x128xf32>
    %add3A_32 = arith.addf %dot_general3A_27, %add3A_31 : vector<256x128xf32>
    %reduce_max3A = arith.constant dense<0xFF800000> : vector<256xf32>
    %reduce_max3A_33 = vector.multi_reduction <maximumf>, %add3A_32, %reduce_max3A [1] : vector<256x128xf32> to vector<256xf32>
    %broadcast_in_dim3A = vector.shape_cast %reduce_max3A_33 : vector<256xf32> to vector<256x1xf32>
    %sub3A = vector.broadcast %broadcast_in_dim3A : vector<256x1xf32> to vector<256x128xf32>
    %sub3A_34 = arith.subf %add3A_32, %sub3A : vector<256x128xf32>
    %exp3A = math.exp %sub3A_34 : vector<256x128xf32>
    %reduce_sum3A = arith.constant dense<0.000000e+00> : vector<256xf32>
    %reduce_sum3A_35 = vector.multi_reduction <add>, %exp3A, %reduce_sum3A [1] : vector<256x128xf32> to vector<256xf32>
    %broadcast_in_dim3A_36 = vector.shape_cast %reduce_sum3A_35 : vector<256xf32> to vector<256x1xf32>
    %log3A = math.log %broadcast_in_dim3A_36 : vector<256x1xf32>
    %add3A_37 = arith.addf %log3A, %broadcast_in_dim3A : vector<256x1xf32>
    %sub3A_38 = vector.broadcast %add3A_37 : vector<256x1xf32> to vector<256x128xf32>
    %sub3A_39 = arith.subf %add3A_32, %sub3A_38 : vector<256x128xf32>
    %swap3A = arith.constant 0 : index
    %swap3A_40 = arith.constant 0 : index
    %swap3A_41 = vector.load %arg7[%swap3A, %swap3A_40] : memref<256x128xf32, #tpu.memory_space<vmem>>, vector<256x128xf32>
    tpu.vector_store %arg7[%swap3A, %swap3A_40], %sub3A_39 {strides = array<i32>} : memref<256x128xf32, #tpu.memory_space<vmem>>, vector<256x128xf32>,
    return
  }
  func.func @transform_0(%arg0: i32) -> (i32, i32, i32) {
    %c0_i32 = arith.constant 0 : i32
    %c0_i32_0 = arith.constant 0 : i32
    %c0_i32_1 = arith.constant 0 : i32
    return %c0_i32, %arg0, %c0_i32_0 : i32, i32, i32
  }
  func.func @transform_1(%arg0: i32) -> (i32, i32) {
    %c0_i32 = arith.constant 0 : i32
    %c0_i32_0 = arith.constant 0 : i32
    return %arg0, %c0_i32 : i32, i32
  }
  func.func @transform_2(%arg0: i32) -> (i32, i32) {
    %c0_i32 = arith.constant 0 : i32
    %c0_i32_0 = arith.constant 0 : i32
    return %arg0, %c0_i32 : i32, i32
  }
  func.func @transform_3(%arg0: i32) -> (i32, i32) {
    %c0_i32 = arith.constant 0 : i32
    %c0_i32_0 = arith.constant 0 : i32
    %c0_i32_1 = arith.constant 0 : i32
    return %c0_i32, %c0_i32_0 : i32, i32
  }
  func.func @transform_4(%arg0: i32) -> (i32, i32) {
    %c0_i32 = arith.constant 0 : i32
    %c0_i32_0 = arith.constant 0 : i32
    %c0_i32_1 = arith.constant 0 : i32
    return %c0_i32, %c0_i32_0 : i32, i32
  }
  func.func @transform_5(%arg0: i32) -> (i32, i32) {
    %c0_i32 = arith.constant 0 : i32
    %c0_i32_0 = arith.constant 0 : i32
    %c0_i32_1 = arith.constant 0 : i32
    return %c0_i32, %c0_i32_0 : i32, i32
  }
  func.func @transform_6(%arg0: i32) -> (i32, i32) {
    %c0_i32 = arith.constant 0 : i32
    %c0_i32_0 = arith.constant 0 : i32
    return %arg0, %c0_i32 : i32, i32
  }
}

</mosaic_0001>

<sc_bundles>
// kernel: kernel.12.cloned.1.call-start
scs
__scs_entry_jumppad:
0x0: {  	(pc) =	sbr.rel $0x88, $3  }
0x1: {  	(tag) =	ssettag $0x0;
	lr =	simm.s32 $0x1  }
0x2: {  	[smem:$0x3F97] =	sst lr;
	_ =	strace $0xD0000000  }
0x3: {  	_ = 	snop  }
0x4: {  	_ = 	snop  }
0x5: {  	_ = 	snop  }
0x6: {  	_ = 	snop  }
0x7: {  	_ = 	snop  }
__scs_overlays_trampoline_lowered:
0x8: {  	[smem:$0x3FA6] =	sst s0  }
0x9: {  	[smem:$0x3FA7] =	sst s1  }
0xa: {  	[smem:$0x3FA8] =	sst s2  }
0xb: {  	[smem:$0x3FA9] =	sst s3  }
0xc: {  	[smem:$0x3FAA] =	sst s4  }
0xd: {  	[smem:$0x3FAB] =	sst s5  }
0xe: {  	[smem:$0x3FAC] =	sst s6  }
0xf: {  	[smem:$0x3FAD] =	sst s7  }
0x10: {  	[smem:$0x3FAE] =	sst s8  }
0x11: {  	[smem:$0x3FAF] =	sst s9;
	s0 =	simm.s32 @!p0 $0x0  }
0x12: {  	s1 =	sld [smem:$0x3F95];
	s0 =	simm.s32 @p0 $0x1  }
0x13: {  	[smem:$0x3FB0] =	sst s0;
	s0 =	simm.s32 @!p1 $0x0  }
0x14: {  	s2 =	sld [smem:$0x3F94];
	s0 =	simm.s32 @p1 $0x1  }
0x15: {  	[smem:$0x3FB1] =	sst s0;
	s0 =	simm.s32 @!p2 $0x0  }
0x16: {  	s3 =	sld [smem:$0x3FDB];
	s0 =	simm.s32 @p2 $0x1  }
0x17: {  	s4 =	simm.s32 $0x1BF5;
	[smem:$0x3FB3] =	sst s0  }
0x18: {  	s0 =	sld [smem:$0x3F96];
	_ =	swait.ge [sflag:s4], $0x0  }
0x19: {  	s7 =	sld [smem:$0x3F97]  }
0x1a: {  	s8 =	sadd.s32 $0xFFFFE003, lr  }
0x1b: {  	s9 =	sadd.s32 $0xFFFFFEF7, lr;
	s5 =	simm.s32 $0xFFFFFFFF;
	p2 =	slt.u32 s8, $0xFFFFF086  }
0x1c: {  	p1 =	slt.u32 s9, $0xF7A;
	s5 =	simm.s32 @!p2 $0x0  }
0x1d: {  	s5 =	simm.s32 @p1 $0x1;
	p0 =	seq.s32 s7, s2  }
0x1e: {  	s7 =	smul.u32 @!p0 $0xF7A, s2;
	p2 =	seq.s32 @!p0 s5, $0x0  }
0x1f: {  	s9 =	smul.u32 $0xF7A, s1;
	s8 =	simm.s32 @!p0 $0x1BF5;
	p2 =	por !p2, p0  }
0x20: {  	[sflag:s8] =	ssyncset.s32 @!p0 $0xFFFFF086;
	s6 =	sadd.s32 @!p0 s3, s7;
	s7 =	simm.s32 @!p0 $0x108  }
0x21: {  	s3 =	sadd.s32 s3, s9;
	s6 =	sadd.s32 @!p0 $0x88, s6;
	s7 =	simm.s32 @p2 $0x1082  }
0x22: {  	[simem:s7], [sflag:s8] =	dma.local @!p0 [hbm:s6], $0xF7A  }
0x23: {  	s9 =	sor.u32 $0xD0000000, s2;
	s6 =	simm.s32 $0x108;
	_ =	swait.ge @!p0 [sflag:s8], $0x0  }
0x24: {  	s3 =	sadd.s32 $0x88, s3;
	s6 =	simm.s32 @!p1 $0x1082;
	[sflag:s4] =	ssyncset.s32 $0xFFFFF086  }
0x25: {  	[simem:s6], [sflag:s4] =	dma.local [hbm:s3], $0xF7A  }
0x26: {  	[smem:$0x3F97] =	sst s1;
	(tag) =	ssettag s2;
	_ =	strace s9  }
0x27: {  	s1 =	sld [smem:$0x3FA7]  }
0x28: {  	s2 =	sld [smem:$0x3FA8]  }
0x29: {  	s4 =	sld [smem:$0x3FAA]  }
0x2a: {  	p0 =	seq.s32 s5, $0x0;
	s5 =	sld [smem:$0x3FAB]  }
0x2b: {  	s6 =	sld [smem:$0x3FAC]  }
0x2c: {  	s7 =	sld [smem:$0x3FAD]  }
0x2d: {  	s3 =	simm.s32 $0x108;
	s8 =	sld [smem:$0x3FAE]  }
0x2e: {  	s3 =	simm.s32 @!p0 $0x1082;
	s9 =	sld [smem:$0x3FAF]  }
0x2f: {  	lr =	sadd.s32 s0, s3;
	s0 =	sld [smem:$0x3FA6]  }
0x30: {  	s3 =	sld [smem:$0x3FA9]  }
0x31: {  	[smem:$0x3FB2] =	sst s10  }
0x32: {  	s10 =	sld [smem:$0x3FB0];
	_ =	sdelay $0x3  }
0x33: {  	p0 =	seq.s32 s10, $0x1;
	s10 =	sld [smem:$0x3FB2];
	_ =	sdelay $0x3  }
0x34: {  	[smem:$0x3FB2] =	sst s10  }
0x35: {  	s10 =	sld [smem:$0x3FB1];
	_ =	sdelay $0x3  }
0x36: {  	p1 =	seq.s32 s10, $0x1;
	s10 =	sld [smem:$0x3FB2];
	_ =	sdelay $0x3  }
0x37: {  	[smem:$0x3FB2] =	sst s10  }
0x38: {  	s10 =	sld [smem:$0x3FB3]  }
0x39: {  	_ = 	snop;
	(pc) =	sbr.ind lr, $3  }
0x3a: {  	_ = 	snop  }
0x3b: {  	_ = 	snop  }
0x3c: {  	p2 =	seq.s32 s10, $0x1;
	s10 =	sld [smem:$0x3FB2]  }
0x3d: {  	_ =	shalt  }
0x3e: {  	_ =	shalt  }
0x3f: {  	_ =	shalt  }
0x40: {  	_ =	shalt  }
0x41: {  	_ =	shalt  }
0x42: {  	_ =	shalt  }
0x43: {  	_ =	shalt  }
0x44: {  	_ =	shalt  }
0x45: {  	_ =	shalt  }
0x46: {  	_ =	shalt  }
0x47: {  	_ =	shalt  }
0x48: {  	_ =	shalt  }
0x49: {  	_ =	shalt  }
0x4a: {  	_ =	shalt  }
0x4b: {  	_ =	shalt  }
0x4c: {  	_ =	shalt  }
0x4d: {  	_ =	shalt  }
0x4e: {  	_ =	shalt  }
0x4f: {  	_ =	shalt  }
0x50: {  	_ =	shalt  }
0x51: {  	_ =	shalt  }
0x52: {  	_ =	shalt  }
0x53: {  	_ =	shalt  }
0x54: {  	_ =	shalt  }
0x55: {  	_ =	shalt  }
0x56: {  	_ =	shalt  }
0x57: {  	_ =	shalt  }
0x58: {  	_ =	shalt  }
0x59: {  	_ =	shalt  }
0x5a: {  	_ =	shalt  }
0x5b: {  	_ =	shalt  }
0x5c: {  	_ =	shalt  }
0x5d: {  	_ =	shalt  }
0x5e: {  	_ =	shalt  }
0x5f: {  	_ =	shalt  }
0x60: {  	_ =	shalt  }
0x61: {  	_ =	shalt  }
0x62: {  	_ =	shalt  }
0x63: {  	_ =	shalt  }
0x64: {  	_ =	shalt  }
0x65: {  	_ =	shalt  }
0x66: {  	_ =	shalt  }
0x67: {  	_ =	shalt  }
0x68: {  	_ =	shalt  }
0x69: {  	_ =	shalt  }
0x6a: {  	_ =	shalt  }
0x6b: {  	_ =	shalt  }
0x6c: {  	_ =	shalt  }
0x6d: {  	_ =	shalt  }
0x6e: {  	_ =	shalt  }
0x6f: {  	_ =	shalt  }
0x70: {  	_ =	shalt  }
0x71: {  	_ =	shalt  }
0x72: {  	_ =	shalt  }
0x73: {  	_ =	shalt  }
0x74: {  	_ =	shalt  }
0x75: {  	_ =	shalt  }
0x76: {  	_ =	shalt  }
0x77: {  	_ =	shalt  }
0x78: {  	_ =	shalt  }
0x79: {  	_ =	shalt  }
0x7a: {  	_ =	shalt  }
0x7b: {  	_ =	shalt  }
0x7c: {  	_ =	shalt  }
0x7d: {  	_ =	shalt  }
0x7e: {  	_ =	shalt  }
0x7f: {  	_ =	shalt  }
0x80: {  	_ =	shalt  }
0x81: {  	_ =	shalt  }
0x82: {  	_ =	shalt  }
0x83: {  	_ =	shalt  }
0x84: {  	_ =	shalt  }
0x85: {  	_ =	shalt  }
0x86: {  	_ =	shalt  }
0x87: {  	_ =	shalt  }
.Lfunc_end0:
.L_simem_size_0:
called_computation.1_lowered:
.L_overlay_start_0:
0x88: {  	s2 =	sld [smem:$0x3FD9]  }
0x89: {  	s3 =	sld [smem:$0x3FFE];
	_ =	sdelay $0x1  }
0x8a: {  	s1 =	srdreg.scid  }
0x8b: {  	s0 =	sand.u32 $0x1, s1  }
0x8c: {  	s17 =	sshll.u32 s0, $0xA;
	s2 =	sadd.s32 s3, s2  }
0x8d: {  	s2 =	sadd.s32 s2, s17  }
0x8e: {  	[smem:$0x3FBE] =	sst s2  }
0x8f: {  	_ = 	snop  }
0x90: {  	s2 =	sld [smem:$0x3FD0];
	(tm) =	ssettm $0x1  }
0x91: {  	s18 =	sld [smem:$0x3FFB];
	_ =	sdelay $0x3  }
0x92: {  	_ =	strace s18  }
0x93: {  	s3 =	sld [smem:$0x3FFC];
	_ =	sdelay $0x3  }
0x94: {  	_ =	strace s3  }
0x95: {  	s3 =	sld [smem:$0x3FFD];
	_ =	sdelay $0x3  }
0x96: {  	_ =	strace s3  }
0x97: {  	_ =	strace $0x8FFFFFFF  }
0x98: {  	s19 =	sld [smem:$0x3FDB];
	_ =	sdelay $0x1  }
0x99: {  	s4 =	simm.s32 $_scs_section_size  }
0x9a: {  	s5 =	simm.s32 $_size__tile_overlayer_lowered;
	s6 =	simm.s32 $_tile_overlayer_lowered  }
0x9b: {  	s22 =	simm.s32 $0x1BFF;
	s21 =	sshll.u32 s6, $0x1;
	s3 =	sadd.s32 s4, s19  }
0x9c: {  	s7 =	simm.s32 $0x0;
	s20 =	sshll.u32 s5, $0x1;
	s5 =	sadd.s32 s21, s3  }
0x9d: {  	[timem:s7], [sflag:s22] =	dma.local [hbm:s5], s20  }
0x9e: {  	_ =	swait.ge [sflag:s22], s20  }
0x9f: {  	s4 =	ssub.s32 $0x0, s20;
	[sflag:s22] =	ssyncset.done $0x0  }
0xa0: {  	[sflag:s22] =	ssyncadd.s32 s4;
	_ =	sdelay $0x1  }
0xa1: {  	s23 =	simm.s32 $0x1B8B  }
0xa2: {  	_ =	swait.ge [sflag:s23], $0x1  }
0xa3: {  	[sflag:s23] =	ssyncset.done $0x0  }
0xa4: {  	s25 =	simm.s32 $0x1B8E;
	s24 =	sld [smem:$0x3FFE];
	[sflag:s23] =	ssyncadd.s32 $0xFFFFFFFF  }
0xa5: {  	s26 =	simm.s32 $execute0_lowered;
	[smem:$0x3FD2] =	sst s25  }
0xa6: {  	s5 =	sshll.u32 s26, $0x1;
	_ =	strace $0x80000049;
	[dreg:$0x1] =	wrdreg $0xFFFFFFFF  }
0xa7: {  	s28 =	simm.s32 $_size_execute0_lowered;
	s3 =	sadd.s32 s3, s5;
	[dreg:$0x0] =	wrdreg $0x0  }
0xa8: {  	s5 =	sshll.u32 s28, $0x1;
	[dreg:$0x2] =	wrdreg s3  }
0xa9: {  	[dreg:$0x3] =	wrdreg s5  }
0xaa: {  	[dreg:$0x4] =	wrdreg $0xC0  }
0xab: {  	_ =	task [dreg:s7], $0x5FFFF  }
0xac: {  	[dreg:$0x1] =	wrdreg $0xFFFFFFFF  }
0xad: {  	[dreg:$0x0] =	wrdreg $0x60  }
0xae: {  	[dreg:$0x2] =	wrdreg s24  }
0xaf: {  	[dreg:$0x3] =	wrdreg s2  }
0xb0: {  	[dreg:$0x4] =	wrdreg $0xB0000  }
0xb1: {  	[dreg:$0x5] =	wrdreg $0x9  }
0xb2: {  	_ =	task.clear_ibuf [dreg:s7], $0x6FFFF;
	_ =	strace $0x90000049  }
0xb3: {  	s29 =	simm.s32 $0x9;
	_ =	strace $0x8000004B  }
0xb4: {  	_ =	swait.ge [sflag:s29], $0x1  }
0xb5: {  	[sflag:s29] =	ssyncadd.s32 $0xFFFFFFFF  }
0xb6: {  	_ =	strace $0x9000004B  }
0xb7: {  	_ =	sfence  }
0xb8: {  	s30 =	sld [smem:$0x0];
	_ =	sdelay $0x2  }
0xb9: {  	s31 =	sshll.u32 s1, $0xD;
	s1 =	sshrl.u32 s1, $0x2  }
0xba: {  	s3 =	sand.u32 $0x4000, s31;
	s1 =	sadd.s32 s1, s30  }
0xbb: {  	s0 =	sor.u32 s3, s0;
	s1 =	sshll.u32 s1, $0x11  }
0xbc: {  	s0 =	sor.u32 s1, s0  }
0xbd: {  	s0 =	sadd.s32 $0x8F2B, s0  }
0xbe: {  	[sflag:s0] =	ssyncadd.remote.s32 $0x1  }
0xbf: {  	_ =	sfence.sel $0xFFFF  }
0xc0: {  	[dreg:$0x0] =	wrdreg $0xFFFFFFFF;
	(pc) =	sbr.abs _section_cstart, $3  }
0xc1: {  	[dreg:$0x1] =	wrdreg $0xFFFFFFFF  }
0xc2: {  	_ =	task.clear_ibuf [dreg:s7], $0x2FFFF;
	_ =	strace $0x9FFFFFFF  }
0xc3: {  	(tm) =	ssettm $0x7FFFFFFF  }
tec
execute0_lowered:
.L_overlay_start_1:
0x0: {  	(tag) =	ssettag $0x1  }
0x1: {  	s0 =	rddreg [dreg:$0x0]  }
0x2: {  	s1 =	rddreg [dreg:$0x1]  }
0x3: {  	s2 =	rddreg [dreg:$0x2]  }
0x4: {  	s3 =	srdreg.scid;
	s5 =	simm.s32 $0x0;
	s9 =	stileid.u32  }
0x5: {  	s3 =	sand.u32 $0x1, s3;
	s7 =	smul.u32 $0x14000, s9;
	s24 =	sshll.u32 s9, $0x1  }
0x6: {  	s4 =	smul.u32 $0x140000, s3;
	s8 =	ssub.s32 $0x2, s3;
	s3 =	sor.u32 s3, s24  }
0x7: {  	[smem:$0x7FF] =	sst s5;
	s6 =	sadd.s32 $0x53400, s0;
	s3 =	smul.u32 $0x2800, s3  }
0x8: {  	s25 =	smul.u32 $0x50000, s9;
	_ =	strace $0x8000004A;
	s26 =	sshrl.u32 s8, $0x1  }
0x9: {  	s28 =	ssub.s32 s8, s26;
	s29 =	sshrl.u32 s3, $0x3;
	s3 =	sadd.s32 $0x800, s3  }
0xa: {  	s4 =	sadd.s32 s7, s4;
	s11 =	smax.u32 s28, $0x1;
	[dreg:$0x4] =	wrdreg s3  }
0xb: {  	s7 =	sshrl.u32 s25, $0x2;
	s10 =	sadd.s32 s6, s29;
	[dreg:$0x8] =	wrdreg s11  }
0xc: {  	s7 =	sadd.s32 s7, s2;
	s8 =	sadd.s32 s1, s29;
	[dreg:$0x5] =	wrdreg s10  }
0xd: {  	s12 =	sadd.s32 $0x1000, s7;
	[dreg:$0x6] =	wrdreg s8  }
0xe: {  	s13 =	sadd.s32 $0x2000, s7;
	[dreg:$0x9] =	wrdreg s12  }
0xf: {  	s14 =	sadd.s32 $0x3000, s7;
	[dreg:$0xa] =	wrdreg s13  }
0x10: {  	s15 =	sadd.s32 $0x4000, s7;
	[dreg:$0xb] =	wrdreg s14  }
0x11: {  	s16 =	sadd.s32 $0x5000, s7;
	[dreg:$0xc] =	wrdreg s15  }
0x12: {  	s17 =	sadd.s32 $0x6000, s7;
	[dreg:$0xd] =	wrdreg s16  }
0x13: {  	s18 =	sadd.s32 $0x7000, s7;
	[dreg:$0xe] =	wrdreg s17  }
0x14: {  	s5 =	sadd.s32 $0x2C00, s0;
	s19 =	sadd.s32 $0x8000, s7;
	[dreg:$0xf] =	wrdreg s18  }
0x15: {  	s9 =	simm.s32 $0x6000;
	s20 =	sadd.s32 $0x9000, s7;
	[dreg:$0x10] =	wrdreg s19  }
0x16: {  	s4 =	sshrl.u32 s4, $0x3;
	s21 =	sadd.s32 $0xA000, s7;
	[dreg:$0x11] =	wrdreg s20  }
0x17: {  	s0 =	sadd.s32 s4, s0;
	s22 =	sadd.s32 $0xB000, s7;
	[dreg:$0x12] =	wrdreg s21  }
0x18: {  	s23 =	sadd.s32 $0xC000, s7;
	s24 =	sadd.s32 $0xD000, s7;
	[dreg:$0x13] =	wrdreg s22  }
0x19: {  	s25 =	sadd.s32 $0xE000, s7;
	s26 =	sadd.s32 $0xF000, s7;
	[dreg:$0x14] =	wrdreg s23  }
0x1a: {  	s28 =	sadd.s32 $0x10000, s7;
	s29 =	sadd.s32 $0x11000, s7;
	[dreg:$0x15] =	wrdreg s24  }
0x1b: {  	s30 =	sadd.s32 $0x12000, s7;
	s31 =	sadd.s32 $0x13000, s7;
	[dreg:$0x16] =	wrdreg s25  }
0x1c: {  	s3 =	simm.s32 $0x4;
	s4 =	simm.s32 $0x2000;
	[dreg:$0x17] =	wrdreg s26  }
0x1d: {  	s11 =	simm.s32 $0x2;
	s0 =	sadd.s32 $0x5D400, s0;
	[dreg:$0x18] =	wrdreg s28  }
0x1e: {  	[dreg:$0x19] =	wrdreg s29;
	s8 =	simm.s32 $0x80;
	s10 =	simm.s32 $0x1  }
0x1f: {  	v0 =	vimm.f32 $0.0e+00;
	s12 =	simm.s32 $0x0;
	[dreg:$0x7] =	wrdreg s0;
	s0 =	simm.s32 $0xA000  }
.LBB2_1:
0x20: {  	s14 =	simm.s32 $0x0  }
0x21: {  	s13 =	sand.u32 $0x3E00, s14  }
0x22: {  	s14 =	sand.u32 $0x70, s14;
	s15 =	sshrl.u32 s13, $0x2  }
0x23: {  	s13 =	simm.s32 $0x40;
	s15 =	sor.u32 s14, s15;
	s14 =	simm.s32 $0x0  }
.LBB2_2:
0x24: {  	p0 =	sne.s32 s13, $0x3FC0  }
0x25: {  	[tilespmem:s15+$0xA000] =	vst v0;
	s14 =	sadd.s32 $0x10, s14;
	s15 =	smov.u32 s13;
	s13 =	sadd.s32 $0x40, s13  }
.Ltmp0:
0x26: {  	(pc) =	sbr.rel @p0 .LBB2_2-.Ltmp0, $4  }
0x27: {  	_ = 	snop  }
0x28: {  	s15 =	sand.u32 $0x3E00, s15  }
0x29: {  	s16 =	sand.u32 $0x70, s14;
	s15 =	sshrl.u32 s15, $0x2  }
0x2a: {  	s15 =	sor.u32 s16, s15  }
0x2b: {  	[tilespmem:s15+$0xA000] =	vst v0  }
0x2c: {  	[spmem:s7] =	stream.linear.scatter [tilespmem:s0], [sflag:$0x4], $0x1000, $0x38;
	[tilespmem:$0x1F000] =	vst v63  }
0x2d: {  	_ =	swait.ge [sflag:s3], $0x1000  }
0x2e: {  	[sflag:s3] =	ssyncset.done $0x0  }
0x2f: {  	s13 =	rddreg [dreg:$0x9];
	[sflag:s3] =	ssyncadd.s32 $0xFFFFF000  }
0x30: {  	[spmem:s13] =	stream.linear.scatter [tilespmem:s0], [sflag:$0x4], $0x1000, $0x38;
	[tilespmem:$0x1F000] =	vst v63  }
0x31: {  	_ =	swait.ge [sflag:s3], $0x1000  }
0x32: {  	[sflag:s3] =	ssyncset.done $0x0  }
0x33: {  	s28 =	rddreg [dreg:$0xa];
	[sflag:s3] =	ssyncadd.s32 $0xFFFFF000  }
0x34: {  	[spmem:s28] =	stream.linear.scatter [tilespmem:s0], [sflag:$0x4], $0x1000, $0x38;
	[tilespmem:$0x1F000] =	vst v63  }
0x35: {  	_ =	swait.ge [sflag:s3], $0x1000  }
0x36: {  	[sflag:s3] =	ssyncset.done $0x0  }
0x37: {  	s29 =	rddreg [dreg:$0xb];
	[sflag:s3] =	ssyncadd.s32 $0xFFFFF000  }
0x38: {  	[spmem:s29] =	stream.linear.scatter [tilespmem:s0], [sflag:$0x4], $0x1000, $0x38;
	[tilespmem:$0x1F000] =	vst v63  }
0x39: {  	_ =	swait.ge [sflag:s3], $0x1000  }
0x3a: {  	[sflag:s3] =	ssyncset.done $0x0  }
0x3b: {  	s14 =	rddreg [dreg:$0xc];
	[sflag:s3] =	ssyncadd.s32 $0xFFFFF000  }
0x3c: {  	[spmem:s14] =	stream.linear.scatter [tilespmem:s0], [sflag:$0x4], $0x1000, $0x38;
	[tilespmem:$0x1F000] =	vst v63  }
0x3d: {  	_ =	swait.ge [sflag:s3], $0x1000  }
0x3e: {  	[sflag:s3] =	ssyncset.done $0x0  }
0x3f: {  	s15 =	rddreg [dreg:$0xd];
	[sflag:s3] =	ssyncadd.s32 $0xFFFFF000  }
0x40: {  	[spmem:s15] =	stream.linear.scatter [tilespmem:s0], [sflag:$0x4], $0x1000, $0x38;
	[tilespmem:$0x1F000] =	vst v63  }
0x41: {  	_ =	swait.ge [sflag:s3], $0x1000  }
0x42: {  	[sflag:s3] =	ssyncset.done $0x0  }
0x43: {  	s16 =	rddreg [dreg:$0xe];
	[sflag:s3] =	ssyncadd.s32 $0xFFFFF000  }
0x44: {  	[spmem:s16] =	stream.linear.scatter [tilespmem:s0], [sflag:$0x4], $0x1000, $0x38;
	[tilespmem:$0x1F000] =	vst v63  }
0x45: {  	_ =	swait.ge [sflag:s3], $0x1000  }
0x46: {  	[sflag:s3] =	ssyncset.done $0x0  }
0x47: {  	s17 =	rddreg [dreg:$0xf];
	[sflag:s3] =	ssyncadd.s32 $0xFFFFF000  }
0x48: {  	[spmem:s17] =	stream.linear.scatter [tilespmem:s0], [sflag:$0x4], $0x1000, $0x38;
	[tilespmem:$0x1F000] =	vst v63  }
0x49: {  	_ =	swait.ge [sflag:s3], $0x1000  }
0x4a: {  	[sflag:s3] =	ssyncset.done $0x0  }
0x4b: {  	s18 =	rddreg [dreg:$0x10];
	[sflag:s3] =	ssyncadd.s32 $0xFFFFF000  }
0x4c: {  	[spmem:s18] =	stream.linear.scatter [tilespmem:s0], [sflag:$0x4], $0x1000, $0x38;
	[tilespmem:$0x1F000] =	vst v63  }
0x4d: {  	_ =	swait.ge [sflag:s3], $0x1000  }
0x4e: {  	[sflag:s3] =	ssyncset.done $0x0  }
0x4f: {  	s19 =	rddreg [dreg:$0x11];
	[sflag:s3] =	ssyncadd.s32 $0xFFFFF000  }
0x50: {  	[spmem:s19] =	stream.linear.scatter [tilespmem:s0], [sflag:$0x4], $0x1000, $0x38;
	[tilespmem:$0x1F000] =	vst v63  }
0x51: {  	_ =	swait.ge [sflag:s3], $0x1000  }
0x52: {  	[sflag:s3] =	ssyncset.done $0x0  }
0x53: {  	s20 =	rddreg [dreg:$0x12];
	[sflag:s3] =	ssyncadd.s32 $0xFFFFF000  }
0x54: {  	[spmem:s20] =	stream.linear.scatter [tilespmem:s0], [sflag:$0x4], $0x1000, $0x38;
	[tilespmem:$0x1F000] =	vst v63  }
0x55: {  	_ =	swait.ge [sflag:s3], $0x1000  }
0x56: {  	[sflag:s3] =	ssyncset.done $0x0  }
0x57: {  	s21 =	rddreg [dreg:$0x13];
	[sflag:s3] =	ssyncadd.s32 $0xFFFFF000  }
0x58: {  	[spmem:s21] =	stream.linear.scatter [tilespmem:s0], [sflag:$0x4], $0x1000, $0x38;
	[tilespmem:$0x1F000] =	vst v63  }
0x59: {  	_ =	swait.ge [sflag:s3], $0x1000  }
0x5a: {  	[sflag:s3] =	ssyncset.done $0x0  }
0x5b: {  	s22 =	rddreg [dreg:$0x14];
	[sflag:s3] =	ssyncadd.s32 $0xFFFFF000  }
0x5c: {  	[spmem:s22] =	stream.linear.scatter [tilespmem:s0], [sflag:$0x4], $0x1000, $0x38;
	[tilespmem:$0x1F000] =	vst v63  }
0x5d: {  	_ =	swait.ge [sflag:s3], $0x1000  }
0x5e: {  	[sflag:s3] =	ssyncset.done $0x0  }
0x5f: {  	s23 =	rddreg [dreg:$0x15];
	[sflag:s3] =	ssyncadd.s32 $0xFFFFF000  }
0x60: {  	[spmem:s23] =	stream.linear.scatter [tilespmem:s0], [sflag:$0x4], $0x1000, $0x38;
	[tilespmem:$0x1F000] =	vst v63  }
0x61: {  	_ =	swait.ge [sflag:s3], $0x1000  }
0x62: {  	[sflag:s3] =	ssyncset.done $0x0  }
0x63: {  	s24 =	rddreg [dreg:$0x16];
	[sflag:s3] =	ssyncadd.s32 $0xFFFFF000  }
0x64: {  	[spmem:s24] =	stream.linear.scatter [tilespmem:s0], [sflag:$0x4], $0x1000, $0x38;
	[tilespmem:$0x1F000] =	vst v63  }
0x65: {  	_ =	swait.ge [sflag:s3], $0x1000  }
0x66: {  	[sflag:s3] =	ssyncset.done $0x0  }
0x67: {  	s25 =	rddreg [dreg:$0x17];
	[sflag:s3] =	ssyncadd.s32 $0xFFFFF000  }
0x68: {  	[spmem:s25] =	stream.linear.scatter [tilespmem:s0], [sflag:$0x4], $0x1000, $0x38;
	[tilespmem:$0x1F000] =	vst v63  }
0x69: {  	_ =	swait.ge [sflag:s3], $0x1000  }
0x6a: {  	[sflag:s3] =	ssyncset.done $0x0  }
0x6b: {  	s26 =	rddreg [dreg:$0x18];
	[sflag:s3] =	ssyncadd.s32 $0xFFFFF000  }
0x6c: {  	[spmem:s26] =	stream.linear.scatter [tilespmem:s0], [sflag:$0x4], $0x1000, $0x38;
	[tilespmem:$0x1F000] =	vst v63  }
0x6d: {  	_ =	swait.ge [sflag:s3], $0x1000  }
0x6e: {  	[sflag:s3] =	ssyncset.done $0x0  }
0x6f: {  	s28 =	rddreg [dreg:$0x19];
	[sflag:s3] =	ssyncadd.s32 $0xFFFFF000  }
0x70: {  	[spmem:s28] =	stream.linear.scatter [tilespmem:s0], [sflag:$0x4], $0x1000, $0x38;
	[tilespmem:$0x1F000] =	vst v63  }
0x71: {  	_ =	swait.ge [sflag:s3], $0x1000  }
0x72: {  	[sflag:s3] =	ssyncset.done $0x0  }
0x73: {  	[sflag:s3] =	ssyncadd.s32 $0xFFFFF000  }
0x74: {  	[spmem:s30] =	stream.linear.scatter [tilespmem:s0], [sflag:$0x4], $0x1000, $0x38;
	[tilespmem:$0x1F000] =	vst v63  }
0x75: {  	_ =	swait.ge [sflag:s3], $0x1000  }
0x76: {  	[sflag:s3] =	ssyncset.done $0x0  }
0x77: {  	[sflag:s3] =	ssyncadd.s32 $0xFFFFF000  }
0x78: {  	[spmem:s31] =	stream.linear.scatter [tilespmem:s0], [sflag:$0x4], $0x1000, $0x38;
	[tilespmem:$0x1F000] =	vst v63  }
0x79: {  	_ =	swait.ge [sflag:s3], $0x1000  }
0x7a: {  	[sflag:s3] =	ssyncset.done $0x0  }
0x7b: {  	s29 =	simm.s32 $0x0;
	s14 =	rddreg [dreg:$0x5];
	[sflag:s3] =	ssyncadd.s32 $0xFFFFF000  }
0x7c: {  	[tilespmem:s29], [sflag:$0x4] =	stream.linear.gather [hbm4b:s14+s29], $0x800, $0x38;
	[tilespmem:$0x1F000] =	vst v63  }
0x7d: {  	_ =	swait.ge [sflag:s3], $0x800  }
0x7e: {  	[sflag:s3] =	ssyncset.done $0x0  }
0x7f: {  	s20 =	simm.s32 $0x1000;
	s21 =	rddreg [dreg:$0x6];
	[sflag:s3] =	ssyncadd.s32 $0xFFFFF800  }
0x80: {  	[tilespmem:s20], [sflag:$0x4] =	stream.linear.gather [hbm4b:s21+s29], $0x800, $0x38;
	[tilespmem:$0x1F000] =	vst v63  }
0x81: {  	_ =	swait.ge [sflag:s3], $0x800  }
0x82: {  	[sflag:s3] =	ssyncset.done $0x0  }
0x83: {  	s16 =	sand.u32 $0x27, s29;
	[sflag:s3] =	ssyncadd.s32 $0xFFFFF800  }
0x84: {  	s22 =	simm.s32 $0x80;
	s23 =	simm.s32 $0x0;
	[bflag:$0x0] =	sbarrier.arrive $0xFFFF  }
0x85: {  	[tilespmem:s4], [sflag:$0x1] =	stream.indirect.gather [hbm4b:s5+s22], $0x80, s29, s22, $0xb8;
	[tilespmem:$0x1F000] =	vst v63  }
0x86: {  	p0 =	sne.s32 s16, $0x0;
	s15 =	sand.u32 $0x1, s23;
	s14 =	rddreg [dreg:$0x4]  }
0x87: {  	s16 =	sshll.u32 @!p0 s15, $0xB;
	s14 =	sadd.s32 @!p0 $0x0, s14  }
0x88: {  	s17 =	sshll.u32 s15, $0xB;
	s18 =	sxor.u32 @!p0 $0x800, s16;
	s14 =	sshrl.u32 @!p0 s14, $0x3  }
0x89: {  	s17 =	sadd.s32 $0x80, s17;
	s20 =	simm.s32 @!p0 $0x0;
	s19 =	sadd.s32 @!p0 s6, s14  }
0x8a: {  	[tilespmem:s18], [sflag:$0x3] =	stream.linear.gather @!p0 [hbm4b:s19+s20], $0x800, $0x38;
	[tilespmem:$0x1F000] =	vst v63  }
0x8b: {  	s16 =	sxor.u32 @!p0 $0x1800, s16;
	s24 =	simm.s32 $0x0;
	s14 =	sadd.s32 @!p0 s1, s14  }
0x8c: {  	[tilespmem:s16], [sflag:$0x3] =	stream.linear.gather @!p0 [hbm4b:s14+s20], $0x800, $0x38;
	[tilespmem:$0x1F000] =	vst v63  }
0x8d: {  	s15 =	sshll.u32 s15, $0xD;
	s25 =	simm.s32 $0x0;
	s26 =	ssub.s32 s17, s24  }
0x8e: {  	[tilespmem:s9], [sflag:$0x2] =	stream.indirect.gather [hbm4b:s5+s8], $0x80, s26, s8, $0xb8;
	[tilespmem:$0x1F000] =	vst v63  }
0x8f: {  	s14 =	ssub.s32 s15, s25;
	_ =	swait.ge [sflag:s10], $0x4000  }
0x90: {  	s14 =	sshra.s32 s14, $0x2;
	[sflag:s10] =	ssyncset.done $0x0  }
0x91: {  	s14 =	sadd.s32 $0x1000, s14;
	[sflag:s10] =	ssyncadd.s32 $0xFFFFC000  }
0x92: {  	[spmem:s2] =	stream.indirect.scatter.add.f32 [tilespmem:s4], [sflag:$0x4], $0x80, s14, s8, $0xb8;
	[tilespmem:$0x1F000] =	vst v63  }
0x93: {  	s13 =	sand.u32 $0x7, s29;
	_ =	swait.ge [sflag:s3], $0x4000  }
0x94: {  	p0 =	sne.s32 s13, $0x7;
	[sflag:s3] =	ssyncset.done $0x0  }
0x95: {  	s13 =	simm.s32 @!p0 $0x3;
	[sflag:s3] =	ssyncadd.s32 $0xFFFFC000  }
0x96: {  	_ =	swait.ge @!p0 [sflag:s13], $0x800  }
0x97: {  	s28 =	simm.s32 $0x400;
	[sflag:s13] =	ssyncset.done @!p0 $0x0  }
0x98: {  	s29 =	sand.u32 $0x2000, s28;
	s14 =	sand.u32 $0xFFFFE000, s28;
	[sflag:s13] =	ssyncadd.s32 @!p0 $0xFFFFF800  }
0x99: {  	s14 =	ssub.s32 s29, s14;
	_ =	swait.ge @!p0 [sflag:s13], $0x800  }
0x9a: {  	s14 =	sshra.s32 s14, $0x2;
	[sflag:s13] =	ssyncset.done @!p0 $0x0  }
0x9b: {  	s14 =	sadd.s32 $0x100, s14;
	[sflag:s13] =	ssyncadd.s32 @!p0 $0xFFFFF800  }
0x9c: {  	[tilespmem:s4], [sflag:$0x1] =	stream.indirect.gather [hbm4b:s5+s8], $0x80, s14, s8, $0xb8;
	[tilespmem:$0x1F000] =	vst v63  }
0x9d: {  	s17 =	simm.s32 $0x180;
	s18 =	simm.s32 $0x6;
	_ =	swait.ge [sflag:s11], $0x4000  }
0x9e: {  	s19 =	simm.s32 $0x0;
	s15 =	simm.s32 $0x1;
	[sflag:s11] =	ssyncset.done $0x0  }
0x9f: {  	s16 =	sadd.s32 $0x1000, s26;
	s21 =	sand.u32 $0x27, s15;
	[sflag:s11] =	ssyncadd.s32 $0xFFFFC000  }
0xa0: {  	[spmem:s2] =	stream.indirect.scatter.add.f32 [tilespmem:s9], [sflag:$0x4], $0x80, s16, s8, $0xb8;
	[tilespmem:$0x1F000] =	vst v63  }
0xa1: {  	s13 =	simm.s32 $0x200;
	s14 =	simm.s32 $0x4;
	_ =	swait.ge [sflag:s3], $0x4000  }
0xa2: {  	s16 =	simm.s32 $0x1100;
	s20 =	rddreg [dreg:$0x4];
	[sflag:s3] =	ssyncset.done $0x0  }
.LBB2_4:
0xa3: {  	p0 =	sne.s32 s21, $0x0  }
0xa4: {  	s22 =	sand.u32 $0x1, s19;
	s24 =	sshll.u32 @!p0 s19, $0xB  }
0xa5: {  	[sflag:s3] =	ssyncadd.s32 $0xFFFFC000;
	s23 =	sshll.u32 s22, $0xB;
	s20 =	sadd.s32 @!p0 s24, s20  }
0xa6: {  	s25 =	sshll.u32 @!p0 s22, $0xB;
	s29 =	simm.s32 @!p0 $0x0;
	s20 =	sshrl.u32 @!p0 s20, $0x3  }
0xa7: {  	s24 =	sxor.u32 @!p0 $0x800, s25;
	s23 =	sadd.s32 s23, s17;
	s28 =	sadd.s32 @!p0 s6, s20  }
0xa8: {  	[tilespmem:s24], [sflag:$0x3] =	stream.linear.gather @!p0 [hbm4b:s28+s29], $0x800, $0x38;
	[tilespmem:$0x1F000] =	vst v63  }
0xa9: {  	s20 =	sadd.s32 @!p0 s1, s20;
	s28 =	sshll.u32 s19, $0xB;
	s24 =	sxor.u32 @!p0 $0x1800, s25  }
0xaa: {  	[tilespmem:s24], [sflag:$0x3] =	stream.linear.gather @!p0 [hbm4b:s20+s29], $0x800, $0x38;
	[tilespmem:$0x1F000] =	vst v63  }
0xab: {  	s26 =	sshll.u32 s19, $0xD;
	s22 =	sshll.u32 s22, $0xD;
	s19 =	ssub.s32 s23, s28  }
0xac: {  	[tilespmem:s9], [sflag:$0x2] =	stream.indirect.gather [hbm4b:s5+s8], $0x80, s19, s8, $0xb8;
	[tilespmem:$0x1F000] =	vst v63  }
0xad: {  	s22 =	ssub.s32 s22, s26;
	_ =	swait.ge [sflag:s10], $0x4000  }
0xae: {  	s25 =	sshra.s32 s22, $0x2;
	[sflag:s10] =	ssyncset.done $0x0  }
0xaf: {  	s20 =	sadd.s32 s25, s16;
	[sflag:s10] =	ssyncadd.s32 $0xFFFFC000  }
0xb0: {  	[spmem:s2] =	stream.indirect.scatter.add.f32 [tilespmem:s4], [sflag:$0x4], $0x80, s20, s8, $0xb8;
	[tilespmem:$0x1F000] =	vst v63  }
0xb1: {  	s26 =	sand.u32 $0x7, s15;
	_ =	swait.ge [sflag:s3], $0x4000  }
0xb2: {  	p1 =	sne.s32 s26, $0x7;
	[sflag:s3] =	ssyncset.done $0x0  }
0xb3: {  	s20 =	simm.s32 @!p1 $0x3;
	[sflag:s3] =	ssyncadd.s32 $0xFFFFC000  }
0xb4: {  	_ =	swait.ge @!p1 [sflag:s20], $0x800  }
0xb5: {  	s21 =	smov.u32 s18;
	s28 =	sshll.u32 s14, $0x9;
	[sflag:s20] =	ssyncset.done @!p1 $0x0  }
0xb6: {  	s29 =	sand.u32 $0x2000, s28;
	s22 =	sand.u32 $0xFFFFE000, s28;
	[sflag:s20] =	ssyncadd.s32 @!p1 $0xFFFFF800  }
0xb7: {  	s14 =	smov.u32 s21;
	s21 =	ssub.s32 s29, s22;
	_ =	swait.ge @!p1 [sflag:s20], $0x800  }
0xb8: {  	s21 =	sshra.s32 s21, $0x2;
	[sflag:s20] =	ssyncset.done @!p1 $0x0  }
0xb9: {  	s18 =	sadd.s32 $0x2, s18;
	s21 =	sadd.s32 s21, s13;
	[sflag:s20] =	ssyncadd.s32 @!p1 $0xFFFFF800  }
0xba: {  	[tilespmem:s4], [sflag:$0x1] =	stream.indirect.gather [hbm4b:s5+s8], $0x80, s21, s8, $0xb8;
	[tilespmem:$0x1F000] =	vst v63  }
0xbb: {  	s17 =	sadd.s32 $0x100, s17;
	p0 =	sne.s32 s18, $0x50;
	_ =	swait.ge [sflag:s11], $0x4000  }
.Ltmp1:
0xbc: {  	s15 =	sadd.s32 $0x1, s15;
	[sflag:s11] =	ssyncset.done $0x0;
	(pc) =	sbr.rel @p0 .LBB2_4-.Ltmp1, $4  }
0xbd: {  	s16 =	sadd.s32 $0x100, s16;
	s19 =	sadd.s32 $0x1000, s19;
	[sflag:s11] =	ssyncadd.s32 $0xFFFFC000  }
0xbe: {  	[spmem:s2] =	stream.indirect.scatter.add.f32 [tilespmem:s9], [sflag:$0x4], $0x80, s19, s8, $0xb8;
	[tilespmem:$0x1F000] =	vst v63  }
0xbf: {  	s13 =	sadd.s32 $0x100, s13;
	s21 =	sand.u32 $0x27, s15;
	_ =	swait.ge [sflag:s3], $0x4000  }
0xc0: {  	s19 =	sshrl.u32 s15, $0x3;
	s20 =	rddreg [dreg:$0x4];
	[sflag:s3] =	ssyncset.done $0x0  }
0xc1: {  	p0 =	sne.s32 s21, $0x0  }
0xc2: {  	s21 =	sand.u32 $0x1, s19;
	s18 =	sshll.u32 @!p0 s19, $0xB  }
0xc3: {  	[sflag:s3] =	ssyncadd.s32 $0xFFFFC000;
	s29 =	sshll.u32 s19, $0xB;
	s18 =	sadd.s32 @!p0 s18, s20  }
0xc4: {  	s24 =	simm.s32 @!p0 $0x0;
	s20 =	sshll.u32 @!p0 s21, $0xB;
	s18 =	sshrl.u32 @!p0 s18, $0x3  }
0xc5: {  	s28 =	sshll.u32 s21, $0xB;
	s22 =	sxor.u32 @!p0 $0x800, s20;
	s23 =	sadd.s32 @!p0 s6, s18  }
0xc6: {  	[tilespmem:s22], [sflag:$0x3] =	stream.linear.gather @!p0 [hbm4b:s23+s24], $0x800, $0x38;
	[tilespmem:$0x1F000] =	vst v63  }
0xc7: {  	s17 =	sadd.s32 s28, s17;
	s20 =	sxor.u32 @!p0 $0x1800, s20;
	s18 =	sadd.s32 @!p0 s1, s18  }
0xc8: {  	[tilespmem:s20], [sflag:$0x3] =	stream.linear.gather @!p0 [hbm4b:s18+s24], $0x800, $0x38;
	[tilespmem:$0x1F000] =	vst v63  }
0xc9: {  	s21 =	sshll.u32 s21, $0xD;
	s17 =	ssub.s32 s17, s29;
	s20 =	sshll.u32 s19, $0xD  }
0xca: {  	[tilespmem:s9], [sflag:$0x2] =	stream.indirect.gather [hbm4b:s5+s8], $0x80, s17, s8, $0xb8;
	[tilespmem:$0x1F000] =	vst v63  }
0xcb: {  	s18 =	ssub.s32 s21, s20;
	_ =	swait.ge [sflag:s10], $0x4000  }
0xcc: {  	s18 =	sshra.s32 s18, $0x2;
	[sflag:s10] =	ssyncset.done $0x0  }
0xcd: {  	s16 =	sadd.s32 s18, s16;
	[sflag:s10] =	ssyncadd.s32 $0xFFFFC000  }
0xce: {  	[spmem:s2] =	stream.indirect.scatter.add.f32 [tilespmem:s4], [sflag:$0x4], $0x80, s16, s8, $0xb8;
	[tilespmem:$0x1F000] =	vst v63  }
0xcf: {  	s15 =	sand.u32 $0x7, s15;
	_ =	swait.ge [sflag:s3], $0x4000  }
0xd0: {  	p0 =	sne.s32 s15, $0x7;
	[sflag:s3] =	ssyncset.done $0x0  }
0xd1: {  	s15 =	simm.s32 @!p0 $0x3;
	[sflag:s3] =	ssyncadd.s32 $0xFFFFC000  }
0xd2: {  	_ =	swait.ge @!p0 [sflag:s15], $0x800  }
0xd3: {  	s14 =	sshll.u32 s14, $0x9;
	[sflag:s15] =	ssyncset.done @!p0 $0x0  }
0xd4: {  	s22 =	sand.u32 $0x2000, s14;
	s14 =	sand.u32 $0xFFFFE000, s14;
	[sflag:s15] =	ssyncadd.s32 @!p0 $0xFFFFF800  }
0xd5: {  	s14 =	ssub.s32 s22, s14;
	_ =	swait.ge @!p0 [sflag:s15], $0x800  }
0xd6: {  	s14 =	sshra.s32 s14, $0x2;
	[sflag:s15] =	ssyncset.done @!p0 $0x0  }
0xd7: {  	s13 =	sadd.s32 s14, s13;
	[sflag:s15] =	ssyncadd.s32 @!p0 $0xFFFFF800  }
0xd8: {  	[tilespmem:s4], [sflag:$0x1] =	stream.indirect.gather [hbm4b:s5+s8], $0x80, s13, s8, $0xb8;
	[tilespmem:$0x1F000] =	vst v63  }
0xd9: {  	_ =	swait.ge [sflag:s11], $0x4000  }
0xda: {  	[sflag:s11] =	ssyncset.done $0x0  }
0xdb: {  	s23 =	sadd.s32 $0x1000, s17;
	[sflag:s11] =	ssyncadd.s32 $0xFFFFC000  }
0xdc: {  	[spmem:s2] =	stream.indirect.scatter.add.f32 [tilespmem:s9], [sflag:$0x4], $0x80, s23, s8, $0xb8;
	[tilespmem:$0x1F000] =	vst v63  }
0xdd: {  	_ =	swait.ge [sflag:s3], $0x4000  }
0xde: {  	[sflag:s3] =	ssyncset.done $0x0  }
0xdf: {  	[sflag:s3] =	ssyncadd.s32 $0xFFFFC000  }
0xe0: {  	_ =	swait.ge [sflag:s10], $0x4000  }
0xe1: {  	[sflag:s10] =	ssyncset.done $0x0  }
0xe2: {  	s24 =	simm.s32 $0x1700;
	[sflag:s10] =	ssyncadd.s32 $0xFFFFC000  }
0xe3: {  	[spmem:s2] =	stream.indirect.scatter.add.f32 [tilespmem:s4], [sflag:$0x4], $0x80, s24, s8, $0xb8;
	[tilespmem:$0x1F000] =	vst v63  }
0xe4: {  	_ =	swait.ge [sflag:s3], $0x4000  }
0xe5: {  	[sflag:s3] =	ssyncset.done $0x0  }
0xe6: {  	s25 =	stileid.u32;
	[sflag:s3] =	ssyncadd.s32 $0xFFFFC000  }
0xe7: {  	s13 =	sshll.u32 s25, $0x6;
	[bflag:$0x0] =	sbarrier.arrive $0xFFFF  }
0xe8: {  	s26 =	sshrl.u32 s7, $0x3;
	s13 =	sor.u32 $0x1C04, s13;
	s28 =	rddreg [dreg:$0x7]  }
0xe9: {  	[hbm:s28], [sflag:s13] =	dma.local [spmem:s26], $0x2800  }
0xea: {  	_ =	swait.ge [sflag:s3], $0x2800  }
0xeb: {  	s12 =	sadd.s32 $0x1, s12;
	s29 =	rddreg [dreg:$0x8]  }
0xec: {  	p0 =	sne.s32 s12, s29  }
.Ltmp2:
0xed: {  	_ = 	snop;
	(pc) =	sbr.rel @p0 .LBB2_1-.Ltmp2, $3  }
0xee: {  	_ =	sdelay $0x1  }
0xef: {  	[sflag:s3] =	ssyncset.done $0x0  }
0xf0: {  	[sflag:s3] =	ssyncadd.s32 $0xFFFFD800  }
0xf1: {  	_ =	sfence.sel $0x180000  }
0xf2: {  	[bflag:$0x0] =	sbarrier.arrive $0xFFFF  }
0xf3: {  	_ =	strace $0x9000004A  }
0xf4: {  	s0 =	stileid.u32;
	[bflag:$0x2] =	sbarrier.arrive $0xFFFF  }
0xf5: {  	p0 =	sne.s32 s0, $0x0;
	s0 =	rddreg [dreg:$0x3]  }
0xf6: {  	s0 =	sadd.s32 @!p0 $0x100000, s0  }
0xf7: {  	[sflag:s0] =	ssyncadd.tile.s32 @!p0 $0x1;
	_ =	shalt  }
.Lfunc_end2:
_tile_overlayer_lowered:
.L_overlay_start_2:
0xf8: {  	(tag) =	ssettag $0x2  }
0xf9: {  	s0 =	rddreg [dreg:$0x0];
	s2 =	stileid.u32  }
0xfa: {  	s1 =	rddreg [dreg:$0x1];
	p0 =	sne.s32 s2, $0x0  }
0xfb: {  	s3 =	rddreg [dreg:$0x2];
	[bflag:$0x3] =	sbarrier.arrive $0xFFFF;
	s2 =	simm.s32 @!p0 $0x1C04  }
0xfc: {  	[timem:s3], [sflag:s2] =	dma.local @!p0 [hbm:s0], s1  }
0xfd: {  	s0 =	simm.s32 @!p0 $0x4  }
0xfe: {  	_ =	swait.ge @!p0 [sflag:s0], s1  }
0xff: {  	s1 =	ssub.s32 @!p0 $0x0, s1;
	[sflag:s0] =	ssyncset.done @!p0 $0x0  }
0x100: {  	[sflag:s0] =	ssyncadd.s32 @!p0 s1  }
0x101: {  	[bflag:$0x3] =	sbarrier.arrive $0xFFFF  }
0x102: {  	_ =	shalt  }

// kernel: kernel.15.cloned.1.call-start
scs
__scs_entry_jumppad:
0x0: {  	(pc) =	sbr.rel $0x88, $3  }
0x1: {  	(tag) =	ssettag $0x0;
	lr =	simm.s32 $0x1  }
0x2: {  	[smem:$0x3F97] =	sst lr;
	_ =	strace $0xD0000000  }
0x3: {  	_ = 	snop  }
0x4: {  	_ = 	snop  }
0x5: {  	_ = 	snop  }
0x6: {  	_ = 	snop  }
0x7: {  	_ = 	snop  }
__scs_overlays_trampoline_lowered:
0x8: {  	[smem:$0x3FA6] =	sst s0  }
0x9: {  	[smem:$0x3FA7] =	sst s1  }
0xa: {  	[smem:$0x3FA8] =	sst s2  }
0xb: {  	[smem:$0x3FA9] =	sst s3  }
0xc: {  	[smem:$0x3FAA] =	sst s4  }
0xd: {  	[smem:$0x3FAB] =	sst s5  }
0xe: {  	[smem:$0x3FAC] =	sst s6  }
0xf: {  	[smem:$0x3FAD] =	sst s7  }
0x10: {  	[smem:$0x3FAE] =	sst s8  }
0x11: {  	[smem:$0x3FAF] =	sst s9;
	s0 =	simm.s32 @!p0 $0x0  }
0x12: {  	s1 =	sld [smem:$0x3F95];
	s0 =	simm.s32 @p0 $0x1  }
0x13: {  	[smem:$0x3FB0] =	sst s0;
	s0 =	simm.s32 @!p1 $0x0  }
0x14: {  	s2 =	sld [smem:$0x3F94];
	s0 =	simm.s32 @p1 $0x1  }
0x15: {  	[smem:$0x3FB1] =	sst s0;
	s0 =	simm.s32 @!p2 $0x0  }
0x16: {  	s3 =	sld [smem:$0x3FDB];
	s0 =	simm.s32 @p2 $0x1  }
0x17: {  	s4 =	simm.s32 $0x1BF5;
	[smem:$0x3FB3] =	sst s0  }
0x18: {  	s0 =	sld [smem:$0x3F96];
	_ =	swait.ge [sflag:s4], $0x0  }
0x19: {  	s7 =	sld [smem:$0x3F97]  }
0x1a: {  	s8 =	sadd.s32 $0xFFFFE003, lr  }
0x1b: {  	s9 =	sadd.s32 $0xFFFFFEF7, lr;
	s5 =	simm.s32 $0xFFFFFFFF;
	p2 =	slt.u32 s8, $0xFFFFF086  }
0x1c: {  	p1 =	slt.u32 s9, $0xF7A;
	s5 =	simm.s32 @!p2 $0x0  }
0x1d: {  	s5 =	simm.s32 @p1 $0x1;
	p0 =	seq.s32 s7, s2  }
0x1e: {  	s7 =	smul.u32 @!p0 $0xF7A, s2;
	p2 =	seq.s32 @!p0 s5, $0x0  }
0x1f: {  	s9 =	smul.u32 $0xF7A, s1;
	s8 =	simm.s32 @!p0 $0x1BF5;
	p2 =	por !p2, p0  }
0x20: {  	[sflag:s8] =	ssyncset.s32 @!p0 $0xFFFFF086;
	s6 =	sadd.s32 @!p0 s3, s7;
	s7 =	simm.s32 @!p0 $0x108  }
0x21: {  	s3 =	sadd.s32 s3, s9;
	s6 =	sadd.s32 @!p0 $0x88, s6;
	s7 =	simm.s32 @p2 $0x1082  }
0x22: {  	[simem:s7], [sflag:s8] =	dma.local @!p0 [hbm:s6], $0xF7A  }
0x23: {  	s9 =	sor.u32 $0xD0000000, s2;
	s6 =	simm.s32 $0x108;
	_ =	swait.ge @!p0 [sflag:s8], $0x0  }
0x24: {  	s3 =	sadd.s32 $0x88, s3;
	s6 =	simm.s32 @!p1 $0x1082;
	[sflag:s4] =	ssyncset.s32 $0xFFFFF086  }
0x25: {  	[simem:s6], [sflag:s4] =	dma.local [hbm:s3], $0xF7A  }
0x26: {  	[smem:$0x3F97] =	sst s1;
	(tag) =	ssettag s2;
	_ =	strace s9  }
0x27: {  	s1 =	sld [smem:$0x3FA7]  }
0x28: {  	s2 =	sld [smem:$0x3FA8]  }
0x29: {  	s4 =	sld [smem:$0x3FAA]  }
0x2a: {  	p0 =	seq.s32 s5, $0x0;
	s5 =	sld [smem:$0x3FAB]  }
0x2b: {  	s6 =	sld [smem:$0x3FAC]  }
0x2c: {  	s7 =	sld [smem:$0x3FAD]  }
0x2d: {  	s3 =	simm.s32 $0x108;
	s8 =	sld [smem:$0x3FAE]  }
0x2e: {  	s3 =	simm.s32 @!p0 $0x1082;
	s9 =	sld [smem:$0x3FAF]  }
0x2f: {  	lr =	sadd.s32 s0, s3;
	s0 =	sld [smem:$0x3FA6]  }
0x30: {  	s3 =	sld [smem:$0x3FA9]  }
0x31: {  	[smem:$0x3FB2] =	sst s10  }
0x32: {  	s10 =	sld [smem:$0x3FB0];
	_ =	sdelay $0x3  }
0x33: {  	p0 =	seq.s32 s10, $0x1;
	s10 =	sld [smem:$0x3FB2];
	_ =	sdelay $0x3  }
0x34: {  	[smem:$0x3FB2] =	sst s10  }
0x35: {  	s10 =	sld [smem:$0x3FB1];
	_ =	sdelay $0x3  }
0x36: {  	p1 =	seq.s32 s10, $0x1;
	s10 =	sld [smem:$0x3FB2];
	_ =	sdelay $0x3  }
0x37: {  	[smem:$0x3FB2] =	sst s10  }
0x38: {  	s10 =	sld [smem:$0x3FB3]  }
0x39: {  	_ = 	snop;
	(pc) =	sbr.ind lr, $3  }
0x3a: {  	_ = 	snop  }
0x3b: {  	_ = 	snop  }
0x3c: {  	p2 =	seq.s32 s10, $0x1;
	s10 =	sld [smem:$0x3FB2]  }
0x3d: {  	_ =	shalt  }
0x3e: {  	_ =	shalt  }
0x3f: {  	_ =	shalt  }
0x40: {  	_ =	shalt  }
0x41: {  	_ =	shalt  }
0x42: {  	_ =	shalt  }
0x43: {  	_ =	shalt  }
0x44: {  	_ =	shalt  }
0x45: {  	_ =	shalt  }
0x46: {  	_ =	shalt  }
0x47: {  	_ =	shalt  }
0x48: {  	_ =	shalt  }
0x49: {  	_ =	shalt  }
0x4a: {  	_ =	shalt  }
0x4b: {  	_ =	shalt  }
0x4c: {  	_ =	shalt  }
0x4d: {  	_ =	shalt  }
0x4e: {  	_ =	shalt  }
0x4f: {  	_ =	shalt  }
0x50: {  	_ =	shalt  }
0x51: {  	_ =	shalt  }
0x52: {  	_ =	shalt  }
0x53: {  	_ =	shalt  }
0x54: {  	_ =	shalt  }
0x55: {  	_ =	shalt  }
0x56: {  	_ =	shalt  }
0x57: {  	_ =	shalt  }
0x58: {  	_ =	shalt  }
0x59: {  	_ =	shalt  }
0x5a: {  	_ =	shalt  }
0x5b: {  	_ =	shalt  }
0x5c: {  	_ =	shalt  }
0x5d: {  	_ =	shalt  }
0x5e: {  	_ =	shalt  }
0x5f: {  	_ =	shalt  }
0x60: {  	_ =	shalt  }
0x61: {  	_ =	shalt  }
0x62: {  	_ =	shalt  }
0x63: {  	_ =	shalt  }
0x64: {  	_ =	shalt  }
0x65: {  	_ =	shalt  }
0x66: {  	_ =	shalt  }
0x67: {  	_ =	shalt  }
0x68: {  	_ =	shalt  }
0x69: {  	_ =	shalt  }
0x6a: {  	_ =	shalt  }
0x6b: {  	_ =	shalt  }
0x6c: {  	_ =	shalt  }
0x6d: {  	_ =	shalt  }
0x6e: {  	_ =	shalt  }
0x6f: {  	_ =	shalt  }
0x70: {  	_ =	shalt  }
0x71: {  	_ =	shalt  }
0x72: {  	_ =	shalt  }
0x73: {  	_ =	shalt  }
0x74: {  	_ =	shalt  }
0x75: {  	_ =	shalt  }
0x76: {  	_ =	shalt  }
0x77: {  	_ =	shalt  }
0x78: {  	_ =	shalt  }
0x79: {  	_ =	shalt  }
0x7a: {  	_ =	shalt  }
0x7b: {  	_ =	shalt  }
0x7c: {  	_ =	shalt  }
0x7d: {  	_ =	shalt  }
0x7e: {  	_ =	shalt  }
0x7f: {  	_ =	shalt  }
0x80: {  	_ =	shalt  }
0x81: {  	_ =	shalt  }
0x82: {  	_ =	shalt  }
0x83: {  	_ =	shalt  }
0x84: {  	_ =	shalt  }
0x85: {  	_ =	shalt  }
0x86: {  	_ =	shalt  }
0x87: {  	_ =	shalt  }
.Lfunc_end0:
.L_simem_size_0:
called_computation.2_lowered:
.L_overlay_start_0:
0x88: {  	s2 =	sld [smem:$0x3FD9]  }
0x89: {  	s3 =	sld [smem:$0x3FFE];
	_ =	sdelay $0x1  }
0x8a: {  	s1 =	srdreg.scid  }
0x8b: {  	s0 =	sand.u32 $0x1, s1  }
0x8c: {  	s17 =	sshll.u32 s0, $0xA;
	s2 =	sadd.s32 s3, s2  }
0x8d: {  	s2 =	sadd.s32 s2, s17  }
0x8e: {  	[smem:$0x3FBE] =	sst s2  }
0x8f: {  	_ = 	snop  }
0x90: {  	s2 =	sld [smem:$0x3FD0];
	(tm) =	ssettm $0x1  }
0x91: {  	s18 =	sld [smem:$0x3FFB];
	_ =	sdelay $0x3  }
0x92: {  	_ =	strace s18  }
0x93: {  	s3 =	sld [smem:$0x3FFC];
	_ =	sdelay $0x3  }
0x94: {  	_ =	strace s3  }
0x95: {  	s3 =	sld [smem:$0x3FFD];
	_ =	sdelay $0x3  }
0x96: {  	_ =	strace s3  }
0x97: {  	_ =	strace $0x8FFFFFFF  }
0x98: {  	s19 =	sld [smem:$0x3FDB];
	_ =	sdelay $0x1  }
0x99: {  	s4 =	simm.s32 $_scs_section_size  }
0x9a: {  	s5 =	simm.s32 $_size__tile_overlayer_lowered;
	s6 =	simm.s32 $_tile_overlayer_lowered  }
0x9b: {  	s22 =	simm.s32 $0x1BFF;
	s21 =	sshll.u32 s6, $0x1;
	s3 =	sadd.s32 s4, s19  }
0x9c: {  	s7 =	simm.s32 $0x0;
	s20 =	sshll.u32 s5, $0x1;
	s5 =	sadd.s32 s21, s3  }
0x9d: {  	[timem:s7], [sflag:s22] =	dma.local [hbm:s5], s20  }
0x9e: {  	_ =	swait.ge [sflag:s22], s20  }
0x9f: {  	s4 =	ssub.s32 $0x0, s20;
	[sflag:s22] =	ssyncset.done $0x0  }
0xa0: {  	[sflag:s22] =	ssyncadd.s32 s4;
	_ =	sdelay $0x1  }
0xa1: {  	s23 =	simm.s32 $0x1B8B  }
0xa2: {  	_ =	swait.ge [sflag:s23], $0x1  }
0xa3: {  	[sflag:s23] =	ssyncset.done $0x0  }
0xa4: {  	s25 =	simm.s32 $0x1B8E;
	s24 =	sld [smem:$0x3FFE];
	[sflag:s23] =	ssyncadd.s32 $0xFFFFFFFF  }
0xa5: {  	s26 =	simm.s32 $execute0_lowered;
	[smem:$0x3FD2] =	sst s25  }
0xa6: {  	s5 =	sshll.u32 s26, $0x1;
	_ =	strace $0x8000004C;
	[dreg:$0x1] =	wrdreg $0xFFFFFFFF  }
0xa7: {  	s28 =	simm.s32 $_size_execute0_lowered;
	s3 =	sadd.s32 s3, s5;
	[dreg:$0x0] =	wrdreg $0x0  }
0xa8: {  	s5 =	sshll.u32 s28, $0x1;
	[dreg:$0x2] =	wrdreg s3  }
0xa9: {  	[dreg:$0x3] =	wrdreg s5  }
0xaa: {  	[dreg:$0x4] =	wrdreg $0xC0  }
0xab: {  	_ =	task [dreg:s7], $0x5FFFF  }
0xac: {  	[dreg:$0x1] =	wrdreg $0xFFFFFFFF  }
0xad: {  	[dreg:$0x0] =	wrdreg $0x60  }
0xae: {  	[dreg:$0x2] =	wrdreg s24  }
0xaf: {  	[dreg:$0x3] =	wrdreg s2  }
0xb0: {  	[dreg:$0x4] =	wrdreg $0xB0000  }
0xb1: {  	[dreg:$0x5] =	wrdreg $0x9  }
0xb2: {  	_ =	task.clear_ibuf [dreg:s7], $0x6FFFF;
	_ =	strace $0x9000004C  }
0xb3: {  	s29 =	simm.s32 $0x9;
	_ =	strace $0x8000004E  }
0xb4: {  	_ =	swait.ge [sflag:s29], $0x1  }
0xb5: {  	[sflag:s29] =	ssyncadd.s32 $0xFFFFFFFF  }
0xb6: {  	_ =	strace $0x9000004E  }
0xb7: {  	_ =	sfence  }
0xb8: {  	s30 =	sld [smem:$0x0];
	_ =	sdelay $0x2  }
0xb9: {  	s31 =	sshll.u32 s1, $0xD;
	s1 =	sshrl.u32 s1, $0x2  }
0xba: {  	s3 =	sand.u32 $0x4000, s31;
	s1 =	sadd.s32 s1, s30  }
0xbb: {  	s0 =	sor.u32 s3, s0;
	s1 =	sshll.u32 s1, $0x11  }
0xbc: {  	s0 =	sor.u32 s1, s0  }
0xbd: {  	s0 =	sadd.s32 $0x8F2B, s0  }
0xbe: {  	[sflag:s0] =	ssyncadd.remote.s32 $0x1  }
0xbf: {  	_ =	sfence.sel $0xFFFF  }
0xc0: {  	[dreg:$0x0] =	wrdreg $0xFFFFFFFF;
	(pc) =	sbr.abs _section_cstart, $3  }
0xc1: {  	[dreg:$0x1] =	wrdreg $0xFFFFFFFF  }
0xc2: {  	_ =	task.clear_ibuf [dreg:s7], $0x2FFFF;
	_ =	strace $0x9FFFFFFF  }
0xc3: {  	(tm) =	ssettm $0x7FFFFFFF  }
tec
execute0_lowered:
.L_overlay_start_1:
0x0: {  	(tag) =	ssettag $0x1  }
0x1: {  	s0 =	rddreg [dreg:$0x0]  }
0x2: {  	s1 =	rddreg [dreg:$0x1]  }
0x3: {  	s2 =	rddreg [dreg:$0x2]  }
0x4: {  	s3 =	srdreg.scid;
	s5 =	simm.s32 $0x0;
	s9 =	stileid.u32  }
0x5: {  	s3 =	sand.u32 $0x1, s3;
	s7 =	smul.u32 $0x14000, s9;
	s24 =	sshll.u32 s9, $0x1  }
0x6: {  	s4 =	smul.u32 $0x140000, s3;
	s8 =	ssub.s32 $0x2, s3;
	s3 =	sor.u32 s3, s24  }
0x7: {  	[smem:$0x7FF] =	sst s5;
	s6 =	sadd.s32 $0x53400, s0;
	s3 =	smul.u32 $0x2800, s3  }
0x8: {  	s25 =	smul.u32 $0x50000, s9;
	_ =	strace $0x8000004D;
	s26 =	sshrl.u32 s8, $0x1  }
0x9: {  	s28 =	ssub.s32 s8, s26;
	s29 =	sshrl.u32 s3, $0x3;
	s3 =	sadd.s32 $0x800, s3  }
0xa: {  	s4 =	sadd.s32 s7, s4;
	s11 =	smax.u32 s28, $0x1;
	[dreg:$0x4] =	wrdreg s3  }
0xb: {  	s7 =	sshrl.u32 s25, $0x2;
	s10 =	sadd.s32 s6, s29;
	[dreg:$0x8] =	wrdreg s11  }
0xc: {  	s7 =	sadd.s32 s7, s2;
	s8 =	sadd.s32 s1, s29;
	[dreg:$0x5] =	wrdreg s10  }
0xd: {  	s12 =	sadd.s32 $0x1000, s7;
	[dreg:$0x6] =	wrdreg s8  }
0xe: {  	s13 =	sadd.s32 $0x2000, s7;
	[dreg:$0x9] =	wrdreg s12  }
0xf: {  	s14 =	sadd.s32 $0x3000, s7;
	[dreg:$0xa] =	wrdreg s13  }
0x10: {  	s15 =	sadd.s32 $0x4000, s7;
	[dreg:$0xb] =	wrdreg s14  }
0x11: {  	s16 =	sadd.s32 $0x5000, s7;
	[dreg:$0xc] =	wrdreg s15  }
0x12: {  	s17 =	sadd.s32 $0x6000, s7;
	[dreg:$0xd] =	wrdreg s16  }
0x13: {  	s18 =	sadd.s32 $0x7000, s7;
	[dreg:$0xe] =	wrdreg s17  }
0x14: {  	s5 =	sadd.s32 $0x2C00, s0;
	s19 =	sadd.s32 $0x8000, s7;
	[dreg:$0xf] =	wrdreg s18  }
0x15: {  	s9 =	simm.s32 $0x6000;
	s20 =	sadd.s32 $0x9000, s7;
	[dreg:$0x10] =	wrdreg s19  }
0x16: {  	s4 =	sshrl.u32 s4, $0x3;
	s21 =	sadd.s32 $0xA000, s7;
	[dreg:$0x11] =	wrdreg s20  }
0x17: {  	s0 =	sadd.s32 s4, s0;
	s22 =	sadd.s32 $0xB000, s7;
	[dreg:$0x12] =	wrdreg s21  }
0x18: {  	s23 =	sadd.s32 $0xC000, s7;
	s24 =	sadd.s32 $0xD000, s7;
	[dreg:$0x13] =	wrdreg s22  }
0x19: {  	s25 =	sadd.s32 $0xE000, s7;
	s26 =	sadd.s32 $0xF000, s7;
	[dreg:$0x14] =	wrdreg s23  }
0x1a: {  	s28 =	sadd.s32 $0x10000, s7;
	s29 =	sadd.s32 $0x11000, s7;
	[dreg:$0x15] =	wrdreg s24  }
0x1b: {  	s30 =	sadd.s32 $0x12000, s7;
	s31 =	sadd.s32 $0x13000, s7;
	[dreg:$0x16] =	wrdreg s25  }
0x1c: {  	s3 =	simm.s32 $0x4;
	s4 =	simm.s32 $0x2000;
	[dreg:$0x17] =	wrdreg s26  }
0x1d: {  	s11 =	simm.s32 $0x2;
	s0 =	sadd.s32 $0x5D400, s0;
	[dreg:$0x18] =	wrdreg s28  }
0x1e: {  	[dreg:$0x19] =	wrdreg s29;
	s8 =	simm.s32 $0x80;
	s10 =	simm.s32 $0x1  }
0x1f: {  	v0 =	vimm.f32 $0.0e+00;
	s12 =	simm.s32 $0x0;
	[dreg:$0x7] =	wrdreg s0;
	s0 =	simm.s32 $0xA000  }
.LBB2_1:
0x20: {  	s14 =	simm.s32 $0x0  }
0x21: {  	s13 =	sand.u32 $0x3E00, s14  }
0x22: {  	s14 =	sand.u32 $0x70, s14;
	s15 =	sshrl.u32 s13, $0x2  }
0x23: {  	s13 =	simm.s32 $0x40;
	s15 =	sor.u32 s14, s15;
	s14 =	simm.s32 $0x0  }
.LBB2_2:
0x24: {  	p0 =	sne.s32 s13, $0x3FC0  }
0x25: {  	[tilespmem:s15+$0xA000] =	vst v0;
	s14 =	sadd.s32 $0x10, s14;
	s15 =	smov.u32 s13;
	s13 =	sadd.s32 $0x40, s13  }
.Ltmp0:
0x26: {  	(pc) =	sbr.rel @p0 .LBB2_2-.Ltmp0, $4  }
0x27: {  	_ = 	snop  }
0x28: {  	s15 =	sand.u32 $0x3E00, s15  }
0x29: {  	s16 =	sand.u32 $0x70, s14;
	s15 =	sshrl.u32 s15, $0x2  }
0x2a: {  	s15 =	sor.u32 s16, s15  }
0x2b: {  	[tilespmem:s15+$0xA000] =	vst v0  }
0x2c: {  	[spmem:s7] =	stream.linear.scatter [tilespmem:s0], [sflag:$0x4], $0x1000, $0x38;
	[tilespmem:$0x1F000] =	vst v63  }
0x2d: {  	_ =	swait.ge [sflag:s3], $0x1000  }
0x2e: {  	[sflag:s3] =	ssyncset.done $0x0  }
0x2f: {  	s13 =	rddreg [dreg:$0x9];
	[sflag:s3] =	ssyncadd.s32 $0xFFFFF000  }
0x30: {  	[spmem:s13] =	stream.linear.scatter [tilespmem:s0], [sflag:$0x4], $0x1000, $0x38;
	[tilespmem:$0x1F000] =	vst v63  }
0x31: {  	_ =	swait.ge [sflag:s3], $0x1000  }
0x32: {  	[sflag:s3] =	ssyncset.done $0x0  }
0x33: {  	s28 =	rddreg [dreg:$0xa];
	[sflag:s3] =	ssyncadd.s32 $0xFFFFF000  }
0x34: {  	[spmem:s28] =	stream.linear.scatter [tilespmem:s0], [sflag:$0x4], $0x1000, $0x38;
	[tilespmem:$0x1F000] =	vst v63  }
0x35: {  	_ =	swait.ge [sflag:s3], $0x1000  }
0x36: {  	[sflag:s3] =	ssyncset.done $0x0  }
0x37: {  	s29 =	rddreg [dreg:$0xb];
	[sflag:s3] =	ssyncadd.s32 $0xFFFFF000  }
0x38: {  	[spmem:s29] =	stream.linear.scatter [tilespmem:s0], [sflag:$0x4], $0x1000, $0x38;
	[tilespmem:$0x1F000] =	vst v63  }
0x39: {  	_ =	swait.ge [sflag:s3], $0x1000  }
0x3a: {  	[sflag:s3] =	ssyncset.done $0x0  }
0x3b: {  	s14 =	rddreg [dreg:$0xc];
	[sflag:s3] =	ssyncadd.s32 $0xFFFFF000  }
0x3c: {  	[spmem:s14] =	stream.linear.scatter [tilespmem:s0], [sflag:$0x4], $0x1000, $0x38;
	[tilespmem:$0x1F000] =	vst v63  }
0x3d: {  	_ =	swait.ge [sflag:s3], $0x1000  }
0x3e: {  	[sflag:s3] =	ssyncset.done $0x0  }
0x3f: {  	s15 =	rddreg [dreg:$0xd];
	[sflag:s3] =	ssyncadd.s32 $0xFFFFF000  }
0x40: {  	[spmem:s15] =	stream.linear.scatter [tilespmem:s0], [sflag:$0x4], $0x1000, $0x38;
	[tilespmem:$0x1F000] =	vst v63  }
0x41: {  	_ =	swait.ge [sflag:s3], $0x1000  }
0x42: {  	[sflag:s3] =	ssyncset.done $0x0  }
0x43: {  	s16 =	rddreg [dreg:$0xe];
	[sflag:s3] =	ssyncadd.s32 $0xFFFFF000  }
0x44: {  	[spmem:s16] =	stream.linear.scatter [tilespmem:s0], [sflag:$0x4], $0x1000, $0x38;
	[tilespmem:$0x1F000] =	vst v63  }
0x45: {  	_ =	swait.ge [sflag:s3], $0x1000  }
0x46: {  	[sflag:s3] =	ssyncset.done $0x0  }
0x47: {  	s17 =	rddreg [dreg:$0xf];
	[sflag:s3] =	ssyncadd.s32 $0xFFFFF000  }
0x48: {  	[spmem:s17] =	stream.linear.scatter [tilespmem:s0], [sflag:$0x4], $0x1000, $0x38;
	[tilespmem:$0x1F000] =	vst v63  }
0x49: {  	_ =	swait.ge [sflag:s3], $0x1000  }
0x4a: {  	[sflag:s3] =	ssyncset.done $0x0  }
0x4b: {  	s18 =	rddreg [dreg:$0x10];
	[sflag:s3] =	ssyncadd.s32 $0xFFFFF000  }
0x4c: {  	[spmem:s18] =	stream.linear.scatter [tilespmem:s0], [sflag:$0x4], $0x1000, $0x38;
	[tilespmem:$0x1F000] =	vst v63  }
0x4d: {  	_ =	swait.ge [sflag:s3], $0x1000  }
0x4e: {  	[sflag:s3] =	ssyncset.done $0x0  }
0x4f: {  	s19 =	rddreg [dreg:$0x11];
	[sflag:s3] =	ssyncadd.s32 $0xFFFFF000  }
0x50: {  	[spmem:s19] =	stream.linear.scatter [tilespmem:s0], [sflag:$0x4], $0x1000, $0x38;
	[tilespmem:$0x1F000] =	vst v63  }
0x51: {  	_ =	swait.ge [sflag:s3], $0x1000  }
0x52: {  	[sflag:s3] =	ssyncset.done $0x0  }
0x53: {  	s20 =	rddreg [dreg:$0x12];
	[sflag:s3] =	ssyncadd.s32 $0xFFFFF000  }
0x54: {  	[spmem:s20] =	stream.linear.scatter [tilespmem:s0], [sflag:$0x4], $0x1000, $0x38;
	[tilespmem:$0x1F000] =	vst v63  }
0x55: {  	_ =	swait.ge [sflag:s3], $0x1000  }
0x56: {  	[sflag:s3] =	ssyncset.done $0x0  }
0x57: {  	s21 =	rddreg [dreg:$0x13];
	[sflag:s3] =	ssyncadd.s32 $0xFFFFF000  }
0x58: {  	[spmem:s21] =	stream.linear.scatter [tilespmem:s0], [sflag:$0x4], $0x1000, $0x38;
	[tilespmem:$0x1F000] =	vst v63  }
0x59: {  	_ =	swait.ge [sflag:s3], $0x1000  }
0x5a: {  	[sflag:s3] =	ssyncset.done $0x0  }
0x5b: {  	s22 =	rddreg [dreg:$0x14];
	[sflag:s3] =	ssyncadd.s32 $0xFFFFF000  }
0x5c: {  	[spmem:s22] =	stream.linear.scatter [tilespmem:s0], [sflag:$0x4], $0x1000, $0x38;
	[tilespmem:$0x1F000] =	vst v63  }
0x5d: {  	_ =	swait.ge [sflag:s3], $0x1000  }
0x5e: {  	[sflag:s3] =	ssyncset.done $0x0  }
0x5f: {  	s23 =	rddreg [dreg:$0x15];
	[sflag:s3] =	ssyncadd.s32 $0xFFFFF000  }
0x60: {  	[spmem:s23] =	stream.linear.scatter [tilespmem:s0], [sflag:$0x4], $0x1000, $0x38;
	[tilespmem:$0x1F000] =	vst v63  }
0x61: {  	_ =	swait.ge [sflag:s3], $0x1000  }
0x62: {  	[sflag:s3] =	ssyncset.done $0x0  }
0x63: {  	s24 =	rddreg [dreg:$0x16];
	[sflag:s3] =	ssyncadd.s32 $0xFFFFF000  }
0x64: {  	[spmem:s24] =	stream.linear.scatter [tilespmem:s0], [sflag:$0x4], $0x1000, $0x38;
	[tilespmem:$0x1F000] =	vst v63  }
0x65: {  	_ =	swait.ge [sflag:s3], $0x1000  }
0x66: {  	[sflag:s3] =	ssyncset.done $0x0  }
0x67: {  	s25 =	rddreg [dreg:$0x17];
	[sflag:s3] =	ssyncadd.s32 $0xFFFFF000  }
0x68: {  	[spmem:s25] =	stream.linear.scatter [tilespmem:s0], [sflag:$0x4], $0x1000, $0x38;
	[tilespmem:$0x1F000] =	vst v63  }
0x69: {  	_ =	swait.ge [sflag:s3], $0x1000  }
0x6a: {  	[sflag:s3] =	ssyncset.done $0x0  }
0x6b: {  	s26 =	rddreg [dreg:$0x18];
	[sflag:s3] =	ssyncadd.s32 $0xFFFFF000  }
0x6c: {  	[spmem:s26] =	stream.linear.scatter [tilespmem:s0], [sflag:$0x4], $0x1000, $0x38;
	[tilespmem:$0x1F000] =	vst v63  }
0x6d: {  	_ =	swait.ge [sflag:s3], $0x1000  }
0x6e: {  	[sflag:s3] =	ssyncset.done $0x0  }
0x6f: {  	s28 =	rddreg [dreg:$0x19];
	[sflag:s3] =	ssyncadd.s32 $0xFFFFF000  }
0x70: {  	[spmem:s28] =	stream.linear.scatter [tilespmem:s0], [sflag:$0x4], $0x1000, $0x38;
	[tilespmem:$0x1F000] =	vst v63  }
0x71: {  	_ =	swait.ge [sflag:s3], $0x1000  }
0x72: {  	[sflag:s3] =	ssyncset.done $0x0  }
0x73: {  	[sflag:s3] =	ssyncadd.s32 $0xFFFFF000  }
0x74: {  	[spmem:s30] =	stream.linear.scatter [tilespmem:s0], [sflag:$0x4], $0x1000, $0x38;
	[tilespmem:$0x1F000] =	vst v63  }
0x75: {  	_ =	swait.ge [sflag:s3], $0x1000  }
0x76: {  	[sflag:s3] =	ssyncset.done $0x0  }
0x77: {  	[sflag:s3] =	ssyncadd.s32 $0xFFFFF000  }
0x78: {  	[spmem:s31] =	stream.linear.scatter [tilespmem:s0], [sflag:$0x4], $0x1000, $0x38;
	[tilespmem:$0x1F000] =	vst v63  }
0x79: {  	_ =	swait.ge [sflag:s3], $0x1000  }
0x7a: {  	[sflag:s3] =	ssyncset.done $0x0  }
0x7b: {  	s29 =	simm.s32 $0x0;
	s14 =	rddreg [dreg:$0x5];
	[sflag:s3] =	ssyncadd.s32 $0xFFFFF000  }
0x7c: {  	[tilespmem:s29], [sflag:$0x4] =	stream.linear.gather [hbm4b:s14+s29], $0x800, $0x38;
	[tilespmem:$0x1F000] =	vst v63  }
0x7d: {  	_ =	swait.ge [sflag:s3], $0x800  }
0x7e: {  	[sflag:s3] =	ssyncset.done $0x0  }
0x7f: {  	s20 =	simm.s32 $0x1000;
	s21 =	rddreg [dreg:$0x6];
	[sflag:s3] =	ssyncadd.s32 $0xFFFFF800  }
0x80: {  	[tilespmem:s20], [sflag:$0x4] =	stream.linear.gather [hbm4b:s21+s29], $0x800, $0x38;
	[tilespmem:$0x1F000] =	vst v63  }
0x81: {  	_ =	swait.ge [sflag:s3], $0x800  }
0x82: {  	[sflag:s3] =	ssyncset.done $0x0  }
0x83: {  	s16 =	sand.u32 $0x27, s29;
	[sflag:s3] =	ssyncadd.s32 $0xFFFFF800  }
0x84: {  	s22 =	simm.s32 $0x80;
	s23 =	simm.s32 $0x0;
	[bflag:$0x0] =	sbarrier.arrive $0xFFFF  }
0x85: {  	[tilespmem:s4], [sflag:$0x1] =	stream.indirect.gather [hbm4b:s5+s22], $0x80, s29, s22, $0xb8;
	[tilespmem:$0x1F000] =	vst v63  }
0x86: {  	p0 =	sne.s32 s16, $0x0;
	s15 =	sand.u32 $0x1, s23;
	s14 =	rddreg [dreg:$0x4]  }
0x87: {  	s16 =	sshll.u32 @!p0 s15, $0xB;
	s14 =	sadd.s32 @!p0 $0x0, s14  }
0x88: {  	s17 =	sshll.u32 s15, $0xB;
	s18 =	sxor.u32 @!p0 $0x800, s16;
	s14 =	sshrl.u32 @!p0 s14, $0x3  }
0x89: {  	s17 =	sadd.s32 $0x80, s17;
	s20 =	simm.s32 @!p0 $0x0;
	s19 =	sadd.s32 @!p0 s6, s14  }
0x8a: {  	[tilespmem:s18], [sflag:$0x3] =	stream.linear.gather @!p0 [hbm4b:s19+s20], $0x800, $0x38;
	[tilespmem:$0x1F000] =	vst v63  }
0x8b: {  	s16 =	sxor.u32 @!p0 $0x1800, s16;
	s24 =	simm.s32 $0x0;
	s14 =	sadd.s32 @!p0 s1, s14  }
0x8c: {  	[tilespmem:s16], [sflag:$0x3] =	stream.linear.gather @!p0 [hbm4b:s14+s20], $0x800, $0x38;
	[tilespmem:$0x1F000] =	vst v63  }
0x8d: {  	s15 =	sshll.u32 s15, $0xD;
	s25 =	simm.s32 $0x0;
	s26 =	ssub.s32 s17, s24  }
0x8e: {  	[tilespmem:s9], [sflag:$0x2] =	stream.indirect.gather [hbm4b:s5+s8], $0x80, s26, s8, $0xb8;
	[tilespmem:$0x1F000] =	vst v63  }
0x8f: {  	s14 =	ssub.s32 s15, s25;
	_ =	swait.ge [sflag:s10], $0x4000  }
0x90: {  	s14 =	sshra.s32 s14, $0x2;
	[sflag:s10] =	ssyncset.done $0x0  }
0x91: {  	s14 =	sadd.s32 $0x1000, s14;
	[sflag:s10] =	ssyncadd.s32 $0xFFFFC000  }
0x92: {  	[spmem:s2] =	stream.indirect.scatter.add.f32 [tilespmem:s4], [sflag:$0x4], $0x80, s14, s8, $0xb8;
	[tilespmem:$0x1F000] =	vst v63  }
0x93: {  	s13 =	sand.u32 $0x7, s29;
	_ =	swait.ge [sflag:s3], $0x4000  }
0x94: {  	p0 =	sne.s32 s13, $0x7;
	[sflag:s3] =	ssyncset.done $0x0  }
0x95: {  	s13 =	simm.s32 @!p0 $0x3;
	[sflag:s3] =	ssyncadd.s32 $0xFFFFC000  }
0x96: {  	_ =	swait.ge @!p0 [sflag:s13], $0x800  }
0x97: {  	s28 =	simm.s32 $0x400;
	[sflag:s13] =	ssyncset.done @!p0 $0x0  }
0x98: {  	s29 =	sand.u32 $0x2000, s28;
	s14 =	sand.u32 $0xFFFFE000, s28;
	[sflag:s13] =	ssyncadd.s32 @!p0 $0xFFFFF800  }
0x99: {  	s14 =	ssub.s32 s29, s14;
	_ =	swait.ge @!p0 [sflag:s13], $0x800  }
0x9a: {  	s14 =	sshra.s32 s14, $0x2;
	[sflag:s13] =	ssyncset.done @!p0 $0x0  }
0x9b: {  	s14 =	sadd.s32 $0x100, s14;
	[sflag:s13] =	ssyncadd.s32 @!p0 $0xFFFFF800  }
0x9c: {  	[tilespmem:s4], [sflag:$0x1] =	stream.indirect.gather [hbm4b:s5+s8], $0x80, s14, s8, $0xb8;
	[tilespmem:$0x1F000] =	vst v63  }
0x9d: {  	s17 =	simm.s32 $0x180;
	s18 =	simm.s32 $0x6;
	_ =	swait.ge [sflag:s11], $0x4000  }
0x9e: {  	s19 =	simm.s32 $0x0;
	s15 =	simm.s32 $0x1;
	[sflag:s11] =	ssyncset.done $0x0  }
0x9f: {  	s16 =	sadd.s32 $0x1000, s26;
	s21 =	sand.u32 $0x27, s15;
	[sflag:s11] =	ssyncadd.s32 $0xFFFFC000  }
0xa0: {  	[spmem:s2] =	stream.indirect.scatter.add.f32 [tilespmem:s9], [sflag:$0x4], $0x80, s16, s8, $0xb8;
	[tilespmem:$0x1F000] =	vst v63  }
0xa1: {  	s13 =	simm.s32 $0x200;
	s14 =	simm.s32 $0x4;
	_ =	swait.ge [sflag:s3], $0x4000  }
0xa2: {  	s16 =	simm.s32 $0x1100;
	s20 =	rddreg [dreg:$0x4];
	[sflag:s3] =	ssyncset.done $0x0  }
.LBB2_4:
0xa3: {  	p0 =	sne.s32 s21, $0x0  }
0xa4: {  	s22 =	sand.u32 $0x1, s19;
	s24 =	sshll.u32 @!p0 s19, $0xB  }
0xa5: {  	[sflag:s3] =	ssyncadd.s32 $0xFFFFC000;
	s23 =	sshll.u32 s22, $0xB;
	s20 =	sadd.s32 @!p0 s24, s20  }
0xa6: {  	s25 =	sshll.u32 @!p0 s22, $0xB;
	s29 =	simm.s32 @!p0 $0x0;
	s20 =	sshrl.u32 @!p0 s20, $0x3  }
0xa7: {  	s24 =	sxor.u32 @!p0 $0x800, s25;
	s23 =	sadd.s32 s23, s17;
	s28 =	sadd.s32 @!p0 s6, s20  }
0xa8: {  	[tilespmem:s24], [sflag:$0x3] =	stream.linear.gather @!p0 [hbm4b:s28+s29], $0x800, $0x38;
	[tilespmem:$0x1F000] =	vst v63  }
0xa9: {  	s20 =	sadd.s32 @!p0 s1, s20;
	s28 =	sshll.u32 s19, $0xB;
	s24 =	sxor.u32 @!p0 $0x1800, s25  }
0xaa: {  	[tilespmem:s24], [sflag:$0x3] =	stream.linear.gather @!p0 [hbm4b:s20+s29], $0x800, $0x38;
	[tilespmem:$0x1F000] =	vst v63  }
0xab: {  	s26 =	sshll.u32 s19, $0xD;
	s22 =	sshll.u32 s22, $0xD;
	s19 =	ssub.s32 s23, s28  }
0xac: {  	[tilespmem:s9], [sflag:$0x2] =	stream.indirect.gather [hbm4b:s5+s8], $0x80, s19, s8, $0xb8;
	[tilespmem:$0x1F000] =	vst v63  }
0xad: {  	s22 =	ssub.s32 s22, s26;
	_ =	swait.ge [sflag:s10], $0x4000  }
0xae: {  	s25 =	sshra.s32 s22, $0x2;
	[sflag:s10] =	ssyncset.done $0x0  }
0xaf: {  	s20 =	sadd.s32 s25, s16;
	[sflag:s10] =	ssyncadd.s32 $0xFFFFC000  }
0xb0: {  	[spmem:s2] =	stream.indirect.scatter.add.f32 [tilespmem:s4], [sflag:$0x4], $0x80, s20, s8, $0xb8;
	[tilespmem:$0x1F000] =	vst v63  }
0xb1: {  	s26 =	sand.u32 $0x7, s15;
	_ =	swait.ge [sflag:s3], $0x4000  }
0xb2: {  	p1 =	sne.s32 s26, $0x7;
	[sflag:s3] =	ssyncset.done $0x0  }
0xb3: {  	s20 =	simm.s32 @!p1 $0x3;
	[sflag:s3] =	ssyncadd.s32 $0xFFFFC000  }
0xb4: {  	_ =	swait.ge @!p1 [sflag:s20], $0x800  }
0xb5: {  	s21 =	smov.u32 s18;
	s28 =	sshll.u32 s14, $0x9;
	[sflag:s20] =	ssyncset.done @!p1 $0x0  }
0xb6: {  	s29 =	sand.u32 $0x2000, s28;
	s22 =	sand.u32 $0xFFFFE000, s28;
	[sflag:s20] =	ssyncadd.s32 @!p1 $0xFFFFF800  }
0xb7: {  	s14 =	smov.u32 s21;
	s21 =	ssub.s32 s29, s22;
	_ =	swait.ge @!p1 [sflag:s20], $0x800  }
0xb8: {  	s21 =	sshra.s32 s21, $0x2;
	[sflag:s20] =	ssyncset.done @!p1 $0x0  }
0xb9: {  	s18 =	sadd.s32 $0x2, s18;
	s21 =	sadd.s32 s21, s13;
	[sflag:s20] =	ssyncadd.s32 @!p1 $0xFFFFF800  }
0xba: {  	[tilespmem:s4], [sflag:$0x1] =	stream.indirect.gather [hbm4b:s5+s8], $0x80, s21, s8, $0xb8;
	[tilespmem:$0x1F000] =	vst v63  }
0xbb: {  	s17 =	sadd.s32 $0x100, s17;
	p0 =	sne.s32 s18, $0x50;
	_ =	swait.ge [sflag:s11], $0x4000  }
.Ltmp1:
0xbc: {  	s15 =	sadd.s32 $0x1, s15;
	[sflag:s11] =	ssyncset.done $0x0;
	(pc) =	sbr.rel @p0 .LBB2_4-.Ltmp1, $4  }
0xbd: {  	s16 =	sadd.s32 $0x100, s16;
	s19 =	sadd.s32 $0x1000, s19;
	[sflag:s11] =	ssyncadd.s32 $0xFFFFC000  }
0xbe: {  	[spmem:s2] =	stream.indirect.scatter.add.f32 [tilespmem:s9], [sflag:$0x4], $0x80, s19, s8, $0xb8;
	[tilespmem:$0x1F000] =	vst v63  }
0xbf: {  	s13 =	sadd.s32 $0x100, s13;
	s21 =	sand.u32 $0x27, s15;
	_ =	swait.ge [sflag:s3], $0x4000  }
0xc0: {  	s19 =	sshrl.u32 s15, $0x3;
	s20 =	rddreg [dreg:$0x4];
	[sflag:s3] =	ssyncset.done $0x0  }
0xc1: {  	p0 =	sne.s32 s21, $0x0  }
0xc2: {  	s21 =	sand.u32 $0x1, s19;
	s18 =	sshll.u32 @!p0 s19, $0xB  }
0xc3: {  	[sflag:s3] =	ssyncadd.s32 $0xFFFFC000;
	s29 =	sshll.u32 s19, $0xB;
	s18 =	sadd.s32 @!p0 s18, s20  }
0xc4: {  	s24 =	simm.s32 @!p0 $0x0;
	s20 =	sshll.u32 @!p0 s21, $0xB;
	s18 =	sshrl.u32 @!p0 s18, $0x3  }
0xc5: {  	s28 =	sshll.u32 s21, $0xB;
	s22 =	sxor.u32 @!p0 $0x800, s20;
	s23 =	sadd.s32 @!p0 s6, s18  }
0xc6: {  	[tilespmem:s22], [sflag:$0x3] =	stream.linear.gather @!p0 [hbm4b:s23+s24], $0x800, $0x38;
	[tilespmem:$0x1F000] =	vst v63  }
0xc7: {  	s17 =	sadd.s32 s28, s17;
	s20 =	sxor.u32 @!p0 $0x1800, s20;
	s18 =	sadd.s32 @!p0 s1, s18  }
0xc8: {  	[tilespmem:s20], [sflag:$0x3] =	stream.linear.gather @!p0 [hbm4b:s18+s24], $0x800, $0x38;
	[tilespmem:$0x1F000] =	vst v63  }
0xc9: {  	s21 =	sshll.u32 s21, $0xD;
	s17 =	ssub.s32 s17, s29;
	s20 =	sshll.u32 s19, $0xD  }
0xca: {  	[tilespmem:s9], [sflag:$0x2] =	stream.indirect.gather [hbm4b:s5+s8], $0x80, s17, s8, $0xb8;
	[tilespmem:$0x1F000] =	vst v63  }
0xcb: {  	s18 =	ssub.s32 s21, s20;
	_ =	swait.ge [sflag:s10], $0x4000  }
0xcc: {  	s18 =	sshra.s32 s18, $0x2;
	[sflag:s10] =	ssyncset.done $0x0  }
0xcd: {  	s16 =	sadd.s32 s18, s16;
	[sflag:s10] =	ssyncadd.s32 $0xFFFFC000  }
0xce: {  	[spmem:s2] =	stream.indirect.scatter.add.f32 [tilespmem:s4], [sflag:$0x4], $0x80, s16, s8, $0xb8;
	[tilespmem:$0x1F000] =	vst v63  }
0xcf: {  	s15 =	sand.u32 $0x7, s15;
	_ =	swait.ge [sflag:s3], $0x4000  }
0xd0: {  	p0 =	sne.s32 s15, $0x7;
	[sflag:s3] =	ssyncset.done $0x0  }
0xd1: {  	s15 =	simm.s32 @!p0 $0x3;
	[sflag:s3] =	ssyncadd.s32 $0xFFFFC000  }
0xd2: {  	_ =	swait.ge @!p0 [sflag:s15], $0x800  }
0xd3: {  	s14 =	sshll.u32 s14, $0x9;
	[sflag:s15] =	ssyncset.done @!p0 $0x0  }
0xd4: {  	s22 =	sand.u32 $0x2000, s14;
	s14 =	sand.u32 $0xFFFFE000, s14;
	[sflag:s15] =	ssyncadd.s32 @!p0 $0xFFFFF800  }
0xd5: {  	s14 =	ssub.s32 s22, s14;
	_ =	swait.ge @!p0 [sflag:s15], $0x800  }
0xd6: {  	s14 =	sshra.s32 s14, $0x2;
	[sflag:s15] =	ssyncset.done @!p0 $0x0  }
0xd7: {  	s13 =	sadd.s32 s14, s13;
	[sflag:s15] =	ssyncadd.s32 @!p0 $0xFFFFF800  }
0xd8: {  	[tilespmem:s4], [sflag:$0x1] =	stream.indirect.gather [hbm4b:s5+s8], $0x80, s13, s8, $0xb8;
	[tilespmem:$0x1F000] =	vst v63  }
0xd9: {  	_ =	swait.ge [sflag:s11], $0x4000  }
0xda: {  	[sflag:s11] =	ssyncset.done $0x0  }
0xdb: {  	s23 =	sadd.s32 $0x1000, s17;
	[sflag:s11] =	ssyncadd.s32 $0xFFFFC000  }
0xdc: {  	[spmem:s2] =	stream.indirect.scatter.add.f32 [tilespmem:s9], [sflag:$0x4], $0x80, s23, s8, $0xb8;
	[tilespmem:$0x1F000] =	vst v63  }
0xdd: {  	_ =	swait.ge [sflag:s3], $0x4000  }
0xde: {  	[sflag:s3] =	ssyncset.done $0x0  }
0xdf: {  	[sflag:s3] =	ssyncadd.s32 $0xFFFFC000  }
0xe0: {  	_ =	swait.ge [sflag:s10], $0x4000  }
0xe1: {  	[sflag:s10] =	ssyncset.done $0x0  }
0xe2: {  	s24 =	simm.s32 $0x1700;
	[sflag:s10] =	ssyncadd.s32 $0xFFFFC000  }
0xe3: {  	[spmem:s2] =	stream.indirect.scatter.add.f32 [tilespmem:s4], [sflag:$0x4], $0x80, s24, s8, $0xb8;
	[tilespmem:$0x1F000] =	vst v63  }
0xe4: {  	_ =	swait.ge [sflag:s3], $0x4000  }
0xe5: {  	[sflag:s3] =	ssyncset.done $0x0  }
0xe6: {  	s25 =	stileid.u32;
	[sflag:s3] =	ssyncadd.s32 $0xFFFFC000  }
0xe7: {  	s13 =	sshll.u32 s25, $0x6;
	[bflag:$0x0] =	sbarrier.arrive $0xFFFF  }
0xe8: {  	s26 =	sshrl.u32 s7, $0x3;
	s13 =	sor.u32 $0x1C04, s13;
	s28 =	rddreg [dreg:$0x7]  }
0xe9: {  	[hbm:s28], [sflag:s13] =	dma.local [spmem:s26], $0x2800  }
0xea: {  	_ =	swait.ge [sflag:s3], $0x2800  }
0xeb: {  	s12 =	sadd.s32 $0x1, s12;
	s29 =	rddreg [dreg:$0x8]  }
0xec: {  	p0 =	sne.s32 s12, s29  }
.Ltmp2:
0xed: {  	_ = 	snop;
	(pc) =	sbr.rel @p0 .LBB2_1-.Ltmp2, $3  }
0xee: {  	_ =	sdelay $0x1  }
0xef: {  	[sflag:s3] =	ssyncset.done $0x0  }
0xf0: {  	[sflag:s3] =	ssyncadd.s32 $0xFFFFD800  }
0xf1: {  	_ =	sfence.sel $0x180000  }
0xf2: {  	[bflag:$0x0] =	sbarrier.arrive $0xFFFF  }
0xf3: {  	_ =	strace $0x9000004D  }
0xf4: {  	s0 =	stileid.u32;
	[bflag:$0x2] =	sbarrier.arrive $0xFFFF  }
0xf5: {  	p0 =	sne.s32 s0, $0x0;
	s0 =	rddreg [dreg:$0x3]  }
0xf6: {  	s0 =	sadd.s32 @!p0 $0x100000, s0  }
0xf7: {  	[sflag:s0] =	ssyncadd.tile.s32 @!p0 $0x1;
	_ =	shalt  }
.Lfunc_end2:
_tile_overlayer_lowered:
.L_overlay_start_2:
0xf8: {  	(tag) =	ssettag $0x2  }
0xf9: {  	s0 =	rddreg [dreg:$0x0];
	s2 =	stileid.u32  }
0xfa: {  	s1 =	rddreg [dreg:$0x1];
	p0 =	sne.s32 s2, $0x0  }
0xfb: {  	s3 =	rddreg [dreg:$0x2];
	[bflag:$0x3] =	sbarrier.arrive $0xFFFF;
	s2 =	simm.s32 @!p0 $0x1C04  }
0xfc: {  	[timem:s3], [sflag:s2] =	dma.local @!p0 [hbm:s0], s1  }
0xfd: {  	s0 =	simm.s32 @!p0 $0x4  }
0xfe: {  	_ =	swait.ge @!p0 [sflag:s0], s1  }
0xff: {  	s1 =	ssub.s32 @!p0 $0x0, s1;
	[sflag:s0] =	ssyncset.done @!p0 $0x0  }
0x100: {  	[sflag:s0] =	ssyncadd.s32 @!p0 s1  }
0x101: {  	[bflag:$0x3] =	sbarrier.arrive $0xFFFF  }
0x102: {  	_ =	shalt  }

// kernel: kernel.9.cloned.1.call-start
scs
__scs_entry_jumppad:
0x0: {  	(pc) =	sbr.rel $0x88, $3  }
0x1: {  	(tag) =	ssettag $0x0;
	lr =	simm.s32 $0x1  }
0x2: {  	[smem:$0x3F97] =	sst lr;
	_ =	strace $0xD0000000  }
0x3: {  	_ = 	snop  }
0x4: {  	_ = 	snop  }
0x5: {  	_ = 	snop  }
0x6: {  	_ = 	snop  }
0x7: {  	_ = 	snop  }
__scs_overlays_trampoline_lowered:
0x8: {  	[smem:$0x3FA6] =	sst s0  }
0x9: {  	[smem:$0x3FA7] =	sst s1  }
0xa: {  	[smem:$0x3FA8] =	sst s2  }
0xb: {  	[smem:$0x3FA9] =	sst s3  }
0xc: {  	[smem:$0x3FAA] =	sst s4  }
0xd: {  	[smem:$0x3FAB] =	sst s5  }
0xe: {  	[smem:$0x3FAC] =	sst s6  }
0xf: {  	[smem:$0x3FAD] =	sst s7  }
0x10: {  	[smem:$0x3FAE] =	sst s8  }
0x11: {  	[smem:$0x3FAF] =	sst s9;
	s0 =	simm.s32 @!p0 $0x0  }
0x12: {  	s1 =	sld [smem:$0x3F95];
	s0 =	simm.s32 @p0 $0x1  }
0x13: {  	[smem:$0x3FB0] =	sst s0;
	s0 =	simm.s32 @!p1 $0x0  }
0x14: {  	s2 =	sld [smem:$0x3F94];
	s0 =	simm.s32 @p1 $0x1  }
0x15: {  	[smem:$0x3FB1] =	sst s0;
	s0 =	simm.s32 @!p2 $0x0  }
0x16: {  	s3 =	sld [smem:$0x3FDB];
	s0 =	simm.s32 @p2 $0x1  }
0x17: {  	s4 =	simm.s32 $0x1BF5;
	[smem:$0x3FB3] =	sst s0  }
0x18: {  	s0 =	sld [smem:$0x3F96];
	_ =	swait.ge [sflag:s4], $0x0  }
0x19: {  	s7 =	sld [smem:$0x3F97]  }
0x1a: {  	s8 =	sadd.s32 $0xFFFFE003, lr  }
0x1b: {  	s9 =	sadd.s32 $0xFFFFFEF7, lr;
	s5 =	simm.s32 $0xFFFFFFFF;
	p2 =	slt.u32 s8, $0xFFFFF086  }
0x1c: {  	p1 =	slt.u32 s9, $0xF7A;
	s5 =	simm.s32 @!p2 $0x0  }
0x1d: {  	s5 =	simm.s32 @p1 $0x1;
	p0 =	seq.s32 s7, s2  }
0x1e: {  	s7 =	smul.u32 @!p0 $0xF7A, s2;
	p2 =	seq.s32 @!p0 s5, $0x0  }
0x1f: {  	s9 =	smul.u32 $0xF7A, s1;
	s8 =	simm.s32 @!p0 $0x1BF5;
	p2 =	por !p2, p0  }
0x20: {  	[sflag:s8] =	ssyncset.s32 @!p0 $0xFFFFF086;
	s6 =	sadd.s32 @!p0 s3, s7;
	s7 =	simm.s32 @!p0 $0x108  }
0x21: {  	s3 =	sadd.s32 s3, s9;
	s6 =	sadd.s32 @!p0 $0x88, s6;
	s7 =	simm.s32 @p2 $0x1082  }
0x22: {  	[simem:s7], [sflag:s8] =	dma.local @!p0 [hbm:s6], $0xF7A  }
0x23: {  	s9 =	sor.u32 $0xD0000000, s2;
	s6 =	simm.s32 $0x108;
	_ =	swait.ge @!p0 [sflag:s8], $0x0  }
0x24: {  	s3 =	sadd.s32 $0x88, s3;
	s6 =	simm.s32 @!p1 $0x1082;
	[sflag:s4] =	ssyncset.s32 $0xFFFFF086  }
0x25: {  	[simem:s6], [sflag:s4] =	dma.local [hbm:s3], $0xF7A  }
0x26: {  	[smem:$0x3F97] =	sst s1;
	(tag) =	ssettag s2;
	_ =	strace s9  }
0x27: {  	s1 =	sld [smem:$0x3FA7]  }
0x28: {  	s2 =	sld [smem:$0x3FA8]  }
0x29: {  	s4 =	sld [smem:$0x3FAA]  }
0x2a: {  	p0 =	seq.s32 s5, $0x0;
	s5 =	sld [smem:$0x3FAB]  }
0x2b: {  	s6 =	sld [smem:$0x3FAC]  }
0x2c: {  	s7 =	sld [smem:$0x3FAD]  }
0x2d: {  	s3 =	simm.s32 $0x108;
	s8 =	sld [smem:$0x3FAE]  }
0x2e: {  	s3 =	simm.s32 @!p0 $0x1082;
	s9 =	sld [smem:$0x3FAF]  }
0x2f: {  	lr =	sadd.s32 s0, s3;
	s0 =	sld [smem:$0x3FA6]  }
0x30: {  	s3 =	sld [smem:$0x3FA9]  }
0x31: {  	[smem:$0x3FB2] =	sst s10  }
0x32: {  	s10 =	sld [smem:$0x3FB0];
	_ =	sdelay $0x3  }
0x33: {  	p0 =	seq.s32 s10, $0x1;
	s10 =	sld [smem:$0x3FB2];
	_ =	sdelay $0x3  }
0x34: {  	[smem:$0x3FB2] =	sst s10  }
0x35: {  	s10 =	sld [smem:$0x3FB1];
	_ =	sdelay $0x3  }
0x36: {  	p1 =	seq.s32 s10, $0x1;
	s10 =	sld [smem:$0x3FB2];
	_ =	sdelay $0x3  }
0x37: {  	[smem:$0x3FB2] =	sst s10  }
0x38: {  	s10 =	sld [smem:$0x3FB3]  }
0x39: {  	_ = 	snop;
	(pc) =	sbr.ind lr, $3  }
0x3a: {  	_ = 	snop  }
0x3b: {  	_ = 	snop  }
0x3c: {  	p2 =	seq.s32 s10, $0x1;
	s10 =	sld [smem:$0x3FB2]  }
0x3d: {  	_ =	shalt  }
0x3e: {  	_ =	shalt  }
0x3f: {  	_ =	shalt  }
0x40: {  	_ =	shalt  }
0x41: {  	_ =	shalt  }
0x42: {  	_ =	shalt  }
0x43: {  	_ =	shalt  }
0x44: {  	_ =	shalt  }
0x45: {  	_ =	shalt  }
0x46: {  	_ =	shalt  }
0x47: {  	_ =	shalt  }
0x48: {  	_ =	shalt  }
0x49: {  	_ =	shalt  }
0x4a: {  	_ =	shalt  }
0x4b: {  	_ =	shalt  }
0x4c: {  	_ =	shalt  }
0x4d: {  	_ =	shalt  }
0x4e: {  	_ =	shalt  }
0x4f: {  	_ =	shalt  }
0x50: {  	_ =	shalt  }
0x51: {  	_ =	shalt  }
0x52: {  	_ =	shalt  }
0x53: {  	_ =	shalt  }
0x54: {  	_ =	shalt  }
0x55: {  	_ =	shalt  }
0x56: {  	_ =	shalt  }
0x57: {  	_ =	shalt  }
0x58: {  	_ =	shalt  }
0x59: {  	_ =	shalt  }
0x5a: {  	_ =	shalt  }
0x5b: {  	_ =	shalt  }
0x5c: {  	_ =	shalt  }
0x5d: {  	_ =	shalt  }
0x5e: {  	_ =	shalt  }
0x5f: {  	_ =	shalt  }
0x60: {  	_ =	shalt  }
0x61: {  	_ =	shalt  }
0x62: {  	_ =	shalt  }
0x63: {  	_ =	shalt  }
0x64: {  	_ =	shalt  }
0x65: {  	_ =	shalt  }
0x66: {  	_ =	shalt  }
0x67: {  	_ =	shalt  }
0x68: {  	_ =	shalt  }
0x69: {  	_ =	shalt  }
0x6a: {  	_ =	shalt  }
0x6b: {  	_ =	shalt  }
0x6c: {  	_ =	shalt  }
0x6d: {  	_ =	shalt  }
0x6e: {  	_ =	shalt  }
0x6f: {  	_ =	shalt  }
0x70: {  	_ =	shalt  }
0x71: {  	_ =	shalt  }
0x72: {  	_ =	shalt  }
0x73: {  	_ =	shalt  }
0x74: {  	_ =	shalt  }
0x75: {  	_ =	shalt  }
0x76: {  	_ =	shalt  }
0x77: {  	_ =	shalt  }
0x78: {  	_ =	shalt  }
0x79: {  	_ =	shalt  }
0x7a: {  	_ =	shalt  }
0x7b: {  	_ =	shalt  }
0x7c: {  	_ =	shalt  }
0x7d: {  	_ =	shalt  }
0x7e: {  	_ =	shalt  }
0x7f: {  	_ =	shalt  }
0x80: {  	_ =	shalt  }
0x81: {  	_ =	shalt  }
0x82: {  	_ =	shalt  }
0x83: {  	_ =	shalt  }
0x84: {  	_ =	shalt  }
0x85: {  	_ =	shalt  }
0x86: {  	_ =	shalt  }
0x87: {  	_ =	shalt  }
.Lfunc_end0:
.L_simem_size_0:
called_computation_lowered:
.L_overlay_start_0:
0x88: {  	s2 =	sld [smem:$0x3FD9]  }
0x89: {  	s3 =	sld [smem:$0x3FFE];
	_ =	sdelay $0x1  }
0x8a: {  	s1 =	srdreg.scid  }
0x8b: {  	s0 =	sand.u32 $0x1, s1  }
0x8c: {  	s17 =	sshll.u32 s0, $0xA;
	s2 =	sadd.s32 s3, s2  }
0x8d: {  	s2 =	sadd.s32 s2, s17  }
0x8e: {  	[smem:$0x3FBE] =	sst s2  }
0x8f: {  	_ = 	snop  }
0x90: {  	s2 =	sld [smem:$0x3FD0];
	(tm) =	ssettm $0x1  }
0x91: {  	s18 =	sld [smem:$0x3FFB];
	_ =	sdelay $0x3  }
0x92: {  	_ =	strace s18  }
0x93: {  	s3 =	sld [smem:$0x3FFC];
	_ =	sdelay $0x3  }
0x94: {  	_ =	strace s3  }
0x95: {  	s3 =	sld [smem:$0x3FFD];
	_ =	sdelay $0x3  }
0x96: {  	_ =	strace s3  }
0x97: {  	_ =	strace $0x8FFFFFFF  }
0x98: {  	s19 =	sld [smem:$0x3FDB];
	_ =	sdelay $0x1  }
0x99: {  	s4 =	simm.s32 $_scs_section_size  }
0x9a: {  	s5 =	simm.s32 $_size__tile_overlayer_lowered;
	s6 =	simm.s32 $_tile_overlayer_lowered  }
0x9b: {  	s22 =	simm.s32 $0x1BFF;
	s21 =	sshll.u32 s6, $0x1;
	s3 =	sadd.s32 s4, s19  }
0x9c: {  	s7 =	simm.s32 $0x0;
	s20 =	sshll.u32 s5, $0x1;
	s5 =	sadd.s32 s21, s3  }
0x9d: {  	[timem:s7], [sflag:s22] =	dma.local [hbm:s5], s20  }
0x9e: {  	_ =	swait.ge [sflag:s22], s20  }
0x9f: {  	s4 =	ssub.s32 $0x0, s20;
	[sflag:s22] =	ssyncset.done $0x0  }
0xa0: {  	[sflag:s22] =	ssyncadd.s32 s4;
	_ =	sdelay $0x1  }
0xa1: {  	s23 =	simm.s32 $0x1B8B  }
0xa2: {  	_ =	swait.ge [sflag:s23], $0x1  }
0xa3: {  	[sflag:s23] =	ssyncset.done $0x0  }
0xa4: {  	s25 =	simm.s32 $0x1B8E;
	s24 =	sld [smem:$0x3FFE];
	[sflag:s23] =	ssyncadd.s32 $0xFFFFFFFF  }
0xa5: {  	s26 =	simm.s32 $execute0_lowered;
	[smem:$0x3FD2] =	sst s25  }
0xa6: {  	s5 =	sshll.u32 s26, $0x1;
	_ =	strace $0x80000046;
	[dreg:$0x1] =	wrdreg $0xFFFFFFFF  }
0xa7: {  	s28 =	simm.s32 $_size_execute0_lowered;
	s3 =	sadd.s32 s3, s5;
	[dreg:$0x0] =	wrdreg $0x0  }
0xa8: {  	s5 =	sshll.u32 s28, $0x1;
	[dreg:$0x2] =	wrdreg s3  }
0xa9: {  	[dreg:$0x3] =	wrdreg s5  }
0xaa: {  	[dreg:$0x4] =	wrdreg $0xC0  }
0xab: {  	_ =	task [dreg:s7], $0x5FFFF  }
0xac: {  	[dreg:$0x1] =	wrdreg $0xFFFFFFFF  }
0xad: {  	[dreg:$0x0] =	wrdreg $0x60  }
0xae: {  	[dreg:$0x2] =	wrdreg s2  }
0xaf: {  	[dreg:$0x3] =	wrdreg s24  }
0xb0: {  	[dreg:$0x4] =	wrdreg $0x88000  }
0xb1: {  	[dreg:$0x5] =	wrdreg $0x9  }
0xb2: {  	_ =	task.clear_ibuf [dreg:s7], $0x6FFFF;
	_ =	strace $0x90000046  }
0xb3: {  	s29 =	simm.s32 $0x9;
	_ =	strace $0x80000048  }
0xb4: {  	_ =	swait.ge [sflag:s29], $0x1  }
0xb5: {  	[sflag:s29] =	ssyncadd.s32 $0xFFFFFFFF  }
0xb6: {  	_ =	strace $0x90000048  }
0xb7: {  	_ =	sfence  }
0xb8: {  	s30 =	sld [smem:$0x0];
	_ =	sdelay $0x2  }
0xb9: {  	s31 =	sshll.u32 s1, $0xD;
	s1 =	sshrl.u32 s1, $0x2  }
0xba: {  	s3 =	sand.u32 $0x4000, s31;
	s1 =	sadd.s32 s1, s30  }
0xbb: {  	s0 =	sor.u32 s3, s0;
	s1 =	sshll.u32 s1, $0x11  }
0xbc: {  	s0 =	sor.u32 s1, s0  }
0xbd: {  	s0 =	sadd.s32 $0x8F2B, s0  }
0xbe: {  	[sflag:s0] =	ssyncadd.remote.s32 $0x1  }
0xbf: {  	_ =	sfence.sel $0xFFFF  }
0xc0: {  	[dreg:$0x0] =	wrdreg $0xFFFFFFFF;
	(pc) =	sbr.abs _section_cstart, $3  }
0xc1: {  	[dreg:$0x1] =	wrdreg $0xFFFFFFFF  }
0xc2: {  	_ =	task.clear_ibuf [dreg:s7], $0x2FFFF;
	_ =	strace $0x9FFFFFFF  }
0xc3: {  	(tm) =	ssettm $0x7FFFFFFF  }
tec
execute0_lowered:
.L_overlay_start_1:
0x0: {  	(tag) =	ssettag $0x1  }
0x1: {  	s0 =	rddreg [dreg:$0x0]  }
0x2: {  	s2 =	rddreg [dreg:$0x1]  }
0x3: {  	s1 =	rddreg [dreg:$0x2]  }
0x4: {  	s3 =	srdreg.scid;
	s9 =	stileid.u32  }
0x5: {  	s18 =	simm.s32 $0x2;
	s19 =	simm.s32 $0x2800;
	s20 =	simm.s32 $0x6800  }
0x6: {  	s21 =	simm.s32 $0x80;
	s22 =	simm.s32 $0x1;
	s28 =	simm.s32 $0x2600  }
0x7: {  	s29 =	simm.s32 $0x2680;
	s30 =	simm.s32 $0x2700;
	s7 =	smul.u32 $0x14000, s9  }
0x8: {  	s31 =	simm.s32 $0x0;
	s5 =	sand.u32 $0x1, s3;
	s24 =	smul.u32 $0x50000, s9  }
0x9: {  	s3 =	simm.s32 $0x0;
	s8 =	sshll.u32 s9, $0x1;
	s6 =	smul.u32 $0x140000, s5  }
0xa: {  	[smem:$0x7FF] =	sst s3;
	s23 =	sor.u32 s5, s8;
	s5 =	ssub.s32 $0x2, s5  }
0xb: {  	s4 =	sadd.s32 $0x2C00, s2;
	_ =	strace $0x80000047;
	s25 =	sshrl.u32 s5, $0x1  }
0xc: {  	s8 =	sshrl.u32 s24, $0x2;
	s6 =	sadd.s32 s7, s6;
	s7 =	smul.u32 $0x500, s23  }
0xd: {  	s26 =	ssub.s32 s5, s25;
	s25 =	simm.s32 $0x2500;
	s6 =	sshrl.u32 s6, $0x3  }
0xe: {  	s2 =	sadd.s32 s6, s2;
	s5 =	sadd.s32 s0, s7;
	s6 =	sadd.s32 s8, s1  }
0xf: {  	s8 =	smax.u32 s26, $0x1;
	s26 =	simm.s32 $0x2580;
	s7 =	sadd.s32 $0x3400, s2  }
0x10: {  	s9 =	sadd.s32 $0x2000, s6;
	s10 =	sadd.s32 $0x4000, s6;
	s11 =	sadd.s32 $0x6000, s6  }
0x11: {  	s12 =	sadd.s32 $0x8000, s6;
	s13 =	sadd.s32 $0xA000, s6;
	s14 =	sadd.s32 $0xC000, s6  }
0x12: {  	v0 =	vimm.f32 $0.0e+00;
	s15 =	sadd.s32 $0xE000, s6;
	s16 =	sadd.s32 $0x10000, s6;
	s17 =	sadd.s32 $0x12000, s6  }
.LBB2_1:
0x13: {  	[tilespmem:s3], [sflag:$0x2] =	stream.linear.gather [hbm4b:s5+s3], $0x2800, $0x38;
	[tilespmem:$0x1C800] =	vst v63  }
0x14: {  	_ =	swait.ge [sflag:s18], $0x2800  }
0x15: {  	[sflag:s18] =	ssyncset.done $0x0  }
0x16: {  	[sflag:s18] =	ssyncadd.s32 $0xFFFFD800  }
0x17: {  	[tilespmem:s19], [sflag:$0x2] =	stream.linear.gather [hbm4b:s4+s3], $0x4000, $0x38;
	[tilespmem:$0x1C800] =	vst v63  }
0x18: {  	s0 =	sand.u32 $0x7E00, s3;
	s2 =	sand.u32 $0x70, s3;
	_ =	swait.ge [sflag:s18], $0x4000  }
0x19: {  	s23 =	sshrl.u32 s0, $0x2;
	s0 =	simm.s32 $0x40;
	[sflag:s18] =	ssyncset.done $0x0  }
0x1a: {  	s23 =	sor.u32 s2, s23;
	s2 =	simm.s32 $0x0;
	[sflag:s18] =	ssyncadd.s32 $0xFFFFC000  }
.LBB2_2:
0x1b: {  	p0 =	sne.s32 s0, $0x7FC0  }
0x1c: {  	[tilespmem:s23+$0x6800] =	vst v0;
	s2 =	sadd.s32 $0x10, s2;
	s23 =	smov.u32 s0;
	s0 =	sadd.s32 $0x40, s0  }
.Ltmp0:
0x1d: {  	(pc) =	sbr.rel @p0 .LBB2_2-.Ltmp0, $4  }
0x1e: {  	_ = 	snop  }
0x1f: {  	s23 =	sand.u32 $0x7E00, s23  }
0x20: {  	s24 =	sand.u32 $0x70, s2;
	s23 =	sshrl.u32 s23, $0x2  }
0x21: {  	s23 =	sor.u32 s24, s23  }
0x22: {  	[tilespmem:s23+$0x6800] =	vst v0  }
0x23: {  	[spmem:s6] =	stream.linear.scatter [tilespmem:s20], [sflag:$0x2], $0x2000, $0x38;
	[tilespmem:$0x1C800] =	vst v63  }
0x24: {  	_ =	swait.ge [sflag:s18], $0x2000  }
0x25: {  	[sflag:s18] =	ssyncset.done $0x0  }
0x26: {  	[sflag:s18] =	ssyncadd.s32 $0xFFFFE000  }
0x27: {  	[spmem:s9] =	stream.linear.scatter [tilespmem:s20], [sflag:$0x2], $0x2000, $0x38;
	[tilespmem:$0x1C800] =	vst v63  }
0x28: {  	_ =	swait.ge [sflag:s18], $0x2000  }
0x29: {  	[sflag:s18] =	ssyncset.done $0x0  }
0x2a: {  	[sflag:s18] =	ssyncadd.s32 $0xFFFFE000  }
0x2b: {  	[spmem:s10] =	stream.linear.scatter [tilespmem:s20], [sflag:$0x2], $0x2000, $0x38;
	[tilespmem:$0x1C800] =	vst v63  }
0x2c: {  	_ =	swait.ge [sflag:s18], $0x2000  }
0x2d: {  	[sflag:s18] =	ssyncset.done $0x0  }
0x2e: {  	[sflag:s18] =	ssyncadd.s32 $0xFFFFE000  }
0x2f: {  	[spmem:s11] =	stream.linear.scatter [tilespmem:s20], [sflag:$0x2], $0x2000, $0x38;
	[tilespmem:$0x1C800] =	vst v63  }
0x30: {  	_ =	swait.ge [sflag:s18], $0x2000  }
0x31: {  	[sflag:s18] =	ssyncset.done $0x0  }
0x32: {  	[sflag:s18] =	ssyncadd.s32 $0xFFFFE000  }
0x33: {  	[spmem:s12] =	stream.linear.scatter [tilespmem:s20], [sflag:$0x2], $0x2000, $0x38;
	[tilespmem:$0x1C800] =	vst v63  }
0x34: {  	_ =	swait.ge [sflag:s18], $0x2000  }
0x35: {  	[sflag:s18] =	ssyncset.done $0x0  }
0x36: {  	[sflag:s18] =	ssyncadd.s32 $0xFFFFE000  }
0x37: {  	[spmem:s13] =	stream.linear.scatter [tilespmem:s20], [sflag:$0x2], $0x2000, $0x38;
	[tilespmem:$0x1C800] =	vst v63  }
0x38: {  	_ =	swait.ge [sflag:s18], $0x2000  }
0x39: {  	[sflag:s18] =	ssyncset.done $0x0  }
0x3a: {  	[sflag:s18] =	ssyncadd.s32 $0xFFFFE000  }
0x3b: {  	[spmem:s14] =	stream.linear.scatter [tilespmem:s20], [sflag:$0x2], $0x2000, $0x38;
	[tilespmem:$0x1C800] =	vst v63  }
0x3c: {  	_ =	swait.ge [sflag:s18], $0x2000  }
0x3d: {  	[sflag:s18] =	ssyncset.done $0x0  }
0x3e: {  	[sflag:s18] =	ssyncadd.s32 $0xFFFFE000  }
0x3f: {  	[spmem:s15] =	stream.linear.scatter [tilespmem:s20], [sflag:$0x2], $0x2000, $0x38;
	[tilespmem:$0x1C800] =	vst v63  }
0x40: {  	_ =	swait.ge [sflag:s18], $0x2000  }
0x41: {  	[sflag:s18] =	ssyncset.done $0x0  }
0x42: {  	[sflag:s18] =	ssyncadd.s32 $0xFFFFE000  }
0x43: {  	[spmem:s16] =	stream.linear.scatter [tilespmem:s20], [sflag:$0x2], $0x2000, $0x38;
	[tilespmem:$0x1C800] =	vst v63  }
0x44: {  	_ =	swait.ge [sflag:s18], $0x2000  }
0x45: {  	[sflag:s18] =	ssyncset.done $0x0  }
0x46: {  	[sflag:s18] =	ssyncadd.s32 $0xFFFFE000  }
0x47: {  	[spmem:s17] =	stream.linear.scatter [tilespmem:s20], [sflag:$0x2], $0x2000, $0x38;
	[tilespmem:$0x1C800] =	vst v63  }
0x48: {  	_ =	swait.ge [sflag:s18], $0x2000  }
0x49: {  	[sflag:s18] =	ssyncset.done $0x0  }
0x4a: {  	[sflag:s18] =	ssyncadd.s32 $0xFFFFE000  }
0x4b: {  	s0 =	simm.s32 $0x0;
	[bflag:$0x0] =	sbarrier.arrive $0xFFFF  }
0x4c: {  	[spmem:s1] =	stream.indirect.scatter.add.f32 [tilespmem:s19], [sflag:$0x1], $0x80, s0, s21, $0xb8;
	[tilespmem:$0x1C800] =	vst v63  }
0x4d: {  	s24 =	simm.s32 $0x80  }
0x4e: {  	[spmem:s1] =	stream.indirect.scatter.add.f32 [tilespmem:s19], [sflag:$0x1], $0x80, s24, s21, $0xb8;
	[tilespmem:$0x1C800] =	vst v63  }
0x4f: {  	s2 =	simm.s32 $0x100  }
0x50: {  	[spmem:s1] =	stream.indirect.scatter.add.f32 [tilespmem:s19], [sflag:$0x1], $0x80, s2, s21, $0xb8;
	[tilespmem:$0x1C800] =	vst v63  }
0x51: {  	s23 =	simm.s32 $0x180  }
0x52: {  	[spmem:s1] =	stream.indirect.scatter.add.f32 [tilespmem:s19], [sflag:$0x1], $0x80, s23, s21, $0xb8;
	[tilespmem:$0x1C800] =	vst v63  }
0x53: {  	s24 =	simm.s32 $0x200  }
0x54: {  	[spmem:s1] =	stream.indirect.scatter.add.f32 [tilespmem:s19], [sflag:$0x1], $0x80, s24, s21, $0xb8;
	[tilespmem:$0x1C800] =	vst v63  }
0x55: {  	s2 =	simm.s32 $0x280  }
0x56: {  	[spmem:s1] =	stream.indirect.scatter.add.f32 [tilespmem:s19], [sflag:$0x1], $0x80, s2, s21, $0xb8;
	[tilespmem:$0x1C800] =	vst v63  }
0x57: {  	s23 =	simm.s32 $0x300  }
0x58: {  	[spmem:s1] =	stream.indirect.scatter.add.f32 [tilespmem:s19], [sflag:$0x1], $0x80, s23, s21, $0xb8;
	[tilespmem:$0x1C800] =	vst v63  }
0x59: {  	s24 =	simm.s32 $0x380  }
0x5a: {  	[spmem:s1] =	stream.indirect.scatter.add.f32 [tilespmem:s19], [sflag:$0x1], $0x80, s24, s21, $0xb8;
	[tilespmem:$0x1C800] =	vst v63  }
0x5b: {  	_ =	swait.ge [sflag:s22], $0x4000  }
0x5c: {  	[sflag:s22] =	ssyncset.done $0x0  }
0x5d: {  	[sflag:s22] =	ssyncadd.s32 $0xFFFFC000  }
0x5e: {  	_ =	swait.ge [sflag:s22], $0x4000  }
0x5f: {  	[sflag:s22] =	ssyncset.done $0x0  }
0x60: {  	[sflag:s22] =	ssyncadd.s32 $0xFFFFC000  }
0x61: {  	_ =	swait.ge [sflag:s22], $0x4000  }
0x62: {  	[sflag:s22] =	ssyncset.done $0x0  }
0x63: {  	[sflag:s22] =	ssyncadd.s32 $0xFFFFC000  }
0x64: {  	_ =	swait.ge [sflag:s22], $0x4000  }
0x65: {  	[sflag:s22] =	ssyncset.done $0x0  }
0x66: {  	[sflag:s22] =	ssyncadd.s32 $0xFFFFC000  }
0x67: {  	_ =	swait.ge [sflag:s22], $0x4000  }
0x68: {  	[sflag:s22] =	ssyncset.done $0x0  }
0x69: {  	[sflag:s22] =	ssyncadd.s32 $0xFFFFC000  }
0x6a: {  	_ =	swait.ge [sflag:s22], $0x4000  }
0x6b: {  	[sflag:s22] =	ssyncset.done $0x0  }
0x6c: {  	[sflag:s22] =	ssyncadd.s32 $0xFFFFC000  }
0x6d: {  	_ =	swait.ge [sflag:s22], $0x4000  }
0x6e: {  	[sflag:s22] =	ssyncset.done $0x0  }
0x6f: {  	[sflag:s22] =	ssyncadd.s32 $0xFFFFC000  }
0x70: {  	_ =	swait.ge [sflag:s22], $0x4000  }
0x71: {  	s0 =	simm.s32 $0x1000;
	s2 =	simm.s32 $0x2000;
	[sflag:s22] =	ssyncset.done $0x0  }
.LBB2_4:
0x72: {  	s24 =	sshra.s32 s0, $0x2  }
0x73: {  	[sflag:s22] =	ssyncadd.s32 $0xFFFFC000;
	s0 =	smov.u32 s2;
	s23 =	sadd.s32 $0x1000, s2  }
0x74: {  	[spmem:s1] =	stream.indirect.scatter.add.f32 [tilespmem:s19], [sflag:$0x1], $0x80, s24, s21, $0xb8;
	[tilespmem:$0x1C800] =	vst v63  }
0x75: {  	p0 =	sne.s32 s2, $0x8000;
	s2 =	sadd.s32 $0x80, s24  }
0x76: {  	[spmem:s1] =	stream.indirect.scatter.add.f32 [tilespmem:s19], [sflag:$0x1], $0x80, s2, s21, $0xb8;
	[tilespmem:$0x1C800] =	vst v63  }
0x77: {  	s2 =	sadd.s32 $0x100, s24  }
0x78: {  	[spmem:s1] =	stream.indirect.scatter.add.f32 [tilespmem:s19], [sflag:$0x1], $0x80, s2, s21, $0xb8;
	[tilespmem:$0x1C800] =	vst v63  }
0x79: {  	s2 =	sadd.s32 $0x180, s24  }
0x7a: {  	[spmem:s1] =	stream.indirect.scatter.add.f32 [tilespmem:s19], [sflag:$0x1], $0x80, s2, s21, $0xb8;
	[tilespmem:$0x1C800] =	vst v63  }
0x7b: {  	s2 =	sadd.s32 $0x200, s24  }
0x7c: {  	[spmem:s1] =	stream.indirect.scatter.add.f32 [tilespmem:s19], [sflag:$0x1], $0x80, s2, s21, $0xb8;
	[tilespmem:$0x1C800] =	vst v63  }
0x7d: {  	s2 =	sadd.s32 $0x280, s24  }
0x7e: {  	[spmem:s1] =	stream.indirect.scatter.add.f32 [tilespmem:s19], [sflag:$0x1], $0x80, s2, s21, $0xb8;
	[tilespmem:$0x1C800] =	vst v63  }
0x7f: {  	s2 =	sadd.s32 $0x300, s24  }
0x80: {  	[spmem:s1] =	stream.indirect.scatter.add.f32 [tilespmem:s19], [sflag:$0x1], $0x80, s2, s21, $0xb8;
	[tilespmem:$0x1C800] =	vst v63  }
0x81: {  	s2 =	sadd.s32 $0x380, s24  }
0x82: {  	[spmem:s1] =	stream.indirect.scatter.add.f32 [tilespmem:s19], [sflag:$0x1], $0x80, s2, s21, $0xb8;
	[tilespmem:$0x1C800] =	vst v63  }
0x83: {  	_ =	swait.ge [sflag:s22], $0x4000  }
0x84: {  	[sflag:s22] =	ssyncset.done $0x0  }
0x85: {  	[sflag:s22] =	ssyncadd.s32 $0xFFFFC000  }
0x86: {  	_ =	swait.ge [sflag:s22], $0x4000  }
0x87: {  	[sflag:s22] =	ssyncset.done $0x0  }
0x88: {  	[sflag:s22] =	ssyncadd.s32 $0xFFFFC000  }
0x89: {  	_ =	swait.ge [sflag:s22], $0x4000  }
0x8a: {  	[sflag:s22] =	ssyncset.done $0x0  }
0x8b: {  	[sflag:s22] =	ssyncadd.s32 $0xFFFFC000  }
0x8c: {  	_ =	swait.ge [sflag:s22], $0x4000  }
0x8d: {  	[sflag:s22] =	ssyncset.done $0x0  }
0x8e: {  	[sflag:s22] =	ssyncadd.s32 $0xFFFFC000  }
0x8f: {  	_ =	swait.ge [sflag:s22], $0x4000  }
0x90: {  	[sflag:s22] =	ssyncset.done $0x0  }
0x91: {  	[sflag:s22] =	ssyncadd.s32 $0xFFFFC000  }
0x92: {  	_ =	swait.ge [sflag:s22], $0x4000  }
0x93: {  	[sflag:s22] =	ssyncset.done $0x0  }
0x94: {  	[sflag:s22] =	ssyncadd.s32 $0xFFFFC000  }
.Ltmp1:
0x95: {  	_ =	swait.ge [sflag:s22], $0x4000;
	(pc) =	sbr.rel @p0 .LBB2_4-.Ltmp1, $4  }
0x96: {  	[sflag:s22] =	ssyncset.done $0x0  }
0x97: {  	[sflag:s22] =	ssyncadd.s32 $0xFFFFC000  }
0x98: {  	_ =	swait.ge [sflag:s22], $0x4000  }
0x99: {  	s2 =	smov.u32 s23;
	[sflag:s22] =	ssyncset.done $0x0  }
0x9a: {  	s0 =	sshra.s32 s0, $0x2;
	[sflag:s22] =	ssyncadd.s32 $0xFFFFC000  }
0x9b: {  	[spmem:s1] =	stream.indirect.scatter.add.f32 [tilespmem:s19], [sflag:$0x1], $0x80, s0, s21, $0xb8;
	[tilespmem:$0x1C800] =	vst v63  }
0x9c: {  	s2 =	sadd.s32 $0x80, s0  }
0x9d: {  	[spmem:s1] =	stream.indirect.scatter.add.f32 [tilespmem:s19], [sflag:$0x1], $0x80, s2, s21, $0xb8;
	[tilespmem:$0x1C800] =	vst v63  }
0x9e: {  	s23 =	sadd.s32 $0x100, s0  }
0x9f: {  	[spmem:s1] =	stream.indirect.scatter.add.f32 [tilespmem:s19], [sflag:$0x1], $0x80, s23, s21, $0xb8;
	[tilespmem:$0x1C800] =	vst v63  }
0xa0: {  	s24 =	sadd.s32 $0x180, s0  }
0xa1: {  	[spmem:s1] =	stream.indirect.scatter.add.f32 [tilespmem:s19], [sflag:$0x1], $0x80, s24, s21, $0xb8;
	[tilespmem:$0x1C800] =	vst v63  }
0xa2: {  	s23 =	sadd.s32 $0x200, s0  }
0xa3: {  	[spmem:s1] =	stream.indirect.scatter.add.f32 [tilespmem:s19], [sflag:$0x1], $0x80, s23, s21, $0xb8;
	[tilespmem:$0x1C800] =	vst v63  }
0xa4: {  	s24 =	sadd.s32 $0x280, s0  }
0xa5: {  	[spmem:s1] =	stream.indirect.scatter.add.f32 [tilespmem:s19], [sflag:$0x1], $0x80, s24, s21, $0xb8;
	[tilespmem:$0x1C800] =	vst v63  }
0xa6: {  	s23 =	sadd.s32 $0x300, s0  }
0xa7: {  	[spmem:s1] =	stream.indirect.scatter.add.f32 [tilespmem:s19], [sflag:$0x1], $0x80, s23, s21, $0xb8;
	[tilespmem:$0x1C800] =	vst v63  }
0xa8: {  	s0 =	sadd.s32 $0x380, s0  }
0xa9: {  	[spmem:s1] =	stream.indirect.scatter.add.f32 [tilespmem:s19], [sflag:$0x1], $0x80, s0, s21, $0xb8;
	[tilespmem:$0x1C800] =	vst v63  }
0xaa: {  	_ =	swait.ge [sflag:s22], $0x4000  }
0xab: {  	[sflag:s22] =	ssyncset.done $0x0  }
0xac: {  	[sflag:s22] =	ssyncadd.s32 $0xFFFFC000  }
0xad: {  	_ =	swait.ge [sflag:s22], $0x4000  }
0xae: {  	[sflag:s22] =	ssyncset.done $0x0  }
0xaf: {  	[sflag:s22] =	ssyncadd.s32 $0xFFFFC000  }
0xb0: {  	_ =	swait.ge [sflag:s22], $0x4000  }
0xb1: {  	[sflag:s22] =	ssyncset.done $0x0  }
0xb2: {  	[sflag:s22] =	ssyncadd.s32 $0xFFFFC000  }
0xb3: {  	_ =	swait.ge [sflag:s22], $0x4000  }
0xb4: {  	[sflag:s22] =	ssyncset.done $0x0  }
0xb5: {  	[sflag:s22] =	ssyncadd.s32 $0xFFFFC000  }
0xb6: {  	_ =	swait.ge [sflag:s22], $0x4000  }
0xb7: {  	[sflag:s22] =	ssyncset.done $0x0  }
0xb8: {  	[sflag:s22] =	ssyncadd.s32 $0xFFFFC000  }
0xb9: {  	_ =	swait.ge [sflag:s22], $0x4000  }
0xba: {  	[sflag:s22] =	ssyncset.done $0x0  }
0xbb: {  	[sflag:s22] =	ssyncadd.s32 $0xFFFFC000  }
0xbc: {  	_ =	swait.ge [sflag:s22], $0x4000  }
0xbd: {  	[sflag:s22] =	ssyncset.done $0x0  }
0xbe: {  	[sflag:s22] =	ssyncadd.s32 $0xFFFFC000  }
0xbf: {  	_ =	swait.ge [sflag:s22], $0x4000  }
0xc0: {  	[sflag:s22] =	ssyncset.done $0x0  }
0xc1: {  	s24 =	simm.s32 $0x2400;
	[sflag:s22] =	ssyncadd.s32 $0xFFFFC000  }
0xc2: {  	[spmem:s1] =	stream.indirect.scatter.add.f32 [tilespmem:s19], [sflag:$0x1], $0x80, s24, s21, $0xb8;
	[tilespmem:$0x1C800] =	vst v63  }
0xc3: {  	s2 =	simm.s32 $0x2480  }
0xc4: {  	[spmem:s1] =	stream.indirect.scatter.add.f32 [tilespmem:s19], [sflag:$0x1], $0x80, s2, s21, $0xb8;
	[tilespmem:$0x1C800] =	vst v63  }
0xc5: {  	_ = 	snop  }
0xc6: {  	[spmem:s1] =	stream.indirect.scatter.add.f32 [tilespmem:s19], [sflag:$0x1], $0x80, s25, s21, $0xb8;
	[tilespmem:$0x1C800] =	vst v63  }
0xc7: {  	_ = 	snop  }
0xc8: {  	[spmem:s1] =	stream.indirect.scatter.add.f32 [tilespmem:s19], [sflag:$0x1], $0x80, s26, s21, $0xb8;
	[tilespmem:$0x1C800] =	vst v63  }
0xc9: {  	_ = 	snop  }
0xca: {  	[spmem:s1] =	stream.indirect.scatter.add.f32 [tilespmem:s19], [sflag:$0x1], $0x80, s28, s21, $0xb8;
	[tilespmem:$0x1C800] =	vst v63  }
0xcb: {  	_ = 	snop  }
0xcc: {  	[spmem:s1] =	stream.indirect.scatter.add.f32 [tilespmem:s19], [sflag:$0x1], $0x80, s29, s21, $0xb8;
	[tilespmem:$0x1C800] =	vst v63  }
0xcd: {  	_ = 	snop  }
0xce: {  	[spmem:s1] =	stream.indirect.scatter.add.f32 [tilespmem:s19], [sflag:$0x1], $0x80, s30, s21, $0xb8;
	[tilespmem:$0x1C800] =	vst v63  }
0xcf: {  	_ =	swait.ge [sflag:s22], $0x4000  }
0xd0: {  	[sflag:s22] =	ssyncset.done $0x0  }
0xd1: {  	[sflag:s22] =	ssyncadd.s32 $0xFFFFC000  }
0xd2: {  	_ =	swait.ge [sflag:s22], $0x4000  }
0xd3: {  	[sflag:s22] =	ssyncset.done $0x0  }
0xd4: {  	[sflag:s22] =	ssyncadd.s32 $0xFFFFC000  }
0xd5: {  	_ =	swait.ge [sflag:s22], $0x4000  }
0xd6: {  	[sflag:s22] =	ssyncset.done $0x0  }
0xd7: {  	[sflag:s22] =	ssyncadd.s32 $0xFFFFC000  }
0xd8: {  	_ =	swait.ge [sflag:s22], $0x4000  }
0xd9: {  	[sflag:s22] =	ssyncset.done $0x0  }
0xda: {  	[sflag:s22] =	ssyncadd.s32 $0xFFFFC000  }
0xdb: {  	_ =	swait.ge [sflag:s22], $0x4000  }
0xdc: {  	[sflag:s22] =	ssyncset.done $0x0  }
0xdd: {  	[sflag:s22] =	ssyncadd.s32 $0xFFFFC000  }
0xde: {  	_ =	swait.ge [sflag:s22], $0x4000  }
0xdf: {  	[sflag:s22] =	ssyncset.done $0x0  }
0xe0: {  	[sflag:s22] =	ssyncadd.s32 $0xFFFFC000  }
0xe1: {  	s23 =	stileid.u32;
	_ =	swait.ge [sflag:s22], $0x4000  }
0xe2: {  	s31 =	sadd.s32 $0x1, s31;
	s0 =	sshll.u32 s23, $0x6;
	[sflag:s22] =	ssyncset.done $0x0  }
0xe3: {  	p0 =	sne.s32 s31, s8;
	s0 =	sor.u32 $0x1C02, s0;
	[sflag:s22] =	ssyncadd.s32 $0xFFFFC000  }
.Ltmp2:
0xe4: {  	s24 =	sshrl.u32 s6, $0x3;
	[bflag:$0x0] =	sbarrier.arrive $0xFFFF;
	(pc) =	sbr.rel @p0 .LBB2_1-.Ltmp2, $4  }
0xe5: {  	[hbm:s7], [sflag:s0] =	dma.local [spmem:s24], $0x2800  }
0xe6: {  	_ =	swait.ge [sflag:s18], $0x2800  }
0xe7: {  	[sflag:s18] =	ssyncset.done $0x0  }
0xe8: {  	[sflag:s18] =	ssyncadd.s32 $0xFFFFD800  }
0xe9: {  	_ =	sfence.sel $0x180000  }
0xea: {  	[bflag:$0x0] =	sbarrier.arrive $0xFFFF  }
0xeb: {  	_ =	strace $0x90000047  }
0xec: {  	s0 =	stileid.u32;
	[bflag:$0x2] =	sbarrier.arrive $0xFFFF  }
0xed: {  	p0 =	sne.s32 s0, $0x0;
	s0 =	rddreg [dreg:$0x3]  }
0xee: {  	s0 =	sadd.s32 @!p0 $0x100000, s0  }
0xef: {  	[sflag:s0] =	ssyncadd.tile.s32 @!p0 $0x1;
	_ =	shalt  }
.Lfunc_end2:
_tile_overlayer_lowered:
.L_overlay_start_2:
0xf0: {  	(tag) =	ssettag $0x2  }
0xf1: {  	s0 =	rddreg [dreg:$0x0];
	s2 =	stileid.u32  }
0xf2: {  	s1 =	rddreg [dreg:$0x1];
	p0 =	sne.s32 s2, $0x0  }
0xf3: {  	s3 =	rddreg [dreg:$0x2];
	[bflag:$0x3] =	sbarrier.arrive $0xFFFF;
	s2 =	simm.s32 @!p0 $0x1C02  }
0xf4: {  	[timem:s3], [sflag:s2] =	dma.local @!p0 [hbm:s0], s1  }
0xf5: {  	s0 =	simm.s32 @!p0 $0x2  }
0xf6: {  	_ =	swait.ge @!p0 [sflag:s0], s1  }
0xf7: {  	s1 =	ssub.s32 @!p0 $0x0, s1;
	[sflag:s0] =	ssyncset.done @!p0 $0x0  }
0xf8: {  	[sflag:s0] =	ssyncadd.s32 @!p0 s1  }
0xf9: {  	[bflag:$0x3] =	sbarrier.arrive $0xFFFF  }
0xfa: {  	_ =	shalt  }

</sc_bundles>
